<compile_context>
chip_gen: v7x
topology: tpu7x:2x2x1
jax: 0.10.2.dev20260603
libtpu: 0.0.44.dev20260713+nightly
codegen_flags: <defaults>
</compile_context>

<pallas_src>
import functools

import jax
import jax.numpy as jnp
from jax import lax
from jax.experimental import pallas as pl
from jax.experimental.pallas import tpu as pltpu
from jax.experimental.pallas import tpu_sc as plsc

N = 10000
E = 320000
D = 128

NC = 2
NS = 16
NW = NC * NS

NPAD = 10112
RPT = NPAD // NS
CH = 64
CPT = 160
E_PT = CPT * CH
EPAD = NW * E_PT
NSLOT = 4
NPH = 4

_MESH = plsc.VectorSubcoreMesh(core_axis_name="c", subcore_axis_name="s")


NHIST = 10240
CPW = NHIST // NS
E_DEG = 9984
E_LAST = E - 31 * E_DEG


@functools.partial(
    pl.kernel,
    out_type=jax.ShapeDtypeStruct((NC * NHIST,), jnp.float32),
    mesh=_MESH,
    compiler_params=pltpu.CompilerParams(needs_layout_passes=False),
    scratch_types=[
        pltpu.VMEM((2, E_LAST), jnp.int32),
        pltpu.VMEM((NHIST,), jnp.float32),
        pltpu.VMEM((NS * CPW,), jnp.float32),
        pltpu.VMEM((CPW,), jnp.float32),
        pltpu.VMEM_SHARED((NS * NHIST,), jnp.float32),
        pltpu.SemaphoreType.DMA,
    ],
)
def _sc_degree(ei_hbm, hist_out, idx_v, hist_v, cols_v, acc_v, hist_sh, dsem):
    c = lax.axis_index("c")
    s = lax.axis_index("s")
    wid = c * NS + s
    last = wid == NW - 1

    @pl.when(jnp.logical_not(last))
    def _():
        pltpu.async_copy(
            ei_hbm.at[:, pl.ds(wid * E_DEG, E_DEG)],
            idx_v.at[:, pl.ds(0, E_DEG)],
            dsem,
        )

    @pl.when(last)
    def _():
        pltpu.async_copy(
            ei_hbm.at[:, pl.ds((NW - 1) * E_DEG, E_LAST)], idx_v, dsem
        )

    zeros16 = jnp.zeros((16,), jnp.float32)

    def _zero(i, carry):
        hist_v[pl.ds(i * 16, 16)] = zeros16
        return carry

    lax.fori_loop(0, NHIST // 16, _zero, 0)

    @pl.when(jnp.logical_not(last))
    def _():
        pltpu.make_async_copy(
            ei_hbm.at[:, pl.ds(wid * E_DEG, E_DEG)],
            idx_v.at[:, pl.ds(0, E_DEG)],
            dsem,
        ).wait()

    @pl.when(last)
    def _():
        pltpu.make_async_copy(
            ei_hbm.at[:, pl.ds((NW - 1) * E_DEG, E_LAST)], idx_v, dsem
        ).wait()

    ones16 = jnp.ones((16,), jnp.float32)

    def _count(j, carry):
        ix = idx_v[0, pl.ds(j * 16, 16)]
        plsc.addupdate_scatter(hist_v, [ix], ones16)
        return carry

    nj = jnp.where(last, E_LAST // 16, E_DEG // 16)
    lax.fori_loop(0, nj, _count, 0)

    pltpu.sync_copy(hist_v, hist_sh.at[pl.ds(s * NHIST, NHIST)])
    plsc.subcore_barrier()
    for k in range(NS):
        pltpu.sync_copy(
            hist_sh.at[pl.ds(k * NHIST + s * CPW, CPW)],
            cols_v.at[pl.ds(k * CPW, CPW)],
        )

    def _sum(j, carry):
        val = cols_v[pl.ds(j * 16, 16)]
        for k in range(1, NS):
            val = val + cols_v[pl.ds(k * CPW + j * 16, 16)]
        acc_v[pl.ds(j * 16, 16)] = val
        return carry

    lax.fori_loop(0, CPW // 16, _sum, 0)
    pltpu.sync_copy(acc_v, hist_out.at[pl.ds(c * NHIST + s * CPW, CPW)])


def _prescale_body(x_ref, w_ref, hist_ref, hs_ref):
    i = pl.program_id(0)
    row = i * _PRE_BLK + lax.broadcasted_iota(jnp.int32, (_PRE_BLK, 1), 0)
    h0 = hist_ref[pl.ds(i * _PRE_BLK, _PRE_BLK)]
    h1 = hist_ref[pl.ds(NHIST + i * _PRE_BLK, _PRE_BLK)]
    deg = jnp.reshape(h0 + h1 + 1.0, (_PRE_BLK, 1))
    nrm = lax.rsqrt(deg)
    h = jnp.dot(x_ref[...], w_ref[...], preferred_element_type=jnp.float32)
    hs_ref[...] = jnp.where(row < N, h * nrm, 0.0)


_PRE_BLK = 1280


def _prescale(x, w, hist):
    return pl.pallas_call(
        _prescale_body,
        grid=(NHIST // _PRE_BLK,),
        in_specs=[
            pl.BlockSpec((_PRE_BLK, D), lambda i: (i, 0)),
            pl.BlockSpec((D, D), lambda i: (0, 0)),
            pl.BlockSpec((NC * NHIST,), lambda i: (0,)),
        ],
        out_specs=pl.BlockSpec((_PRE_BLK, D), lambda i: (i, 0)),
        out_shape=jax.ShapeDtypeStruct((NHIST, D), jnp.float32),
    )(x, w, hist)


@functools.partial(
    pl.kernel,
    out_type=jax.ShapeDtypeStruct((NC, NPAD, D), jnp.float32),
    mesh=_MESH,
    compiler_params=pltpu.CompilerParams(needs_layout_passes=False),
    scratch_types=[
        pltpu.VMEM((CPT // NPH, CH), jnp.int32),
        pltpu.VMEM((CPT // NPH, CH), jnp.int32),
        [pltpu.VMEM((CH, D), jnp.float32)] * NSLOT,
        pltpu.VMEM_SHARED((NPAD, D), jnp.float32),
        [pltpu.SemaphoreType.DMA] * NSLOT,
        [pltpu.SemaphoreType.DMA] * NSLOT,
        pltpu.SemaphoreType.DMA,
    ],
)
def _sc_aggregate(
    hs_hbm, edges_hbm, out_hbm, sidx, didx, rows, agg_sh, gsems, ssems, seedsem
):
    c = lax.axis_index("c")
    s = lax.axis_index("s")
    wid = c * NS + s
    base = s * RPT

    @pl.when(c == 0)
    def _():
        pltpu.async_copy(
            hs_hbm.at[pl.ds(base, RPT)], agg_sh.at[pl.ds(base, RPT)], seedsem
        )

    @pl.when(c != 0)
    def _():
        for k in range(5):
            pltpu.async_copy(
                hs_hbm.at[pl.ds(N, 112)],
                agg_sh.at[pl.ds(base + k * 112, 112)],
                seedsem,
            )
        pltpu.async_copy(
            hs_hbm.at[pl.ds(N, 72)], agg_sh.at[pl.ds(base + 560, 72)], seedsem
        )

    CPP = CPT // NPH
    for p in range(NPH):
        pltpu.sync_copy(edges_hbm.at[0, pl.ds(wid * CPT + p * CPP, CPP)], sidx)
        pltpu.sync_copy(edges_hbm.at[1, pl.ds(wid * CPT + p * CPP, CPP)], didx)

        for t in range(NSLOT):
            pltpu.async_copy(hs_hbm.at[sidx.at[t]], rows[t], gsems[t])

        if p == 0:
            @pl.when(c == 0)
            def _():
                pltpu.make_async_copy(
                    hs_hbm.at[pl.ds(base, RPT)],
                    agg_sh.at[pl.ds(base, RPT)],
                    seedsem,
                ).wait()

            @pl.when(c != 0)
            def _():
                for k in range(5):
                    pltpu.make_async_copy(
                        hs_hbm.at[pl.ds(N, 112)],
                        agg_sh.at[pl.ds(base + k * 112, 112)],
                        seedsem,
                    ).wait()
                pltpu.make_async_copy(
                    hs_hbm.at[pl.ds(N, 72)],
                    agg_sh.at[pl.ds(base + 560, 72)],
                    seedsem,
                ).wait()

            plsc.subcore_barrier()

        def _group(i, carry):
            for t in range(NSLOT):
                j = i * NSLOT + t
                pltpu.make_async_copy(
                    hs_hbm.at[sidx.at[j]], rows[t], gsems[t]
                ).wait()
                pltpu.async_copy(rows[t], agg_sh.at[didx.at[j]], ssems[t], add=True)

                @pl.when(i < CPP // NSLOT - 1)
                def _():
                    pltpu.make_async_copy(
                        rows[t], agg_sh.at[didx.at[j]], ssems[t]
                    ).wait()
                    pltpu.async_copy(
                        hs_hbm.at[sidx.at[j + NSLOT]], rows[t], gsems[t]
                    )

            return carry

        lax.fori_loop(0, CPP // NSLOT, _group, 0)

        for t in range(NSLOT):
            pltpu.make_async_copy(
                rows[t], agg_sh.at[didx.at[CPP - NSLOT + t]], ssems[t]
            ).wait()

    plsc.subcore_barrier()
    pltpu.sync_copy(
        agg_sh.at[pl.ds(base, RPT)], out_hbm.at[c, pl.ds(base, RPT)]
    )


def _final_body(a_ref, b_ref, out_ref):
    r = a_ref[0] + b_ref[0]
    ss = jnp.sum(r * r, axis=1, keepdims=True)
    denom = jnp.maximum(jnp.sqrt(ss), 1e-12)
    out_ref[...] = jnp.tanh(r / denom)


_FIN_BLK = 2000


def _final(partials):
    return pl.pallas_call(
        _final_body,
        grid=(N // _FIN_BLK,),
        in_specs=[
            pl.BlockSpec((1, _FIN_BLK, D), lambda i: (0, i, 0)),
            pl.BlockSpec((1, _FIN_BLK, D), lambda i: (1, i, 0)),
        ],
        out_specs=pl.BlockSpec((_FIN_BLK, D), lambda i: (i, 0)),
        out_shape=jax.ShapeDtypeStruct((N, D), jnp.float32),
    )(partials, partials)


@jax.jit
def kernel(x, edge_index, W):
    npe = EPAD - E
    pad_src = N + jnp.arange(npe, dtype=jnp.int32) % (NPAD - N)
    pad_dst = jnp.arange(npe, dtype=jnp.int32) % N
    pad2 = jnp.stack([pad_src, pad_dst]).reshape(2, npe // CH, CH)
    edges_p = jnp.concatenate(
        [edge_index.reshape(2, E // CH, CH), pad2], axis=1
    )

    hist = _sc_degree(edge_index)
    hs = _prescale(x, W, hist)
    partials = _sc_aggregate(hs, edges_p)
    return _final(partials)

# --- scband reference (transcript-rebuilt; emitter-appended) ---
"""Pipeline reference for scband-gcnconv-52140902974209 (READ-ONLY COPY).

The authoritative reference and input builder live on the scoring server;
editing this copy changes nothing except your own understanding.
"""

import jax, jax.numpy as jnp
import numpy as np

N_NODES = 10000
N_EDGES = 320000
D_IN = 128
D_OUT = 128


def setup_inputs(seed: int = 0) -> dict:
    key = jax.random.key(seed)
    k1, k2, k3 = jax.random.split(key, 3)
    x = jax.random.normal(k1, (N_NODES, D_IN), dtype=jnp.float32)
    edge_index = jax.random.randint(k2, (2, N_EDGES), 0, N_NODES, dtype=jnp.int32)
    # learned parameter: self.weight = nn.Parameter(torch.randn(in_channel, out_channel))
    W = jax.random.normal(k3, (D_IN, D_OUT), dtype=jnp.float32)
    return {"x": x, "edge_index": edge_index, "W": W}


def reference(x, edge_index, W):
    N = x.shape[0]
    src = edge_index[0]
    dst = edge_index[1]
    # DGL add_self_loop: append (i, i) edges for every node
    loop = jnp.arange(N, dtype=src.dtype)
    src_all = jnp.concatenate([src, loop])
    dst_all = jnp.concatenate([dst, loop])
    # h = x @ W
    h = jnp.matmul(x, W)
    # out_degrees (with self loops), norm = deg^{-0.5}, inf -> 0
    deg = jnp.bincount(src_all, length=N).astype(jnp.float32)
    norm = jnp.where(deg > 0, jnp.power(deg, -0.5), 0.0)
    # message: msg = h[src] * norm[src]
    msg = jnp.take(h, src_all, axis=0) * jnp.take(norm, src_all)[:, None]
    # reduce: sum over incoming messages at dst, then scale by norm[dst]
    accum = jax.ops.segment_sum(msg, dst_all, num_segments=N) * norm[:, None]
    # F.normalize(h, p=2, dim=1) with eps=1e-12, then tanh
    denom = jnp.maximum(jnp.linalg.norm(accum, ord=2, axis=1, keepdims=True), 1e-12)
    out = jnp.tanh(accum / denom)
    return out

if __name__ == "__main__":
    import jax
    _d = setup_inputs()
    print(jax.jit(kernel)(*tuple(_d.values())))

</pallas_src>

<mosaic_0001>
#map = affine_map<(d0, d1) -> (0, 0)>
#map1 = affine_map<(d0, d1) -> (0)>
module attributes {stable_mosaic.version = 14 : i64} {
  func.func @_sc_degree(%arg0: i32, %arg1: i32, %arg2: memref<2x320000xi32, #tpu.memory_space<hbm>>, %arg3: memref<20480xf32, #tpu.memory_space<hbm>>, %arg4: memref<2x10496xi32, #tpu.memory_space<vmem>>, %arg5: memref<10240xf32, #tpu.memory_space<vmem>>, %arg6: memref<10240xf32, #tpu.memory_space<vmem>>, %arg7: memref<640xf32, #tpu.memory_space<vmem>>, %arg8: memref<163840xf32, #tpu.memory_space<vmem_shared>>, %arg9: memref<!tpu.dma_semaphore, #tpu.memory_space<semaphore_mem>>) attributes {dimension_semantics = [#tpu.dimension_semantics<core_parallel>, #tpu.dimension_semantics<subcore_parallel>], iteration_bounds = array<i64: 2, 16>, scalar_prefetch = 0 : i64, scratch_operands = 6 : i64, tpu.core_type = #tpu.core_type<sc_vector_subcore>, window_params = [{transform_indices = #map}, {transform_indices = #map1}]} {
    %mul3A = arith.constant 16 : i32
    %mul3A_0 = arith.muli %arg0, %mul3A : i32
    %add3A = arith.addi %mul3A_0, %arg1 : i32
    %eq3A = arith.constant 31 : i32
    %eq3A_1 = arith.cmpi eq, %add3A, %eq3A : i32
    %not3A = arith.constant true
    %not3A_2 = arith.xori %eq3A_1, %not3A : i1
    %convert_element_type3A = arith.extui %not3A_2 : i1 to i32
    %cond3A = arith.constant 0 : i32
    %cond3A_3 = arith.cmpi ne, %convert_element_type3A, %cond3A : i32
    scf.if %cond3A_3 {
      %mul3A_110 = arith.constant 9984 : i32
      %mul3A_111 = arith.muli %add3A, %mul3A_110 : i32
      %dma_start3A = arith.constant 0 : i32
      %dma_start3A_112 = arith.constant 0 : i32
      %dma_start3A_113 = tpu.memref_slice %arg4[%dma_start3A, %dma_start3A_112] : memref<2x10496xi32, #tpu.memory_space<vmem>> -> memref<2x9984xi32, #tpu.memory_space<vmem>>
      %dma_start3A_114 = arith.constant 0 : i32
      %dma_start3A_115 = tpu.memref_slice %arg2[%dma_start3A_114, %mul3A_111] : memref<2x320000xi32, #tpu.memory_space<hbm>> -> memref<2x9984xi32, #tpu.memory_space<hbm>>
      %dma_start3A_116 = arith.constant 0 : i32
      %dma_start3A_117 = arith.constant 0 : i32
      %dma_start3A_118 = tpu.memref_slice %arg4[%dma_start3A_116, %dma_start3A_117] : memref<2x10496xi32, #tpu.memory_space<vmem>> -> memref<2x9984xi32, #tpu.memory_space<vmem>>
      %dma_start3A_119 = arith.constant 0 : i32
      %dma_start3A_120 = tpu.memref_slice %arg2[%dma_start3A_119, %mul3A_111] : memref<2x320000xi32, #tpu.memory_space<hbm>> -> memref<2x9984xi32, #tpu.memory_space<hbm>>
      tpu.enqueue_dma source(%dma_start3A_120 : memref<2x9984xi32, #tpu.memory_space<hbm>>) target(%dma_start3A_118 : memref<2x9984xi32, #tpu.memory_space<vmem>>) target_semaphore(%arg9 : memref<!tpu.dma_semaphore, #tpu.memory_space<semaphore_mem>>)
    } else {
    }
    %convert_element_type3A_4 = arith.extui %eq3A_1 : i1 to i32
    %cond3A_5 = arith.constant 0 : i32
    %cond3A_6 = arith.cmpi ne, %convert_element_type3A_4, %cond3A_5 : i32
    scf.if %cond3A_6 {
      %dma_start3A = arith.constant 0 : i32
      %dma_start3A_110 = arith.constant 309504 : i32
      %dma_start3A_111 = tpu.memref_slice %arg2[%dma_start3A, %dma_start3A_110] : memref<2x320000xi32, #tpu.memory_space<hbm>> -> memref<2x10496xi32, #tpu.memory_space<hbm>>
      %dma_start3A_112 = arith.constant 0 : i32
      %dma_start3A_113 = arith.constant 309504 : i32
      %dma_start3A_114 = tpu.memref_slice %arg2[%dma_start3A_112, %dma_start3A_113] : memref<2x320000xi32, #tpu.memory_space<hbm>> -> memref<2x10496xi32, #tpu.memory_space<hbm>>
      tpu.enqueue_dma source(%dma_start3A_114 : memref<2x10496xi32, #tpu.memory_space<hbm>>) target(%arg4 : memref<2x10496xi32, #tpu.memory_space<vmem>>) target_semaphore(%arg9 : memref<!tpu.dma_semaphore, #tpu.memory_space<semaphore_mem>>)
    } else {
    }
    %broadcast_in_dim3A = arith.constant 0.000000e+00 : f32
    %broadcast_in_dim3A_7 = vector.broadcast %broadcast_in_dim3A : f32 to vector<16xf32>
    %scan3A = arith.constant 0 : i32
    %scan3A_8 = arith.constant 0 : i32
    %scan3A_9 = arith.constant 640 : i32
    %scan3A_10 = arith.addi %scan3A_8, %scan3A_9 : i32
    %scan3A_11 = arith.constant 1 : i32
    scf.for %scan3A_110 = %scan3A_8 to %scan3A_10 step %scan3A_11  : i32 {
      %mul3A_111 = arith.constant 16 : i32
      %mul3A_112 = arith.muli %scan3A_110, %mul3A_111 : i32
      %swap3A = arith.index_cast %mul3A_112 : i32 to index
      %swap3A_113 = tpu.vector_load %arg5[%swap3A] {strides = array<i32>} : memref<10240xf32, #tpu.memory_space<vmem>>, vector<16xf32>,
      tpu.vector_store %arg5[%swap3A], %broadcast_in_dim3A_7 {strides = array<i32>} : memref<10240xf32, #tpu.memory_space<vmem>>, vector<16xf32>,
    }
    %scan3A_12 = arith.constant 640 : i32
    %not3A_13 = arith.constant true
    %not3A_14 = arith.xori %eq3A_1, %not3A_13 : i1
    %convert_element_type3A_15 = arith.extui %not3A_14 : i1 to i32
    %cond3A_16 = arith.constant 0 : i32
    %cond3A_17 = arith.cmpi ne, %convert_element_type3A_15, %cond3A_16 : i32
    scf.if %cond3A_17 {
      %mul3A_110 = arith.constant 9984 : i32
      %mul3A_111 = arith.muli %add3A, %mul3A_110 : i32
      %dma_wait3A = arith.constant 0 : i32
      %dma_wait3A_112 = arith.constant 0 : i32
      %dma_wait3A_113 = tpu.memref_slice %arg4[%dma_wait3A, %dma_wait3A_112] : memref<2x10496xi32, #tpu.memory_space<vmem>> -> memref<2x9984xi32, #tpu.memory_space<vmem>>
      %dma_wait3A_114 = arith.constant 0 : i32
      %dma_wait3A_115 = tpu.memref_slice %arg2[%dma_wait3A_114, %mul3A_111] : memref<2x320000xi32, #tpu.memory_space<hbm>> -> memref<2x9984xi32, #tpu.memory_space<hbm>>
      %dma_wait3A_116 = arith.constant 0 : i32
      %dma_wait3A_117 = arith.constant 0 : i32
      %dma_wait3A_118 = tpu.memref_slice %arg4[%dma_wait3A_116, %dma_wait3A_117] : memref<2x10496xi32, #tpu.memory_space<vmem>> -> memref<2x9984xi32, #tpu.memory_space<vmem>>
      %dma_wait3A_119 = arith.constant 0 : i32
      %dma_wait3A_120 = tpu.memref_slice %arg2[%dma_wait3A_119, %mul3A_111] : memref<2x320000xi32, #tpu.memory_space<hbm>> -> memref<2x9984xi32, #tpu.memory_space<hbm>>
      tpu.wait_dma2 semaphore(%arg9 : memref<!tpu.dma_semaphore, #tpu.memory_space<semaphore_mem>>) src(%dma_wait3A_120 : memref<2x9984xi32, #tpu.memory_space<hbm>>) dst(%dma_wait3A_118 : memref<2x9984xi32, #tpu.memory_space<vmem>>)
    } else {
    }
    %convert_element_type3A_18 = arith.extui %eq3A_1 : i1 to i32
    %cond3A_19 = arith.constant 0 : i32
    %cond3A_20 = arith.cmpi ne, %convert_element_type3A_18, %cond3A_19 : i32
    scf.if %cond3A_20 {
      %dma_wait3A = arith.constant 0 : i32
      %dma_wait3A_110 = arith.constant 309504 : i32
      %dma_wait3A_111 = tpu.memref_slice %arg2[%dma_wait3A, %dma_wait3A_110] : memref<2x320000xi32, #tpu.memory_space<hbm>> -> memref<2x10496xi32, #tpu.memory_space<hbm>>
      %dma_wait3A_112 = arith.constant 0 : i32
      %dma_wait3A_113 = arith.constant 309504 : i32
      %dma_wait3A_114 = tpu.memref_slice %arg2[%dma_wait3A_112, %dma_wait3A_113] : memref<2x320000xi32, #tpu.memory_space<hbm>> -> memref<2x10496xi32, #tpu.memory_space<hbm>>
      tpu.wait_dma2 semaphore(%arg9 : memref<!tpu.dma_semaphore, #tpu.memory_space<semaphore_mem>>) src(%dma_wait3A_114 : memref<2x10496xi32, #tpu.memory_space<hbm>>) dst(%arg4 : memref<2x10496xi32, #tpu.memory_space<vmem>>)
    } else {
    }
    %broadcast_in_dim3A_21 = arith.constant 1.000000e+00 : f32
    %broadcast_in_dim3A_22 = vector.broadcast %broadcast_in_dim3A_21 : f32 to vector<16xf32>
    %jit3A = arith.constant 656 : i32
    %jit3A_23 = arith.constant 624 : i32
    %select_n3A = arith.select %eq3A_1, %jit3A, %jit3A_23 : i32
    %while3A = arith.constant 0 : i32
    %while3A_24 = arith.constant 0 : i32
    %while3A_25 = arith.subi %select_n3A, %while3A_24 : i32
    %while3A_26 = arith.addi %while3A_24, %while3A_25 : i32
    %while3A_27 = arith.constant 1 : i32
    %while3A_28 = arith.divsi %while3A_25, %while3A_27 : i32
    %while3A_29 = arith.muli %while3A_28, %while3A_27 : i32
    %while3A_30 = arith.addi %while3A_24, %while3A_29 : i32
    %while3A_31 = arith.constant 1 : i32
    scf.for %while3A_110 = %while3A_24 to %while3A_30 step %while3A_31  : i32 {
      %mul3A_111 = arith.constant 16 : i32
      %mul3A_112 = arith.muli %while3A_110, %mul3A_111 : i32
      %get3A = arith.constant 0 : i32
      %get3A_113 = arith.index_cast %get3A : i32 to index
      %get3A_114 = arith.index_cast %mul3A_112 : i32 to index
      %get3A_115 = tpu.vector_load %arg4[%get3A_113, %get3A_114] {strides = array<i32>} : memref<2x10496xi32, #tpu.memory_space<vmem>>, vector<16xi32>,
      tpu.vector_store_idx %arg5[%get3A_115], %broadcast_in_dim3A_22 {add = true} : memref<10240xf32, #tpu.memory_space<vmem>>[vector<16xi32>], vector<16xf32>,
    }
    %while3A_32 = arith.constant 1 : i32
    scf.for %while3A_110 = %while3A_30 to %while3A_26 step %while3A_32  : i32 {
      %mul3A_111 = arith.constant 16 : i32
      %mul3A_112 = arith.muli %while3A_110, %mul3A_111 : i32
      %get3A = arith.constant 0 : i32
      %get3A_113 = arith.index_cast %get3A : i32 to index
      %get3A_114 = arith.index_cast %mul3A_112 : i32 to index
      %get3A_115 = tpu.vector_load %arg4[%get3A_113, %get3A_114] {strides = array<i32>} : memref<2x10496xi32, #tpu.memory_space<vmem>>, vector<16xi32>,
      tpu.vector_store_idx %arg5[%get3A_115], %broadcast_in_dim3A_22 {add = true} : memref<10240xf32, #tpu.memory_space<vmem>>[vector<16xi32>], vector<16xf32>,
    }
    %mul3A_33 = arith.constant 10240 : i32
    %mul3A_34 = arith.muli %arg1, %mul3A_33 : i32
    "tpu.region"() ({
      %run_scoped3A = tpu.sem_alloc : memref<!tpu.dma_semaphore, #tpu.memory_space<semaphore_mem>>
      %dma_start3A = tpu.memref_slice %arg8[%mul3A_34] : memref<163840xf32, #tpu.memory_space<vmem_shared>> -> memref<10240xf32, #tpu.memory_space<vmem_shared>>
      %dma_start3A_110 = tpu.memref_slice %arg8[%mul3A_34] : memref<163840xf32, #tpu.memory_space<vmem_shared>> -> memref<10240xf32, #tpu.memory_space<vmem_shared>>
      tpu.enqueue_dma source(%arg5 : memref<10240xf32, #tpu.memory_space<vmem>>) target(%dma_start3A_110 : memref<10240xf32, #tpu.memory_space<vmem_shared>>) target_semaphore(%run_scoped3A : memref<!tpu.dma_semaphore, #tpu.memory_space<semaphore_mem>>)
      %dma_wait3A = tpu.memref_slice %arg8[%mul3A_34] : memref<163840xf32, #tpu.memory_space<vmem_shared>> -> memref<10240xf32, #tpu.memory_space<vmem_shared>>
      %dma_wait3A_111 = tpu.memref_slice %arg8[%mul3A_34] : memref<163840xf32, #tpu.memory_space<vmem_shared>> -> memref<10240xf32, #tpu.memory_space<vmem_shared>>
      tpu.wait_dma2 semaphore(%run_scoped3A : memref<!tpu.dma_semaphore, #tpu.memory_space<semaphore_mem>>) src(%arg5 : memref<10240xf32, #tpu.memory_space<vmem>>) dst(%dma_wait3A_111 : memref<10240xf32, #tpu.memory_space<vmem_shared>>)
      tpu.yield
    }) : () -> ()
    %barrier3A = arith.constant 0 : index
    tpu.barrier barrier_id(%barrier3A)
    %mul3A_35 = arith.constant 640 : i32
    %mul3A_36 = arith.muli %arg1, %mul3A_35 : i32
    %add3A_37 = arith.constant 0 : i32
    %add3A_38 = arith.addi %add3A_37, %mul3A_36 : i32
    "tpu.region"() ({
      %run_scoped3A = tpu.sem_alloc : memref<!tpu.dma_semaphore, #tpu.memory_space<semaphore_mem>>
      %dma_start3A = arith.constant 0 : i32
      %dma_start3A_110 = tpu.memref_slice %arg6[%dma_start3A] : memref<10240xf32, #tpu.memory_space<vmem>> -> memref<640xf32, #tpu.memory_space<vmem>>
      %dma_start3A_111 = tpu.memref_slice %arg8[%add3A_38] : memref<163840xf32, #tpu.memory_space<vmem_shared>> -> memref<640xf32, #tpu.memory_space<vmem_shared>>
      %dma_start3A_112 = arith.constant 0 : i32
      %dma_start3A_113 = tpu.memref_slice %arg6[%dma_start3A_112] : memref<10240xf32, #tpu.memory_space<vmem>> -> memref<640xf32, #tpu.memory_space<vmem>>
      %dma_start3A_114 = tpu.memref_slice %arg8[%add3A_38] : memref<163840xf32, #tpu.memory_space<vmem_shared>> -> memref<640xf32, #tpu.memory_space<vmem_shared>>
      tpu.enqueue_dma source(%dma_start3A_114 : memref<640xf32, #tpu.memory_space<vmem_shared>>) target(%dma_start3A_113 : memref<640xf32, #tpu.memory_space<vmem>>) target_semaphore(%run_scoped3A : memref<!tpu.dma_semaphore, #tpu.memory_space<semaphore_mem>>)
      %dma_wait3A = arith.constant 0 : i32
      %dma_wait3A_115 = tpu.memref_slice %arg6[%dma_wait3A] : memref<10240xf32, #tpu.memory_space<vmem>> -> memref<640xf32, #tpu.memory_space<vmem>>
      %dma_wait3A_116 = tpu.memref_slice %arg8[%add3A_38] : memref<163840xf32, #tpu.memory_space<vmem_shared>> -> memref<640xf32, #tpu.memory_space<vmem_shared>>
      %dma_wait3A_117 = arith.constant 0 : i32
      %dma_wait3A_118 = tpu.memref_slice %arg6[%dma_wait3A_117] : memref<10240xf32, #tpu.memory_space<vmem>> -> memref<640xf32, #tpu.memory_space<vmem>>
      %dma_wait3A_119 = tpu.memref_slice %arg8[%add3A_38] : memref<163840xf32, #tpu.memory_space<vmem_shared>> -> memref<640xf32, #tpu.memory_space<vmem_shared>>
      tpu.wait_dma2 semaphore(%run_scoped3A : memref<!tpu.dma_semaphore, #tpu.memory_space<semaphore_mem>>) src(%dma_wait3A_119 : memref<640xf32, #tpu.memory_space<vmem_shared>>) dst(%dma_wait3A_118 : memref<640xf32, #tpu.memory_space<vmem>>)
      tpu.yield
    }) : () -> ()
    %mul3A_39 = arith.constant 640 : i32
    %mul3A_40 = arith.muli %arg1, %mul3A_39 : i32
    %add3A_41 = arith.constant 10240 : i32
    %add3A_42 = arith.addi %add3A_41, %mul3A_40 : i32
    "tpu.region"() ({
      %run_scoped3A = tpu.sem_alloc : memref<!tpu.dma_semaphore, #tpu.memory_space<semaphore_mem>>
      %dma_start3A = arith.constant 640 : i32
      %dma_start3A_110 = tpu.memref_slice %arg6[%dma_start3A] : memref<10240xf32, #tpu.memory_space<vmem>> -> memref<640xf32, #tpu.memory_space<vmem>>
      %dma_start3A_111 = tpu.memref_slice %arg8[%add3A_42] : memref<163840xf32, #tpu.memory_space<vmem_shared>> -> memref<640xf32, #tpu.memory_space<vmem_shared>>
      %dma_start3A_112 = arith.constant 640 : i32
      %dma_start3A_113 = tpu.memref_slice %arg6[%dma_start3A_112] : memref<10240xf32, #tpu.memory_space<vmem>> -> memref<640xf32, #tpu.memory_space<vmem>>
      %dma_start3A_114 = tpu.memref_slice %arg8[%add3A_42] : memref<163840xf32, #tpu.memory_space<vmem_shared>> -> memref<640xf32, #tpu.memory_space<vmem_shared>>
      tpu.enqueue_dma source(%dma_start3A_114 : memref<640xf32, #tpu.memory_space<vmem_shared>>) target(%dma_start3A_113 : memref<640xf32, #tpu.memory_space<vmem>>) target_semaphore(%run_scoped3A : memref<!tpu.dma_semaphore, #tpu.memory_space<semaphore_mem>>)
      %dma_wait3A = arith.constant 640 : i32
      %dma_wait3A_115 = tpu.memref_slice %arg6[%dma_wait3A] : memref<10240xf32, #tpu.memory_space<vmem>> -> memref<640xf32, #tpu.memory_space<vmem>>
      %dma_wait3A_116 = tpu.memref_slice %arg8[%add3A_42] : memref<163840xf32, #tpu.memory_space<vmem_shared>> -> memref<640xf32, #tpu.memory_space<vmem_shared>>
      %dma_wait3A_117 = arith.constant 640 : i32
      %dma_wait3A_118 = tpu.memref_slice %arg6[%dma_wait3A_117] : memref<10240xf32, #tpu.memory_space<vmem>> -> memref<640xf32, #tpu.memory_space<vmem>>
      %dma_wait3A_119 = tpu.memref_slice %arg8[%add3A_42] : memref<163840xf32, #tpu.memory_space<vmem_shared>> -> memref<640xf32, #tpu.memory_space<vmem_shared>>
      tpu.wait_dma2 semaphore(%run_scoped3A : memref<!tpu.dma_semaphore, #tpu.memory_space<semaphore_mem>>) src(%dma_wait3A_119 : memref<640xf32, #tpu.memory_space<vmem_shared>>) dst(%dma_wait3A_118 : memref<640xf32, #tpu.memory_space<vmem>>)
      tpu.yield
    }) : () -> ()
    %mul3A_43 = arith.constant 640 : i32
    %mul3A_44 = arith.muli %arg1, %mul3A_43 : i32
    %add3A_45 = arith.constant 20480 : i32
    %add3A_46 = arith.addi %add3A_45, %mul3A_44 : i32
    "tpu.region"() ({
      %run_scoped3A = tpu.sem_alloc : memref<!tpu.dma_semaphore, #tpu.memory_space<semaphore_mem>>
      %dma_start3A = arith.constant 1280 : i32
      %dma_start3A_110 = tpu.memref_slice %arg6[%dma_start3A] : memref<10240xf32, #tpu.memory_space<vmem>> -> memref<640xf32, #tpu.memory_space<vmem>>
      %dma_start3A_111 = tpu.memref_slice %arg8[%add3A_46] : memref<163840xf32, #tpu.memory_space<vmem_shared>> -> memref<640xf32, #tpu.memory_space<vmem_shared>>
      %dma_start3A_112 = arith.constant 1280 : i32
      %dma_start3A_113 = tpu.memref_slice %arg6[%dma_start3A_112] : memref<10240xf32, #tpu.memory_space<vmem>> -> memref<640xf32, #tpu.memory_space<vmem>>
      %dma_start3A_114 = tpu.memref_slice %arg8[%add3A_46] : memref<163840xf32, #tpu.memory_space<vmem_shared>> -> memref<640xf32, #tpu.memory_space<vmem_shared>>
      tpu.enqueue_dma source(%dma_start3A_114 : memref<640xf32, #tpu.memory_space<vmem_shared>>) target(%dma_start3A_113 : memref<640xf32, #tpu.memory_space<vmem>>) target_semaphore(%run_scoped3A : memref<!tpu.dma_semaphore, #tpu.memory_space<semaphore_mem>>)
      %dma_wait3A = arith.constant 1280 : i32
      %dma_wait3A_115 = tpu.memref_slice %arg6[%dma_wait3A] : memref<10240xf32, #tpu.memory_space<vmem>> -> memref<640xf32, #tpu.memory_space<vmem>>
      %dma_wait3A_116 = tpu.memref_slice %arg8[%add3A_46] : memref<163840xf32, #tpu.memory_space<vmem_shared>> -> memref<640xf32, #tpu.memory_space<vmem_shared>>
      %dma_wait3A_117 = arith.constant 1280 : i32
      %dma_wait3A_118 = tpu.memref_slice %arg6[%dma_wait3A_117] : memref<10240xf32, #tpu.memory_space<vmem>> -> memref<640xf32, #tpu.memory_space<vmem>>
      %dma_wait3A_119 = tpu.memref_slice %arg8[%add3A_46] : memref<163840xf32, #tpu.memory_space<vmem_shared>> -> memref<640xf32, #tpu.memory_space<vmem_shared>>
      tpu.wait_dma2 semaphore(%run_scoped3A : memref<!tpu.dma_semaphore, #tpu.memory_space<semaphore_mem>>) src(%dma_wait3A_119 : memref<640xf32, #tpu.memory_space<vmem_shared>>) dst(%dma_wait3A_118 : memref<640xf32, #tpu.memory_space<vmem>>)
      tpu.yield
    }) : () -> ()
    %mul3A_47 = arith.constant 640 : i32
    %mul3A_48 = arith.muli %arg1, %mul3A_47 : i32
    %add3A_49 = arith.constant 30720 : i32
    %add3A_50 = arith.addi %add3A_49, %mul3A_48 : i32
    "tpu.region"() ({
      %run_scoped3A = tpu.sem_alloc : memref<!tpu.dma_semaphore, #tpu.memory_space<semaphore_mem>>
      %dma_start3A = arith.constant 1920 : i32
      %dma_start3A_110 = tpu.memref_slice %arg6[%dma_start3A] : memref<10240xf32, #tpu.memory_space<vmem>> -> memref<640xf32, #tpu.memory_space<vmem>>
      %dma_start3A_111 = tpu.memref_slice %arg8[%add3A_50] : memref<163840xf32, #tpu.memory_space<vmem_shared>> -> memref<640xf32, #tpu.memory_space<vmem_shared>>
      %dma_start3A_112 = arith.constant 1920 : i32
      %dma_start3A_113 = tpu.memref_slice %arg6[%dma_start3A_112] : memref<10240xf32, #tpu.memory_space<vmem>> -> memref<640xf32, #tpu.memory_space<vmem>>
      %dma_start3A_114 = tpu.memref_slice %arg8[%add3A_50] : memref<163840xf32, #tpu.memory_space<vmem_shared>> -> memref<640xf32, #tpu.memory_space<vmem_shared>>
      tpu.enqueue_dma source(%dma_start3A_114 : memref<640xf32, #tpu.memory_space<vmem_shared>>) target(%dma_start3A_113 : memref<640xf32, #tpu.memory_space<vmem>>) target_semaphore(%run_scoped3A : memref<!tpu.dma_semaphore, #tpu.memory_space<semaphore_mem>>)
      %dma_wait3A = arith.constant 1920 : i32
      %dma_wait3A_115 = tpu.memref_slice %arg6[%dma_wait3A] : memref<10240xf32, #tpu.memory_space<vmem>> -> memref<640xf32, #tpu.memory_space<vmem>>
      %dma_wait3A_116 = tpu.memref_slice %arg8[%add3A_50] : memref<163840xf32, #tpu.memory_space<vmem_shared>> -> memref<640xf32, #tpu.memory_space<vmem_shared>>
      %dma_wait3A_117 = arith.constant 1920 : i32
      %dma_wait3A_118 = tpu.memref_slice %arg6[%dma_wait3A_117] : memref<10240xf32, #tpu.memory_space<vmem>> -> memref<640xf32, #tpu.memory_space<vmem>>
      %dma_wait3A_119 = tpu.memref_slice %arg8[%add3A_50] : memref<163840xf32, #tpu.memory_space<vmem_shared>> -> memref<640xf32, #tpu.memory_space<vmem_shared>>
      tpu.wait_dma2 semaphore(%run_scoped3A : memref<!tpu.dma_semaphore, #tpu.memory_space<semaphore_mem>>) src(%dma_wait3A_119 : memref<640xf32, #tpu.memory_space<vmem_shared>>) dst(%dma_wait3A_118 : memref<640xf32, #tpu.memory_space<vmem>>)
      tpu.yield
    }) : () -> ()
    %mul3A_51 = arith.constant 640 : i32
    %mul3A_52 = arith.muli %arg1, %mul3A_51 : i32
    %add3A_53 = arith.constant 40960 : i32
    %add3A_54 = arith.addi %add3A_53, %mul3A_52 : i32
    "tpu.region"() ({
      %run_scoped3A = tpu.sem_alloc : memref<!tpu.dma_semaphore, #tpu.memory_space<semaphore_mem>>
      %dma_start3A = arith.constant 2560 : i32
      %dma_start3A_110 = tpu.memref_slice %arg6[%dma_start3A] : memref<10240xf32, #tpu.memory_space<vmem>> -> memref<640xf32, #tpu.memory_space<vmem>>
      %dma_start3A_111 = tpu.memref_slice %arg8[%add3A_54] : memref<163840xf32, #tpu.memory_space<vmem_shared>> -> memref<640xf32, #tpu.memory_space<vmem_shared>>
      %dma_start3A_112 = arith.constant 2560 : i32
      %dma_start3A_113 = tpu.memref_slice %arg6[%dma_start3A_112] : memref<10240xf32, #tpu.memory_space<vmem>> -> memref<640xf32, #tpu.memory_space<vmem>>
      %dma_start3A_114 = tpu.memref_slice %arg8[%add3A_54] : memref<163840xf32, #tpu.memory_space<vmem_shared>> -> memref<640xf32, #tpu.memory_space<vmem_shared>>
      tpu.enqueue_dma source(%dma_start3A_114 : memref<640xf32, #tpu.memory_space<vmem_shared>>) target(%dma_start3A_113 : memref<640xf32, #tpu.memory_space<vmem>>) target_semaphore(%run_scoped3A : memref<!tpu.dma_semaphore, #tpu.memory_space<semaphore_mem>>)
      %dma_wait3A = arith.constant 2560 : i32
      %dma_wait3A_115 = tpu.memref_slice %arg6[%dma_wait3A] : memref<10240xf32, #tpu.memory_space<vmem>> -> memref<640xf32, #tpu.memory_space<vmem>>
      %dma_wait3A_116 = tpu.memref_slice %arg8[%add3A_54] : memref<163840xf32, #tpu.memory_space<vmem_shared>> -> memref<640xf32, #tpu.memory_space<vmem_shared>>
      %dma_wait3A_117 = arith.constant 2560 : i32
      %dma_wait3A_118 = tpu.memref_slice %arg6[%dma_wait3A_117] : memref<10240xf32, #tpu.memory_space<vmem>> -> memref<640xf32, #tpu.memory_space<vmem>>
      %dma_wait3A_119 = tpu.memref_slice %arg8[%add3A_54] : memref<163840xf32, #tpu.memory_space<vmem_shared>> -> memref<640xf32, #tpu.memory_space<vmem_shared>>
      tpu.wait_dma2 semaphore(%run_scoped3A : memref<!tpu.dma_semaphore, #tpu.memory_space<semaphore_mem>>) src(%dma_wait3A_119 : memref<640xf32, #tpu.memory_space<vmem_shared>>) dst(%dma_wait3A_118 : memref<640xf32, #tpu.memory_space<vmem>>)
      tpu.yield
    }) : () -> ()
    %mul3A_55 = arith.constant 640 : i32
    %mul3A_56 = arith.muli %arg1, %mul3A_55 : i32
    %add3A_57 = arith.constant 51200 : i32
    %add3A_58 = arith.addi %add3A_57, %mul3A_56 : i32
    "tpu.region"() ({
      %run_scoped3A = tpu.sem_alloc : memref<!tpu.dma_semaphore, #tpu.memory_space<semaphore_mem>>
      %dma_start3A = arith.constant 3200 : i32
      %dma_start3A_110 = tpu.memref_slice %arg6[%dma_start3A] : memref<10240xf32, #tpu.memory_space<vmem>> -> memref<640xf32, #tpu.memory_space<vmem>>
      %dma_start3A_111 = tpu.memref_slice %arg8[%add3A_58] : memref<163840xf32, #tpu.memory_space<vmem_shared>> -> memref<640xf32, #tpu.memory_space<vmem_shared>>
      %dma_start3A_112 = arith.constant 3200 : i32
      %dma_start3A_113 = tpu.memref_slice %arg6[%dma_start3A_112] : memref<10240xf32, #tpu.memory_space<vmem>> -> memref<640xf32, #tpu.memory_space<vmem>>
      %dma_start3A_114 = tpu.memref_slice %arg8[%add3A_58] : memref<163840xf32, #tpu.memory_space<vmem_shared>> -> memref<640xf32, #tpu.memory_space<vmem_shared>>
      tpu.enqueue_dma source(%dma_start3A_114 : memref<640xf32, #tpu.memory_space<vmem_shared>>) target(%dma_start3A_113 : memref<640xf32, #tpu.memory_space<vmem>>) target_semaphore(%run_scoped3A : memref<!tpu.dma_semaphore, #tpu.memory_space<semaphore_mem>>)
      %dma_wait3A = arith.constant 3200 : i32
      %dma_wait3A_115 = tpu.memref_slice %arg6[%dma_wait3A] : memref<10240xf32, #tpu.memory_space<vmem>> -> memref<640xf32, #tpu.memory_space<vmem>>
      %dma_wait3A_116 = tpu.memref_slice %arg8[%add3A_58] : memref<163840xf32, #tpu.memory_space<vmem_shared>> -> memref<640xf32, #tpu.memory_space<vmem_shared>>
      %dma_wait3A_117 = arith.constant 3200 : i32
      %dma_wait3A_118 = tpu.memref_slice %arg6[%dma_wait3A_117] : memref<10240xf32, #tpu.memory_space<vmem>> -> memref<640xf32, #tpu.memory_space<vmem>>
      %dma_wait3A_119 = tpu.memref_slice %arg8[%add3A_58] : memref<163840xf32, #tpu.memory_space<vmem_shared>> -> memref<640xf32, #tpu.memory_space<vmem_shared>>
      tpu.wait_dma2 semaphore(%run_scoped3A : memref<!tpu.dma_semaphore, #tpu.memory_space<semaphore_mem>>) src(%dma_wait3A_119 : memref<640xf32, #tpu.memory_space<vmem_shared>>) dst(%dma_wait3A_118 : memref<640xf32, #tpu.memory_space<vmem>>)
      tpu.yield
    }) : () -> ()
    %mul3A_59 = arith.constant 640 : i32
    %mul3A_60 = arith.muli %arg1, %mul3A_59 : i32
    %add3A_61 = arith.constant 61440 : i32
    %add3A_62 = arith.addi %add3A_61, %mul3A_60 : i32
    "tpu.region"() ({
      %run_scoped3A = tpu.sem_alloc : memref<!tpu.dma_semaphore, #tpu.memory_space<semaphore_mem>>
      %dma_start3A = arith.constant 3840 : i32
      %dma_start3A_110 = tpu.memref_slice %arg6[%dma_start3A] : memref<10240xf32, #tpu.memory_space<vmem>> -> memref<640xf32, #tpu.memory_space<vmem>>
      %dma_start3A_111 = tpu.memref_slice %arg8[%add3A_62] : memref<163840xf32, #tpu.memory_space<vmem_shared>> -> memref<640xf32, #tpu.memory_space<vmem_shared>>
      %dma_start3A_112 = arith.constant 3840 : i32
      %dma_start3A_113 = tpu.memref_slice %arg6[%dma_start3A_112] : memref<10240xf32, #tpu.memory_space<vmem>> -> memref<640xf32, #tpu.memory_space<vmem>>
      %dma_start3A_114 = tpu.memref_slice %arg8[%add3A_62] : memref<163840xf32, #tpu.memory_space<vmem_shared>> -> memref<640xf32, #tpu.memory_space<vmem_shared>>
      tpu.enqueue_dma source(%dma_start3A_114 : memref<640xf32, #tpu.memory_space<vmem_shared>>) target(%dma_start3A_113 : memref<640xf32, #tpu.memory_space<vmem>>) target_semaphore(%run_scoped3A : memref<!tpu.dma_semaphore, #tpu.memory_space<semaphore_mem>>)
      %dma_wait3A = arith.constant 3840 : i32
      %dma_wait3A_115 = tpu.memref_slice %arg6[%dma_wait3A] : memref<10240xf32, #tpu.memory_space<vmem>> -> memref<640xf32, #tpu.memory_space<vmem>>
      %dma_wait3A_116 = tpu.memref_slice %arg8[%add3A_62] : memref<163840xf32, #tpu.memory_space<vmem_shared>> -> memref<640xf32, #tpu.memory_space<vmem_shared>>
      %dma_wait3A_117 = arith.constant 3840 : i32
      %dma_wait3A_118 = tpu.memref_slice %arg6[%dma_wait3A_117] : memref<10240xf32, #tpu.memory_space<vmem>> -> memref<640xf32, #tpu.memory_space<vmem>>
      %dma_wait3A_119 = tpu.memref_slice %arg8[%add3A_62] : memref<163840xf32, #tpu.memory_space<vmem_shared>> -> memref<640xf32, #tpu.memory_space<vmem_shared>>
      tpu.wait_dma2 semaphore(%run_scoped3A : memref<!tpu.dma_semaphore, #tpu.memory_space<semaphore_mem>>) src(%dma_wait3A_119 : memref<640xf32, #tpu.memory_space<vmem_shared>>) dst(%dma_wait3A_118 : memref<640xf32, #tpu.memory_space<vmem>>)
      tpu.yield
    }) : () -> ()
    %mul3A_63 = arith.constant 640 : i32
    %mul3A_64 = arith.muli %arg1, %mul3A_63 : i32
    %add3A_65 = arith.constant 71680 : i32
    %add3A_66 = arith.addi %add3A_65, %mul3A_64 : i32
    "tpu.region"() ({
      %run_scoped3A = tpu.sem_alloc : memref<!tpu.dma_semaphore, #tpu.memory_space<semaphore_mem>>
      %dma_start3A = arith.constant 4480 : i32
      %dma_start3A_110 = tpu.memref_slice %arg6[%dma_start3A] : memref<10240xf32, #tpu.memory_space<vmem>> -> memref<640xf32, #tpu.memory_space<vmem>>
      %dma_start3A_111 = tpu.memref_slice %arg8[%add3A_66] : memref<163840xf32, #tpu.memory_space<vmem_shared>> -> memref<640xf32, #tpu.memory_space<vmem_shared>>
      %dma_start3A_112 = arith.constant 4480 : i32
      %dma_start3A_113 = tpu.memref_slice %arg6[%dma_start3A_112] : memref<10240xf32, #tpu.memory_space<vmem>> -> memref<640xf32, #tpu.memory_space<vmem>>
      %dma_start3A_114 = tpu.memref_slice %arg8[%add3A_66] : memref<163840xf32, #tpu.memory_space<vmem_shared>> -> memref<640xf32, #tpu.memory_space<vmem_shared>>
      tpu.enqueue_dma source(%dma_start3A_114 : memref<640xf32, #tpu.memory_space<vmem_shared>>) target(%dma_start3A_113 : memref<640xf32, #tpu.memory_space<vmem>>) target_semaphore(%run_scoped3A : memref<!tpu.dma_semaphore, #tpu.memory_space<semaphore_mem>>)
      %dma_wait3A = arith.constant 4480 : i32
      %dma_wait3A_115 = tpu.memref_slice %arg6[%dma_wait3A] : memref<10240xf32, #tpu.memory_space<vmem>> -> memref<640xf32, #tpu.memory_space<vmem>>
      %dma_wait3A_116 = tpu.memref_slice %arg8[%add3A_66] : memref<163840xf32, #tpu.memory_space<vmem_shared>> -> memref<640xf32, #tpu.memory_space<vmem_shared>>
      %dma_wait3A_117 = arith.constant 4480 : i32
      %dma_wait3A_118 = tpu.memref_slice %arg6[%dma_wait3A_117] : memref<10240xf32, #tpu.memory_space<vmem>> -> memref<640xf32, #tpu.memory_space<vmem>>
      %dma_wait3A_119 = tpu.memref_slice %arg8[%add3A_66] : memref<163840xf32, #tpu.memory_space<vmem_shared>> -> memref<640xf32, #tpu.memory_space<vmem_shared>>
      tpu.wait_dma2 semaphore(%run_scoped3A : memref<!tpu.dma_semaphore, #tpu.memory_space<semaphore_mem>>) src(%dma_wait3A_119 : memref<640xf32, #tpu.memory_space<vmem_shared>>) dst(%dma_wait3A_118 : memref<640xf32, #tpu.memory_space<vmem>>)
      tpu.yield
    }) : () -> ()
    %mul3A_67 = arith.constant 640 : i32
    %mul3A_68 = arith.muli %arg1, %mul3A_67 : i32
    %add3A_69 = arith.constant 81920 : i32
    %add3A_70 = arith.addi %add3A_69, %mul3A_68 : i32
    "tpu.region"() ({
      %run_scoped3A = tpu.sem_alloc : memref<!tpu.dma_semaphore, #tpu.memory_space<semaphore_mem>>
      %dma_start3A = arith.constant 5120 : i32
      %dma_start3A_110 = tpu.memref_slice %arg6[%dma_start3A] : memref<10240xf32, #tpu.memory_space<vmem>> -> memref<640xf32, #tpu.memory_space<vmem>>
      %dma_start3A_111 = tpu.memref_slice %arg8[%add3A_70] : memref<163840xf32, #tpu.memory_space<vmem_shared>> -> memref<640xf32, #tpu.memory_space<vmem_shared>>
      %dma_start3A_112 = arith.constant 5120 : i32
      %dma_start3A_113 = tpu.memref_slice %arg6[%dma_start3A_112] : memref<10240xf32, #tpu.memory_space<vmem>> -> memref<640xf32, #tpu.memory_space<vmem>>
      %dma_start3A_114 = tpu.memref_slice %arg8[%add3A_70] : memref<163840xf32, #tpu.memory_space<vmem_shared>> -> memref<640xf32, #tpu.memory_space<vmem_shared>>
      tpu.enqueue_dma source(%dma_start3A_114 : memref<640xf32, #tpu.memory_space<vmem_shared>>) target(%dma_start3A_113 : memref<640xf32, #tpu.memory_space<vmem>>) target_semaphore(%run_scoped3A : memref<!tpu.dma_semaphore, #tpu.memory_space<semaphore_mem>>)
      %dma_wait3A = arith.constant 5120 : i32
      %dma_wait3A_115 = tpu.memref_slice %arg6[%dma_wait3A] : memref<10240xf32, #tpu.memory_space<vmem>> -> memref<640xf32, #tpu.memory_space<vmem>>
      %dma_wait3A_116 = tpu.memref_slice %arg8[%add3A_70] : memref<163840xf32, #tpu.memory_space<vmem_shared>> -> memref<640xf32, #tpu.memory_space<vmem_shared>>
      %dma_wait3A_117 = arith.constant 5120 : i32
      %dma_wait3A_118 = tpu.memref_slice %arg6[%dma_wait3A_117] : memref<10240xf32, #tpu.memory_space<vmem>> -> memref<640xf32, #tpu.memory_space<vmem>>
      %dma_wait3A_119 = tpu.memref_slice %arg8[%add3A_70] : memref<163840xf32, #tpu.memory_space<vmem_shared>> -> memref<640xf32, #tpu.memory_space<vmem_shared>>
      tpu.wait_dma2 semaphore(%run_scoped3A : memref<!tpu.dma_semaphore, #tpu.memory_space<semaphore_mem>>) src(%dma_wait3A_119 : memref<640xf32, #tpu.memory_space<vmem_shared>>) dst(%dma_wait3A_118 : memref<640xf32, #tpu.memory_space<vmem>>)
      tpu.yield
    }) : () -> ()
    %mul3A_71 = arith.constant 640 : i32
    %mul3A_72 = arith.muli %arg1, %mul3A_71 : i32
    %add3A_73 = arith.constant 92160 : i32
    %add3A_74 = arith.addi %add3A_73, %mul3A_72 : i32
    "tpu.region"() ({
      %run_scoped3A = tpu.sem_alloc : memref<!tpu.dma_semaphore, #tpu.memory_space<semaphore_mem>>
      %dma_start3A = arith.constant 5760 : i32
      %dma_start3A_110 = tpu.memref_slice %arg6[%dma_start3A] : memref<10240xf32, #tpu.memory_space<vmem>> -> memref<640xf32, #tpu.memory_space<vmem>>
      %dma_start3A_111 = tpu.memref_slice %arg8[%add3A_74] : memref<163840xf32, #tpu.memory_space<vmem_shared>> -> memref<640xf32, #tpu.memory_space<vmem_shared>>
      %dma_start3A_112 = arith.constant 5760 : i32
      %dma_start3A_113 = tpu.memref_slice %arg6[%dma_start3A_112] : memref<10240xf32, #tpu.memory_space<vmem>> -> memref<640xf32, #tpu.memory_space<vmem>>
      %dma_start3A_114 = tpu.memref_slice %arg8[%add3A_74] : memref<163840xf32, #tpu.memory_space<vmem_shared>> -> memref<640xf32, #tpu.memory_space<vmem_shared>>
      tpu.enqueue_dma source(%dma_start3A_114 : memref<640xf32, #tpu.memory_space<vmem_shared>>) target(%dma_start3A_113 : memref<640xf32, #tpu.memory_space<vmem>>) target_semaphore(%run_scoped3A : memref<!tpu.dma_semaphore, #tpu.memory_space<semaphore_mem>>)
      %dma_wait3A = arith.constant 5760 : i32
      %dma_wait3A_115 = tpu.memref_slice %arg6[%dma_wait3A] : memref<10240xf32, #tpu.memory_space<vmem>> -> memref<640xf32, #tpu.memory_space<vmem>>
      %dma_wait3A_116 = tpu.memref_slice %arg8[%add3A_74] : memref<163840xf32, #tpu.memory_space<vmem_shared>> -> memref<640xf32, #tpu.memory_space<vmem_shared>>
      %dma_wait3A_117 = arith.constant 5760 : i32
      %dma_wait3A_118 = tpu.memref_slice %arg6[%dma_wait3A_117] : memref<10240xf32, #tpu.memory_space<vmem>> -> memref<640xf32, #tpu.memory_space<vmem>>
      %dma_wait3A_119 = tpu.memref_slice %arg8[%add3A_74] : memref<163840xf32, #tpu.memory_space<vmem_shared>> -> memref<640xf32, #tpu.memory_space<vmem_shared>>
      tpu.wait_dma2 semaphore(%run_scoped3A : memref<!tpu.dma_semaphore, #tpu.memory_space<semaphore_mem>>) src(%dma_wait3A_119 : memref<640xf32, #tpu.memory_space<vmem_shared>>) dst(%dma_wait3A_118 : memref<640xf32, #tpu.memory_space<vmem>>)
      tpu.yield
    }) : () -> ()
    %mul3A_75 = arith.constant 640 : i32
    %mul3A_76 = arith.muli %arg1, %mul3A_75 : i32
    %add3A_77 = arith.constant 102400 : i32
    %add3A_78 = arith.addi %add3A_77, %mul3A_76 : i32
    "tpu.region"() ({
      %run_scoped3A = tpu.sem_alloc : memref<!tpu.dma_semaphore, #tpu.memory_space<semaphore_mem>>
      %dma_start3A = arith.constant 6400 : i32
      %dma_start3A_110 = tpu.memref_slice %arg6[%dma_start3A] : memref<10240xf32, #tpu.memory_space<vmem>> -> memref<640xf32, #tpu.memory_space<vmem>>
      %dma_start3A_111 = tpu.memref_slice %arg8[%add3A_78] : memref<163840xf32, #tpu.memory_space<vmem_shared>> -> memref<640xf32, #tpu.memory_space<vmem_shared>>
      %dma_start3A_112 = arith.constant 6400 : i32
      %dma_start3A_113 = tpu.memref_slice %arg6[%dma_start3A_112] : memref<10240xf32, #tpu.memory_space<vmem>> -> memref<640xf32, #tpu.memory_space<vmem>>
      %dma_start3A_114 = tpu.memref_slice %arg8[%add3A_78] : memref<163840xf32, #tpu.memory_space<vmem_shared>> -> memref<640xf32, #tpu.memory_space<vmem_shared>>
      tpu.enqueue_dma source(%dma_start3A_114 : memref<640xf32, #tpu.memory_space<vmem_shared>>) target(%dma_start3A_113 : memref<640xf32, #tpu.memory_space<vmem>>) target_semaphore(%run_scoped3A : memref<!tpu.dma_semaphore, #tpu.memory_space<semaphore_mem>>)
      %dma_wait3A = arith.constant 6400 : i32
      %dma_wait3A_115 = tpu.memref_slice %arg6[%dma_wait3A] : memref<10240xf32, #tpu.memory_space<vmem>> -> memref<640xf32, #tpu.memory_space<vmem>>
      %dma_wait3A_116 = tpu.memref_slice %arg8[%add3A_78] : memref<163840xf32, #tpu.memory_space<vmem_shared>> -> memref<640xf32, #tpu.memory_space<vmem_shared>>
      %dma_wait3A_117 = arith.constant 6400 : i32
      %dma_wait3A_118 = tpu.memref_slice %arg6[%dma_wait3A_117] : memref<10240xf32, #tpu.memory_space<vmem>> -> memref<640xf32, #tpu.memory_space<vmem>>
      %dma_wait3A_119 = tpu.memref_slice %arg8[%add3A_78] : memref<163840xf32, #tpu.memory_space<vmem_shared>> -> memref<640xf32, #tpu.memory_space<vmem_shared>>
      tpu.wait_dma2 semaphore(%run_scoped3A : memref<!tpu.dma_semaphore, #tpu.memory_space<semaphore_mem>>) src(%dma_wait3A_119 : memref<640xf32, #tpu.memory_space<vmem_shared>>) dst(%dma_wait3A_118 : memref<640xf32, #tpu.memory_space<vmem>>)
      tpu.yield
    }) : () -> ()
    %mul3A_79 = arith.constant 640 : i32
    %mul3A_80 = arith.muli %arg1, %mul3A_79 : i32
    %add3A_81 = arith.constant 112640 : i32
    %add3A_82 = arith.addi %add3A_81, %mul3A_80 : i32
    "tpu.region"() ({
      %run_scoped3A = tpu.sem_alloc : memref<!tpu.dma_semaphore, #tpu.memory_space<semaphore_mem>>
      %dma_start3A = arith.constant 7040 : i32
      %dma_start3A_110 = tpu.memref_slice %arg6[%dma_start3A] : memref<10240xf32, #tpu.memory_space<vmem>> -> memref<640xf32, #tpu.memory_space<vmem>>
      %dma_start3A_111 = tpu.memref_slice %arg8[%add3A_82] : memref<163840xf32, #tpu.memory_space<vmem_shared>> -> memref<640xf32, #tpu.memory_space<vmem_shared>>
      %dma_start3A_112 = arith.constant 7040 : i32
      %dma_start3A_113 = tpu.memref_slice %arg6[%dma_start3A_112] : memref<10240xf32, #tpu.memory_space<vmem>> -> memref<640xf32, #tpu.memory_space<vmem>>
      %dma_start3A_114 = tpu.memref_slice %arg8[%add3A_82] : memref<163840xf32, #tpu.memory_space<vmem_shared>> -> memref<640xf32, #tpu.memory_space<vmem_shared>>
      tpu.enqueue_dma source(%dma_start3A_114 : memref<640xf32, #tpu.memory_space<vmem_shared>>) target(%dma_start3A_113 : memref<640xf32, #tpu.memory_space<vmem>>) target_semaphore(%run_scoped3A : memref<!tpu.dma_semaphore, #tpu.memory_space<semaphore_mem>>)
      %dma_wait3A = arith.constant 7040 : i32
      %dma_wait3A_115 = tpu.memref_slice %arg6[%dma_wait3A] : memref<10240xf32, #tpu.memory_space<vmem>> -> memref<640xf32, #tpu.memory_space<vmem>>
      %dma_wait3A_116 = tpu.memref_slice %arg8[%add3A_82] : memref<163840xf32, #tpu.memory_space<vmem_shared>> -> memref<640xf32, #tpu.memory_space<vmem_shared>>
      %dma_wait3A_117 = arith.constant 7040 : i32
      %dma_wait3A_118 = tpu.memref_slice %arg6[%dma_wait3A_117] : memref<10240xf32, #tpu.memory_space<vmem>> -> memref<640xf32, #tpu.memory_space<vmem>>
      %dma_wait3A_119 = tpu.memref_slice %arg8[%add3A_82] : memref<163840xf32, #tpu.memory_space<vmem_shared>> -> memref<640xf32, #tpu.memory_space<vmem_shared>>
      tpu.wait_dma2 semaphore(%run_scoped3A : memref<!tpu.dma_semaphore, #tpu.memory_space<semaphore_mem>>) src(%dma_wait3A_119 : memref<640xf32, #tpu.memory_space<vmem_shared>>) dst(%dma_wait3A_118 : memref<640xf32, #tpu.memory_space<vmem>>)
      tpu.yield
    }) : () -> ()
    %mul3A_83 = arith.constant 640 : i32
    %mul3A_84 = arith.muli %arg1, %mul3A_83 : i32
    %add3A_85 = arith.constant 122880 : i32
    %add3A_86 = arith.addi %add3A_85, %mul3A_84 : i32
    "tpu.region"() ({
      %run_scoped3A = tpu.sem_alloc : memref<!tpu.dma_semaphore, #tpu.memory_space<semaphore_mem>>
      %dma_start3A = arith.constant 7680 : i32
      %dma_start3A_110 = tpu.memref_slice %arg6[%dma_start3A] : memref<10240xf32, #tpu.memory_space<vmem>> -> memref<640xf32, #tpu.memory_space<vmem>>
      %dma_start3A_111 = tpu.memref_slice %arg8[%add3A_86] : memref<163840xf32, #tpu.memory_space<vmem_shared>> -> memref<640xf32, #tpu.memory_space<vmem_shared>>
      %dma_start3A_112 = arith.constant 7680 : i32
      %dma_start3A_113 = tpu.memref_slice %arg6[%dma_start3A_112] : memref<10240xf32, #tpu.memory_space<vmem>> -> memref<640xf32, #tpu.memory_space<vmem>>
      %dma_start3A_114 = tpu.memref_slice %arg8[%add3A_86] : memref<163840xf32, #tpu.memory_space<vmem_shared>> -> memref<640xf32, #tpu.memory_space<vmem_shared>>
      tpu.enqueue_dma source(%dma_start3A_114 : memref<640xf32, #tpu.memory_space<vmem_shared>>) target(%dma_start3A_113 : memref<640xf32, #tpu.memory_space<vmem>>) target_semaphore(%run_scoped3A : memref<!tpu.dma_semaphore, #tpu.memory_space<semaphore_mem>>)
      %dma_wait3A = arith.constant 7680 : i32
      %dma_wait3A_115 = tpu.memref_slice %arg6[%dma_wait3A] : memref<10240xf32, #tpu.memory_space<vmem>> -> memref<640xf32, #tpu.memory_space<vmem>>
      %dma_wait3A_116 = tpu.memref_slice %arg8[%add3A_86] : memref<163840xf32, #tpu.memory_space<vmem_shared>> -> memref<640xf32, #tpu.memory_space<vmem_shared>>
      %dma_wait3A_117 = arith.constant 7680 : i32
      %dma_wait3A_118 = tpu.memref_slice %arg6[%dma_wait3A_117] : memref<10240xf32, #tpu.memory_space<vmem>> -> memref<640xf32, #tpu.memory_space<vmem>>
      %dma_wait3A_119 = tpu.memref_slice %arg8[%add3A_86] : memref<163840xf32, #tpu.memory_space<vmem_shared>> -> memref<640xf32, #tpu.memory_space<vmem_shared>>
      tpu.wait_dma2 semaphore(%run_scoped3A : memref<!tpu.dma_semaphore, #tpu.memory_space<semaphore_mem>>) src(%dma_wait3A_119 : memref<640xf32, #tpu.memory_space<vmem_shared>>) dst(%dma_wait3A_118 : memref<640xf32, #tpu.memory_space<vmem>>)
      tpu.yield
    }) : () -> ()
    %mul3A_87 = arith.constant 640 : i32
    %mul3A_88 = arith.muli %arg1, %mul3A_87 : i32
    %add3A_89 = arith.constant 133120 : i32
    %add3A_90 = arith.addi %add3A_89, %mul3A_88 : i32
    "tpu.region"() ({
      %run_scoped3A = tpu.sem_alloc : memref<!tpu.dma_semaphore, #tpu.memory_space<semaphore_mem>>
      %dma_start3A = arith.constant 8320 : i32
      %dma_start3A_110 = tpu.memref_slice %arg6[%dma_start3A] : memref<10240xf32, #tpu.memory_space<vmem>> -> memref<640xf32, #tpu.memory_space<vmem>>
      %dma_start3A_111 = tpu.memref_slice %arg8[%add3A_90] : memref<163840xf32, #tpu.memory_space<vmem_shared>> -> memref<640xf32, #tpu.memory_space<vmem_shared>>
      %dma_start3A_112 = arith.constant 8320 : i32
      %dma_start3A_113 = tpu.memref_slice %arg6[%dma_start3A_112] : memref<10240xf32, #tpu.memory_space<vmem>> -> memref<640xf32, #tpu.memory_space<vmem>>
      %dma_start3A_114 = tpu.memref_slice %arg8[%add3A_90] : memref<163840xf32, #tpu.memory_space<vmem_shared>> -> memref<640xf32, #tpu.memory_space<vmem_shared>>
      tpu.enqueue_dma source(%dma_start3A_114 : memref<640xf32, #tpu.memory_space<vmem_shared>>) target(%dma_start3A_113 : memref<640xf32, #tpu.memory_space<vmem>>) target_semaphore(%run_scoped3A : memref<!tpu.dma_semaphore, #tpu.memory_space<semaphore_mem>>)
      %dma_wait3A = arith.constant 8320 : i32
      %dma_wait3A_115 = tpu.memref_slice %arg6[%dma_wait3A] : memref<10240xf32, #tpu.memory_space<vmem>> -> memref<640xf32, #tpu.memory_space<vmem>>
      %dma_wait3A_116 = tpu.memref_slice %arg8[%add3A_90] : memref<163840xf32, #tpu.memory_space<vmem_shared>> -> memref<640xf32, #tpu.memory_space<vmem_shared>>
      %dma_wait3A_117 = arith.constant 8320 : i32
      %dma_wait3A_118 = tpu.memref_slice %arg6[%dma_wait3A_117] : memref<10240xf32, #tpu.memory_space<vmem>> -> memref<640xf32, #tpu.memory_space<vmem>>
      %dma_wait3A_119 = tpu.memref_slice %arg8[%add3A_90] : memref<163840xf32, #tpu.memory_space<vmem_shared>> -> memref<640xf32, #tpu.memory_space<vmem_shared>>
      tpu.wait_dma2 semaphore(%run_scoped3A : memref<!tpu.dma_semaphore, #tpu.memory_space<semaphore_mem>>) src(%dma_wait3A_119 : memref<640xf32, #tpu.memory_space<vmem_shared>>) dst(%dma_wait3A_118 : memref<640xf32, #tpu.memory_space<vmem>>)
      tpu.yield
    }) : () -> ()
    %mul3A_91 = arith.constant 640 : i32
    %mul3A_92 = arith.muli %arg1, %mul3A_91 : i32
    %add3A_93 = arith.constant 143360 : i32
    %add3A_94 = arith.addi %add3A_93, %mul3A_92 : i32
    "tpu.region"() ({
      %run_scoped3A = tpu.sem_alloc : memref<!tpu.dma_semaphore, #tpu.memory_space<semaphore_mem>>
      %dma_start3A = arith.constant 8960 : i32
      %dma_start3A_110 = tpu.memref_slice %arg6[%dma_start3A] : memref<10240xf32, #tpu.memory_space<vmem>> -> memref<640xf32, #tpu.memory_space<vmem>>
      %dma_start3A_111 = tpu.memref_slice %arg8[%add3A_94] : memref<163840xf32, #tpu.memory_space<vmem_shared>> -> memref<640xf32, #tpu.memory_space<vmem_shared>>
      %dma_start3A_112 = arith.constant 8960 : i32
      %dma_start3A_113 = tpu.memref_slice %arg6[%dma_start3A_112] : memref<10240xf32, #tpu.memory_space<vmem>> -> memref<640xf32, #tpu.memory_space<vmem>>
      %dma_start3A_114 = tpu.memref_slice %arg8[%add3A_94] : memref<163840xf32, #tpu.memory_space<vmem_shared>> -> memref<640xf32, #tpu.memory_space<vmem_shared>>
      tpu.enqueue_dma source(%dma_start3A_114 : memref<640xf32, #tpu.memory_space<vmem_shared>>) target(%dma_start3A_113 : memref<640xf32, #tpu.memory_space<vmem>>) target_semaphore(%run_scoped3A : memref<!tpu.dma_semaphore, #tpu.memory_space<semaphore_mem>>)
      %dma_wait3A = arith.constant 8960 : i32
      %dma_wait3A_115 = tpu.memref_slice %arg6[%dma_wait3A] : memref<10240xf32, #tpu.memory_space<vmem>> -> memref<640xf32, #tpu.memory_space<vmem>>
      %dma_wait3A_116 = tpu.memref_slice %arg8[%add3A_94] : memref<163840xf32, #tpu.memory_space<vmem_shared>> -> memref<640xf32, #tpu.memory_space<vmem_shared>>
      %dma_wait3A_117 = arith.constant 8960 : i32
      %dma_wait3A_118 = tpu.memref_slice %arg6[%dma_wait3A_117] : memref<10240xf32, #tpu.memory_space<vmem>> -> memref<640xf32, #tpu.memory_space<vmem>>
      %dma_wait3A_119 = tpu.memref_slice %arg8[%add3A_94] : memref<163840xf32, #tpu.memory_space<vmem_shared>> -> memref<640xf32, #tpu.memory_space<vmem_shared>>
      tpu.wait_dma2 semaphore(%run_scoped3A : memref<!tpu.dma_semaphore, #tpu.memory_space<semaphore_mem>>) src(%dma_wait3A_119 : memref<640xf32, #tpu.memory_space<vmem_shared>>) dst(%dma_wait3A_118 : memref<640xf32, #tpu.memory_space<vmem>>)
      tpu.yield
    }) : () -> ()
    %mul3A_95 = arith.constant 640 : i32
    %mul3A_96 = arith.muli %arg1, %mul3A_95 : i32
    %add3A_97 = arith.constant 153600 : i32
    %add3A_98 = arith.addi %add3A_97, %mul3A_96 : i32
    "tpu.region"() ({
      %run_scoped3A = tpu.sem_alloc : memref<!tpu.dma_semaphore, #tpu.memory_space<semaphore_mem>>
      %dma_start3A = arith.constant 9600 : i32
      %dma_start3A_110 = tpu.memref_slice %arg6[%dma_start3A] : memref<10240xf32, #tpu.memory_space<vmem>> -> memref<640xf32, #tpu.memory_space<vmem>>
      %dma_start3A_111 = tpu.memref_slice %arg8[%add3A_98] : memref<163840xf32, #tpu.memory_space<vmem_shared>> -> memref<640xf32, #tpu.memory_space<vmem_shared>>
      %dma_start3A_112 = arith.constant 9600 : i32
      %dma_start3A_113 = tpu.memref_slice %arg6[%dma_start3A_112] : memref<10240xf32, #tpu.memory_space<vmem>> -> memref<640xf32, #tpu.memory_space<vmem>>
      %dma_start3A_114 = tpu.memref_slice %arg8[%add3A_98] : memref<163840xf32, #tpu.memory_space<vmem_shared>> -> memref<640xf32, #tpu.memory_space<vmem_shared>>
      tpu.enqueue_dma source(%dma_start3A_114 : memref<640xf32, #tpu.memory_space<vmem_shared>>) target(%dma_start3A_113 : memref<640xf32, #tpu.memory_space<vmem>>) target_semaphore(%run_scoped3A : memref<!tpu.dma_semaphore, #tpu.memory_space<semaphore_mem>>)
      %dma_wait3A = arith.constant 9600 : i32
      %dma_wait3A_115 = tpu.memref_slice %arg6[%dma_wait3A] : memref<10240xf32, #tpu.memory_space<vmem>> -> memref<640xf32, #tpu.memory_space<vmem>>
      %dma_wait3A_116 = tpu.memref_slice %arg8[%add3A_98] : memref<163840xf32, #tpu.memory_space<vmem_shared>> -> memref<640xf32, #tpu.memory_space<vmem_shared>>
      %dma_wait3A_117 = arith.constant 9600 : i32
      %dma_wait3A_118 = tpu.memref_slice %arg6[%dma_wait3A_117] : memref<10240xf32, #tpu.memory_space<vmem>> -> memref<640xf32, #tpu.memory_space<vmem>>
      %dma_wait3A_119 = tpu.memref_slice %arg8[%add3A_98] : memref<163840xf32, #tpu.memory_space<vmem_shared>> -> memref<640xf32, #tpu.memory_space<vmem_shared>>
      tpu.wait_dma2 semaphore(%run_scoped3A : memref<!tpu.dma_semaphore, #tpu.memory_space<semaphore_mem>>) src(%dma_wait3A_119 : memref<640xf32, #tpu.memory_space<vmem_shared>>) dst(%dma_wait3A_118 : memref<640xf32, #tpu.memory_space<vmem>>)
      tpu.yield
    }) : () -> ()
    %scan3A_99 = arith.constant 0 : i32
    %scan3A_100 = arith.constant 0 : i32
    %scan3A_101 = arith.constant 40 : i32
    %scan3A_102 = arith.addi %scan3A_100, %scan3A_101 : i32
    %scan3A_103 = arith.constant 1 : i32
    scf.for %scan3A_110 = %scan3A_100 to %scan3A_102 step %scan3A_103  : i32 {
      %mul3A_111 = arith.constant 16 : i32
      %mul3A_112 = arith.muli %scan3A_110, %mul3A_111 : i32
      %get3A = arith.index_cast %mul3A_112 : i32 to index
      %get3A_113 = tpu.vector_load %arg6[%get3A] {strides = array<i32>} : memref<10240xf32, #tpu.memory_space<vmem>>, vector<16xf32>,
      %mul3A_114 = arith.constant 16 : i32
      %mul3A_115 = arith.muli %scan3A_110, %mul3A_114 : i32
      %add3A_116 = arith.constant 640 : i32
      %add3A_117 = arith.addi %add3A_116, %mul3A_115 : i32
      %get3A_118 = arith.index_cast %add3A_117 : i32 to index
      %get3A_119 = tpu.vector_load %arg6[%get3A_118] {strides = array<i32>} : memref<10240xf32, #tpu.memory_space<vmem>>, vector<16xf32>,
      %add3A_120 = arith.addf %get3A_113, %get3A_119 : vector<16xf32>
      %mul3A_121 = arith.constant 16 : i32
      %mul3A_122 = arith.muli %scan3A_110, %mul3A_121 : i32
      %add3A_123 = arith.constant 1280 : i32
      %add3A_124 = arith.addi %add3A_123, %mul3A_122 : i32
      %get3A_125 = arith.index_cast %add3A_124 : i32 to index
      %get3A_126 = tpu.vector_load %arg6[%get3A_125] {strides = array<i32>} : memref<10240xf32, #tpu.memory_space<vmem>>, vector<16xf32>,
      %add3A_127 = arith.addf %add3A_120, %get3A_126 : vector<16xf32>
      %mul3A_128 = arith.constant 16 : i32
      %mul3A_129 = arith.muli %scan3A_110, %mul3A_128 : i32
      %add3A_130 = arith.constant 1920 : i32
      %add3A_131 = arith.addi %add3A_130, %mul3A_129 : i32
      %get3A_132 = arith.index_cast %add3A_131 : i32 to index
      %get3A_133 = tpu.vector_load %arg6[%get3A_132] {strides = array<i32>} : memref<10240xf32, #tpu.memory_space<vmem>>, vector<16xf32>,
      %add3A_134 = arith.addf %add3A_127, %get3A_133 : vector<16xf32>
      %mul3A_135 = arith.constant 16 : i32
      %mul3A_136 = arith.muli %scan3A_110, %mul3A_135 : i32
      %add3A_137 = arith.constant 2560 : i32
      %add3A_138 = arith.addi %add3A_137, %mul3A_136 : i32
      %get3A_139 = arith.index_cast %add3A_138 : i32 to index
      %get3A_140 = tpu.vector_load %arg6[%get3A_139] {strides = array<i32>} : memref<10240xf32, #tpu.memory_space<vmem>>, vector<16xf32>,
      %add3A_141 = arith.addf %add3A_134, %get3A_140 : vector<16xf32>
      %mul3A_142 = arith.constant 16 : i32
      %mul3A_143 = arith.muli %scan3A_110, %mul3A_142 : i32
      %add3A_144 = arith.constant 3200 : i32
      %add3A_145 = arith.addi %add3A_144, %mul3A_143 : i32
      %get3A_146 = arith.index_cast %add3A_145 : i32 to index
      %get3A_147 = tpu.vector_load %arg6[%get3A_146] {strides = array<i32>} : memref<10240xf32, #tpu.memory_space<vmem>>, vector<16xf32>,
      %add3A_148 = arith.addf %add3A_141, %get3A_147 : vector<16xf32>
      %mul3A_149 = arith.constant 16 : i32
      %mul3A_150 = arith.muli %scan3A_110, %mul3A_149 : i32
      %add3A_151 = arith.constant 3840 : i32
      %add3A_152 = arith.addi %add3A_151, %mul3A_150 : i32
      %get3A_153 = arith.index_cast %add3A_152 : i32 to index
      %get3A_154 = tpu.vector_load %arg6[%get3A_153] {strides = array<i32>} : memref<10240xf32, #tpu.memory_space<vmem>>, vector<16xf32>,
      %add3A_155 = arith.addf %add3A_148, %get3A_154 : vector<16xf32>
      %mul3A_156 = arith.constant 16 : i32
      %mul3A_157 = arith.muli %scan3A_110, %mul3A_156 : i32
      %add3A_158 = arith.constant 4480 : i32
      %add3A_159 = arith.addi %add3A_158, %mul3A_157 : i32
      %get3A_160 = arith.index_cast %add3A_159 : i32 to index
      %get3A_161 = tpu.vector_load %arg6[%get3A_160] {strides = array<i32>} : memref<10240xf32, #tpu.memory_space<vmem>>, vector<16xf32>,
      %add3A_162 = arith.addf %add3A_155, %get3A_161 : vector<16xf32>
      %mul3A_163 = arith.constant 16 : i32
      %mul3A_164 = arith.muli %scan3A_110, %mul3A_163 : i32
      %add3A_165 = arith.constant 5120 : i32
      %add3A_166 = arith.addi %add3A_165, %mul3A_164 : i32
      %get3A_167 = arith.index_cast %add3A_166 : i32 to index
      %get3A_168 = tpu.vector_load %arg6[%get3A_167] {strides = array<i32>} : memref<10240xf32, #tpu.memory_space<vmem>>, vector<16xf32>,
      %add3A_169 = arith.addf %add3A_162, %get3A_168 : vector<16xf32>
      %mul3A_170 = arith.constant 16 : i32
      %mul3A_171 = arith.muli %scan3A_110, %mul3A_170 : i32
      %add3A_172 = arith.constant 5760 : i32
      %add3A_173 = arith.addi %add3A_172, %mul3A_171 : i32
      %get3A_174 = arith.index_cast %add3A_173 : i32 to index
      %get3A_175 = tpu.vector_load %arg6[%get3A_174] {strides = array<i32>} : memref<10240xf32, #tpu.memory_space<vmem>>, vector<16xf32>,
      %add3A_176 = arith.addf %add3A_169, %get3A_175 : vector<16xf32>
      %mul3A_177 = arith.constant 16 : i32
      %mul3A_178 = arith.muli %scan3A_110, %mul3A_177 : i32
      %add3A_179 = arith.constant 6400 : i32
      %add3A_180 = arith.addi %add3A_179, %mul3A_178 : i32
      %get3A_181 = arith.index_cast %add3A_180 : i32 to index
      %get3A_182 = tpu.vector_load %arg6[%get3A_181] {strides = array<i32>} : memref<10240xf32, #tpu.memory_space<vmem>>, vector<16xf32>,
      %add3A_183 = arith.addf %add3A_176, %get3A_182 : vector<16xf32>
      %mul3A_184 = arith.constant 16 : i32
      %mul3A_185 = arith.muli %scan3A_110, %mul3A_184 : i32
      %add3A_186 = arith.constant 7040 : i32
      %add3A_187 = arith.addi %add3A_186, %mul3A_185 : i32
      %get3A_188 = arith.index_cast %add3A_187 : i32 to index
      %get3A_189 = tpu.vector_load %arg6[%get3A_188] {strides = array<i32>} : memref<10240xf32, #tpu.memory_space<vmem>>, vector<16xf32>,
      %add3A_190 = arith.addf %add3A_183, %get3A_189 : vector<16xf32>
      %mul3A_191 = arith.constant 16 : i32
      %mul3A_192 = arith.muli %scan3A_110, %mul3A_191 : i32
      %add3A_193 = arith.constant 7680 : i32
      %add3A_194 = arith.addi %add3A_193, %mul3A_192 : i32
      %get3A_195 = arith.index_cast %add3A_194 : i32 to index
      %get3A_196 = tpu.vector_load %arg6[%get3A_195] {strides = array<i32>} : memref<10240xf32, #tpu.memory_space<vmem>>, vector<16xf32>,
      %add3A_197 = arith.addf %add3A_190, %get3A_196 : vector<16xf32>
      %mul3A_198 = arith.constant 16 : i32
      %mul3A_199 = arith.muli %scan3A_110, %mul3A_198 : i32
      %add3A_200 = arith.constant 8320 : i32
      %add3A_201 = arith.addi %add3A_200, %mul3A_199 : i32
      %get3A_202 = arith.index_cast %add3A_201 : i32 to index
      %get3A_203 = tpu.vector_load %arg6[%get3A_202] {strides = array<i32>} : memref<10240xf32, #tpu.memory_space<vmem>>, vector<16xf32>,
      %add3A_204 = arith.addf %add3A_197, %get3A_203 : vector<16xf32>
      %mul3A_205 = arith.constant 16 : i32
      %mul3A_206 = arith.muli %scan3A_110, %mul3A_205 : i32
      %add3A_207 = arith.constant 8960 : i32
      %add3A_208 = arith.addi %add3A_207, %mul3A_206 : i32
      %get3A_209 = arith.index_cast %add3A_208 : i32 to index
      %get3A_210 = tpu.vector_load %arg6[%get3A_209] {strides = array<i32>} : memref<10240xf32, #tpu.memory_space<vmem>>, vector<16xf32>,
      %add3A_211 = arith.addf %add3A_204, %get3A_210 : vector<16xf32>
      %mul3A_212 = arith.constant 16 : i32
      %mul3A_213 = arith.muli %scan3A_110, %mul3A_212 : i32
      %add3A_214 = arith.constant 9600 : i32
      %add3A_215 = arith.addi %add3A_214, %mul3A_213 : i32
      %get3A_216 = arith.index_cast %add3A_215 : i32 to index
      %get3A_217 = tpu.vector_load %arg6[%get3A_216] {strides = array<i32>} : memref<10240xf32, #tpu.memory_space<vmem>>, vector<16xf32>,
      %add3A_218 = arith.addf %add3A_211, %get3A_217 : vector<16xf32>
      %mul3A_219 = arith.constant 16 : i32
      %mul3A_220 = arith.muli %scan3A_110, %mul3A_219 : i32
      %swap3A = arith.index_cast %mul3A_220 : i32 to index
      %swap3A_221 = tpu.vector_load %arg7[%swap3A] {strides = array<i32>} : memref<640xf32, #tpu.memory_space<vmem>>, vector<16xf32>,
      tpu.vector_store %arg7[%swap3A], %add3A_218 {strides = array<i32>} : memref<640xf32, #tpu.memory_space<vmem>>, vector<16xf32>,
    }
    %scan3A_104 = arith.constant 40 : i32
    %mul3A_105 = arith.constant 10240 : i32
    %mul3A_106 = arith.muli %arg0, %mul3A_105 : i32
    %mul3A_107 = arith.constant 640 : i32
    %mul3A_108 = arith.muli %arg1, %mul3A_107 : i32
    %add3A_109 = arith.addi %mul3A_106, %mul3A_108 : i32
    "tpu.region"() ({
      %run_scoped3A = tpu.sem_alloc : memref<!tpu.dma_semaphore, #tpu.memory_space<semaphore_mem>>
      %dma_start3A = tpu.memref_slice %arg3[%add3A_109] : memref<20480xf32, #tpu.memory_space<hbm>> -> memref<640xf32, #tpu.memory_space<hbm>>
      %dma_start3A_110 = tpu.memref_slice %arg3[%add3A_109] : memref<20480xf32, #tpu.memory_space<hbm>> -> memref<640xf32, #tpu.memory_space<hbm>>
      tpu.enqueue_dma source(%arg7 : memref<640xf32, #tpu.memory_space<vmem>>) target(%dma_start3A_110 : memref<640xf32, #tpu.memory_space<hbm>>) target_semaphore(%run_scoped3A : memref<!tpu.dma_semaphore, #tpu.memory_space<semaphore_mem>>)
      %dma_wait3A = tpu.memref_slice %arg3[%add3A_109] : memref<20480xf32, #tpu.memory_space<hbm>> -> memref<640xf32, #tpu.memory_space<hbm>>
      %dma_wait3A_111 = tpu.memref_slice %arg3[%add3A_109] : memref<20480xf32, #tpu.memory_space<hbm>> -> memref<640xf32, #tpu.memory_space<hbm>>
      tpu.wait_dma2 semaphore(%run_scoped3A : memref<!tpu.dma_semaphore, #tpu.memory_space<semaphore_mem>>) src(%arg7 : memref<640xf32, #tpu.memory_space<vmem>>) dst(%dma_wait3A_111 : memref<640xf32, #tpu.memory_space<hbm>>)
      tpu.yield
    }) : () -> ()
    return
  }
}

#map = affine_map<(d0, d1) -> (0, 0)>
#map1 = affine_map<(d0, d1) -> (0, 0, 0)>
module attributes {stable_mosaic.version = 14 : i64} {
  func.func @_sc_aggregate(%arg0: i32, %arg1: i32, %arg2: memref<10240x128xf32, #tpu.memory_space<hbm>>, %arg3: memref<2x5120x64xi32, #tpu.memory_space<hbm>>, %arg4: memref<2x10112x128xf32, #tpu.memory_space<hbm>>, %arg5: memref<40x64xi32, #tpu.memory_space<vmem>>, %arg6: memref<40x64xi32, #tpu.memory_space<vmem>>, %arg7: memref<64x128xf32, #tpu.memory_space<vmem>>, %arg8: memref<64x128xf32, #tpu.memory_space<vmem>>, %arg9: memref<64x128xf32, #tpu.memory_space<vmem>>, %arg10: memref<64x128xf32, #tpu.memory_space<vmem>>, %arg11: memref<10112x128xf32, #tpu.memory_space<vmem_shared>>, %arg12: memref<!tpu.dma_semaphore, #tpu.memory_space<semaphore_mem>>, %arg13: memref<!tpu.dma_semaphore, #tpu.memory_space<semaphore_mem>>, %arg14: memref<!tpu.dma_semaphore, #tpu.memory_space<semaphore_mem>>, %arg15: memref<!tpu.dma_semaphore, #tpu.memory_space<semaphore_mem>>, %arg16: memref<!tpu.dma_semaphore, #tpu.memory_space<semaphore_mem>>, %arg17: memref<!tpu.dma_semaphore, #tpu.memory_space<semaphore_mem>>, %arg18: memref<!tpu.dma_semaphore, #tpu.memory_space<semaphore_mem>>, %arg19: memref<!tpu.dma_semaphore, #tpu.memory_space<semaphore_mem>>, %arg20: memref<!tpu.dma_semaphore, #tpu.memory_space<semaphore_mem>>) attributes {dimension_semantics = [#tpu.dimension_semantics<core_parallel>, #tpu.dimension_semantics<subcore_parallel>], iteration_bounds = array<i64: 2, 16>, scalar_prefetch = 0 : i64, scratch_operands = 16 : i64, tpu.core_type = #tpu.core_type<sc_vector_subcore>, window_params = [{transform_indices = #map}, {transform_indices = #map1}, {transform_indices = #map1}]} {
    %mul3A = arith.constant 16 : i32
    %mul3A_0 = arith.muli %arg0, %mul3A : i32
    %add3A = arith.addi %mul3A_0, %arg1 : i32
    %mul3A_1 = arith.constant 632 : i32
    %mul3A_2 = arith.muli %arg1, %mul3A_1 : i32
    %eq3A = arith.constant 0 : i32
    %eq3A_3 = arith.cmpi eq, %arg0, %eq3A : i32
    %convert_element_type3A = arith.extui %eq3A_3 : i1 to i32
    %cond3A = arith.constant 0 : i32
    %cond3A_4 = arith.cmpi ne, %convert_element_type3A, %cond3A : i32
    scf.if %cond3A_4 {
      %dma_start3A_304 = arith.constant 0 : i32
      %dma_start3A_305 = tpu.memref_slice %arg11[%mul3A_2, %dma_start3A_304] : memref<10112x128xf32, #tpu.memory_space<vmem_shared>> -> memref<632x128xf32, #tpu.memory_space<vmem_shared>>
      %dma_start3A_306 = arith.constant 0 : i32
      %dma_start3A_307 = tpu.memref_slice %arg2[%mul3A_2, %dma_start3A_306] : memref<10240x128xf32, #tpu.memory_space<hbm>> -> memref<632x128xf32, #tpu.memory_space<hbm>>
      tpu.enqueue_dma source(%dma_start3A_307 : memref<632x128xf32, #tpu.memory_space<hbm>>) target(%dma_start3A_305 : memref<632x128xf32, #tpu.memory_space<vmem_shared>>) target_semaphore(%arg20 : memref<!tpu.dma_semaphore, #tpu.memory_space<semaphore_mem>>)
    } else {
    }
    %ne3A = arith.constant 0 : i32
    %ne3A_5 = arith.cmpi ne, %arg0, %ne3A : i32
    %convert_element_type3A_6 = arith.extui %ne3A_5 : i1 to i32
    %cond3A_7 = arith.constant 0 : i32
    %cond3A_8 = arith.cmpi ne, %convert_element_type3A_6, %cond3A_7 : i32
    scf.if %cond3A_8 {
      %add3A_304 = arith.constant 0 : i32
      %add3A_305 = arith.addi %mul3A_2, %add3A_304 : i32
      %dma_start3A_306 = arith.constant 0 : i32
      %dma_start3A_307 = tpu.memref_slice %arg11[%add3A_305, %dma_start3A_306] : memref<10112x128xf32, #tpu.memory_space<vmem_shared>> -> memref<112x128xf32, #tpu.memory_space<vmem_shared>>
      %dma_start3A_308 = arith.constant 10000 : i32
      %dma_start3A_309 = arith.constant 0 : i32
      %dma_start3A_310 = tpu.memref_slice %arg2[%dma_start3A_308, %dma_start3A_309] : memref<10240x128xf32, #tpu.memory_space<hbm>> -> memref<112x128xf32, #tpu.memory_space<hbm>>
      tpu.enqueue_dma source(%dma_start3A_310 : memref<112x128xf32, #tpu.memory_space<hbm>>) target(%dma_start3A_307 : memref<112x128xf32, #tpu.memory_space<vmem_shared>>) target_semaphore(%arg20 : memref<!tpu.dma_semaphore, #tpu.memory_space<semaphore_mem>>)
      %add3A_311 = arith.constant 112 : i32
      %add3A_312 = arith.addi %mul3A_2, %add3A_311 : i32
      %dma_start3A_313 = arith.constant 0 : i32
      %dma_start3A_314 = tpu.memref_slice %arg11[%add3A_312, %dma_start3A_313] : memref<10112x128xf32, #tpu.memory_space<vmem_shared>> -> memref<112x128xf32, #tpu.memory_space<vmem_shared>>
      %dma_start3A_315 = arith.constant 10000 : i32
      %dma_start3A_316 = arith.constant 0 : i32
      %dma_start3A_317 = tpu.memref_slice %arg2[%dma_start3A_315, %dma_start3A_316] : memref<10240x128xf32, #tpu.memory_space<hbm>> -> memref<112x128xf32, #tpu.memory_space<hbm>>
      tpu.enqueue_dma source(%dma_start3A_317 : memref<112x128xf32, #tpu.memory_space<hbm>>) target(%dma_start3A_314 : memref<112x128xf32, #tpu.memory_space<vmem_shared>>) target_semaphore(%arg20 : memref<!tpu.dma_semaphore, #tpu.memory_space<semaphore_mem>>)
      %add3A_318 = arith.constant 224 : i32
      %add3A_319 = arith.addi %mul3A_2, %add3A_318 : i32
      %dma_start3A_320 = arith.constant 0 : i32
      %dma_start3A_321 = tpu.memref_slice %arg11[%add3A_319, %dma_start3A_320] : memref<10112x128xf32, #tpu.memory_space<vmem_shared>> -> memref<112x128xf32, #tpu.memory_space<vmem_shared>>
      %dma_start3A_322 = arith.constant 10000 : i32
      %dma_start3A_323 = arith.constant 0 : i32
      %dma_start3A_324 = tpu.memref_slice %arg2[%dma_start3A_322, %dma_start3A_323] : memref<10240x128xf32, #tpu.memory_space<hbm>> -> memref<112x128xf32, #tpu.memory_space<hbm>>
      tpu.enqueue_dma source(%dma_start3A_324 : memref<112x128xf32, #tpu.memory_space<hbm>>) target(%dma_start3A_321 : memref<112x128xf32, #tpu.memory_space<vmem_shared>>) target_semaphore(%arg20 : memref<!tpu.dma_semaphore, #tpu.memory_space<semaphore_mem>>)
      %add3A_325 = arith.constant 336 : i32
      %add3A_326 = arith.addi %mul3A_2, %add3A_325 : i32
      %dma_start3A_327 = arith.constant 0 : i32
      %dma_start3A_328 = tpu.memref_slice %arg11[%add3A_326, %dma_start3A_327] : memref<10112x128xf32, #tpu.memory_space<vmem_shared>> -> memref<112x128xf32, #tpu.memory_space<vmem_shared>>
      %dma_start3A_329 = arith.constant 10000 : i32
      %dma_start3A_330 = arith.constant 0 : i32
      %dma_start3A_331 = tpu.memref_slice %arg2[%dma_start3A_329, %dma_start3A_330] : memref<10240x128xf32, #tpu.memory_space<hbm>> -> memref<112x128xf32, #tpu.memory_space<hbm>>
      tpu.enqueue_dma source(%dma_start3A_331 : memref<112x128xf32, #tpu.memory_space<hbm>>) target(%dma_start3A_328 : memref<112x128xf32, #tpu.memory_space<vmem_shared>>) target_semaphore(%arg20 : memref<!tpu.dma_semaphore, #tpu.memory_space<semaphore_mem>>)
      %add3A_332 = arith.constant 448 : i32
      %add3A_333 = arith.addi %mul3A_2, %add3A_332 : i32
      %dma_start3A_334 = arith.constant 0 : i32
      %dma_start3A_335 = tpu.memref_slice %arg11[%add3A_333, %dma_start3A_334] : memref<10112x128xf32, #tpu.memory_space<vmem_shared>> -> memref<112x128xf32, #tpu.memory_space<vmem_shared>>
      %dma_start3A_336 = arith.constant 10000 : i32
      %dma_start3A_337 = arith.constant 0 : i32
      %dma_start3A_338 = tpu.memref_slice %arg2[%dma_start3A_336, %dma_start3A_337] : memref<10240x128xf32, #tpu.memory_space<hbm>> -> memref<112x128xf32, #tpu.memory_space<hbm>>
      tpu.enqueue_dma source(%dma_start3A_338 : memref<112x128xf32, #tpu.memory_space<hbm>>) target(%dma_start3A_335 : memref<112x128xf32, #tpu.memory_space<vmem_shared>>) target_semaphore(%arg20 : memref<!tpu.dma_semaphore, #tpu.memory_space<semaphore_mem>>)
      %add3A_339 = arith.constant 560 : i32
      %add3A_340 = arith.addi %mul3A_2, %add3A_339 : i32
      %dma_start3A_341 = arith.constant 0 : i32
      %dma_start3A_342 = tpu.memref_slice %arg11[%add3A_340, %dma_start3A_341] : memref<10112x128xf32, #tpu.memory_space<vmem_shared>> -> memref<72x128xf32, #tpu.memory_space<vmem_shared>>
      %dma_start3A_343 = arith.constant 10000 : i32
      %dma_start3A_344 = arith.constant 0 : i32
      %dma_start3A_345 = tpu.memref_slice %arg2[%dma_start3A_343, %dma_start3A_344] : memref<10240x128xf32, #tpu.memory_space<hbm>> -> memref<72x128xf32, #tpu.memory_space<hbm>>
      tpu.enqueue_dma source(%dma_start3A_345 : memref<72x128xf32, #tpu.memory_space<hbm>>) target(%dma_start3A_342 : memref<72x128xf32, #tpu.memory_space<vmem_shared>>) target_semaphore(%arg20 : memref<!tpu.dma_semaphore, #tpu.memory_space<semaphore_mem>>)
    } else {
    }
    %mul3A_9 = arith.constant 160 : i32
    %mul3A_10 = arith.muli %add3A, %mul3A_9 : i32
    %add3A_11 = arith.constant 0 : i32
    %add3A_12 = arith.addi %mul3A_10, %add3A_11 : i32
    %run_scoped3A = arith.constant 0 : i32
    "tpu.region"() ({
      %run_scoped3A_304 = tpu.sem_alloc : memref<!tpu.dma_semaphore, #tpu.memory_space<semaphore_mem>>
      %dma_start3A_305 = arith.constant 0 : i32
      %dma_start3A_306 = tpu.memref_slice %arg3[%run_scoped3A, %add3A_12, %dma_start3A_305] : memref<2x5120x64xi32, #tpu.memory_space<hbm>> -> memref<1x40x64xi32, #tpu.memory_space<hbm>>
      %dma_start3A_307 = tpu.memref_squeeze %dma_start3A_306 : memref<1x40x64xi32, #tpu.memory_space<hbm>> -> memref<40x64xi32, #tpu.memory_space<hbm>>
      %dma_start3A_308 = arith.constant 0 : i32
      %dma_start3A_309 = tpu.memref_slice %arg3[%run_scoped3A, %add3A_12, %dma_start3A_308] : memref<2x5120x64xi32, #tpu.memory_space<hbm>> -> memref<1x40x64xi32, #tpu.memory_space<hbm>>
      %dma_start3A_310 = tpu.memref_squeeze %dma_start3A_309 : memref<1x40x64xi32, #tpu.memory_space<hbm>> -> memref<40x64xi32, #tpu.memory_space<hbm>>
      tpu.enqueue_dma source(%dma_start3A_310 : memref<40x64xi32, #tpu.memory_space<hbm>>) target(%arg5 : memref<40x64xi32, #tpu.memory_space<vmem>>) target_semaphore(%run_scoped3A_304 : memref<!tpu.dma_semaphore, #tpu.memory_space<semaphore_mem>>)
      %dma_wait3A_311 = arith.constant 0 : i32
      %dma_wait3A_312 = tpu.memref_slice %arg3[%run_scoped3A, %add3A_12, %dma_wait3A_311] : memref<2x5120x64xi32, #tpu.memory_space<hbm>> -> memref<1x40x64xi32, #tpu.memory_space<hbm>>
      %dma_wait3A_313 = tpu.memref_squeeze %dma_wait3A_312 : memref<1x40x64xi32, #tpu.memory_space<hbm>> -> memref<40x64xi32, #tpu.memory_space<hbm>>
      %dma_wait3A_314 = arith.constant 0 : i32
      %dma_wait3A_315 = tpu.memref_slice %arg3[%run_scoped3A, %add3A_12, %dma_wait3A_314] : memref<2x5120x64xi32, #tpu.memory_space<hbm>> -> memref<1x40x64xi32, #tpu.memory_space<hbm>>
      %dma_wait3A_316 = tpu.memref_squeeze %dma_wait3A_315 : memref<1x40x64xi32, #tpu.memory_space<hbm>> -> memref<40x64xi32, #tpu.memory_space<hbm>>
      tpu.wait_dma2 semaphore(%run_scoped3A_304 : memref<!tpu.dma_semaphore, #tpu.memory_space<semaphore_mem>>) src(%dma_wait3A_316 : memref<40x64xi32, #tpu.memory_space<hbm>>) dst(%arg5 : memref<40x64xi32, #tpu.memory_space<vmem>>)
      tpu.yield
    }) : () -> ()
    %mul3A_13 = arith.constant 160 : i32
    %mul3A_14 = arith.muli %add3A, %mul3A_13 : i32
    %add3A_15 = arith.constant 0 : i32
    %add3A_16 = arith.addi %mul3A_14, %add3A_15 : i32
    %run_scoped3A_17 = arith.constant 1 : i32
    "tpu.region"() ({
      %run_scoped3A_304 = tpu.sem_alloc : memref<!tpu.dma_semaphore, #tpu.memory_space<semaphore_mem>>
      %dma_start3A_305 = arith.constant 0 : i32
      %dma_start3A_306 = tpu.memref_slice %arg3[%run_scoped3A_17, %add3A_16, %dma_start3A_305] : memref<2x5120x64xi32, #tpu.memory_space<hbm>> -> memref<1x40x64xi32, #tpu.memory_space<hbm>>
      %dma_start3A_307 = tpu.memref_squeeze %dma_start3A_306 : memref<1x40x64xi32, #tpu.memory_space<hbm>> -> memref<40x64xi32, #tpu.memory_space<hbm>>
      %dma_start3A_308 = arith.constant 0 : i32
      %dma_start3A_309 = tpu.memref_slice %arg3[%run_scoped3A_17, %add3A_16, %dma_start3A_308] : memref<2x5120x64xi32, #tpu.memory_space<hbm>> -> memref<1x40x64xi32, #tpu.memory_space<hbm>>
      %dma_start3A_310 = tpu.memref_squeeze %dma_start3A_309 : memref<1x40x64xi32, #tpu.memory_space<hbm>> -> memref<40x64xi32, #tpu.memory_space<hbm>>
      tpu.enqueue_dma source(%dma_start3A_310 : memref<40x64xi32, #tpu.memory_space<hbm>>) target(%arg6 : memref<40x64xi32, #tpu.memory_space<vmem>>) target_semaphore(%run_scoped3A_304 : memref<!tpu.dma_semaphore, #tpu.memory_space<semaphore_mem>>)
      %dma_wait3A_311 = arith.constant 0 : i32
      %dma_wait3A_312 = tpu.memref_slice %arg3[%run_scoped3A_17, %add3A_16, %dma_wait3A_311] : memref<2x5120x64xi32, #tpu.memory_space<hbm>> -> memref<1x40x64xi32, #tpu.memory_space<hbm>>
      %dma_wait3A_313 = tpu.memref_squeeze %dma_wait3A_312 : memref<1x40x64xi32, #tpu.memory_space<hbm>> -> memref<40x64xi32, #tpu.memory_space<hbm>>
      %dma_wait3A_314 = arith.constant 0 : i32
      %dma_wait3A_315 = tpu.memref_slice %arg3[%run_scoped3A_17, %add3A_16, %dma_wait3A_314] : memref<2x5120x64xi32, #tpu.memory_space<hbm>> -> memref<1x40x64xi32, #tpu.memory_space<hbm>>
      %dma_wait3A_316 = tpu.memref_squeeze %dma_wait3A_315 : memref<1x40x64xi32, #tpu.memory_space<hbm>> -> memref<40x64xi32, #tpu.memory_space<hbm>>
      tpu.wait_dma2 semaphore(%run_scoped3A_304 : memref<!tpu.dma_semaphore, #tpu.memory_space<semaphore_mem>>) src(%dma_wait3A_316 : memref<40x64xi32, #tpu.memory_space<hbm>>) dst(%arg6 : memref<40x64xi32, #tpu.memory_space<vmem>>)
      tpu.yield
    }) : () -> ()
    %dma_start3A = arith.constant 0 : i32
    %dma_start3A_18 = arith.constant 0 : i32
    %dma_start3A_19 = tpu.memref_slice %arg5[%dma_start3A, %dma_start3A_18] : memref<40x64xi32, #tpu.memory_space<vmem>> -> memref<1x64xi32, #tpu.memory_space<vmem>>
    %dma_start3A_20 = tpu.memref_squeeze %dma_start3A_19 : memref<1x64xi32, #tpu.memory_space<vmem>> -> memref<64xi32, #tpu.memory_space<vmem>>
    %dma_start3A_21 = arith.constant 0 : i32
    %dma_start3A_22 = arith.constant 0 : i32
    %dma_start3A_23 = tpu.memref_slice %arg2[%dma_start3A_21, %dma_start3A_22] : memref<10240x128xf32, #tpu.memory_space<hbm>> -> memref<10240x128xf32, #tpu.memory_space<hbm>>
    tpu.enqueue_indirect_dma source(%dma_start3A_23 : memref<10240x128xf32, #tpu.memory_space<hbm>>) target(%arg7 : memref<64x128xf32, #tpu.memory_space<vmem>>) offsets(%dma_start3A_20 : memref<64xi32, #tpu.memory_space<vmem>>) semaphore(%arg12 : memref<!tpu.dma_semaphore, #tpu.memory_space<semaphore_mem>>)
    %dma_start3A_24 = arith.constant 1 : i32
    %dma_start3A_25 = arith.constant 0 : i32
    %dma_start3A_26 = tpu.memref_slice %arg5[%dma_start3A_24, %dma_start3A_25] : memref<40x64xi32, #tpu.memory_space<vmem>> -> memref<1x64xi32, #tpu.memory_space<vmem>>
    %dma_start3A_27 = tpu.memref_squeeze %dma_start3A_26 : memref<1x64xi32, #tpu.memory_space<vmem>> -> memref<64xi32, #tpu.memory_space<vmem>>
    %dma_start3A_28 = arith.constant 0 : i32
    %dma_start3A_29 = arith.constant 0 : i32
    %dma_start3A_30 = tpu.memref_slice %arg2[%dma_start3A_28, %dma_start3A_29] : memref<10240x128xf32, #tpu.memory_space<hbm>> -> memref<10240x128xf32, #tpu.memory_space<hbm>>
    tpu.enqueue_indirect_dma source(%dma_start3A_30 : memref<10240x128xf32, #tpu.memory_space<hbm>>) target(%arg8 : memref<64x128xf32, #tpu.memory_space<vmem>>) offsets(%dma_start3A_27 : memref<64xi32, #tpu.memory_space<vmem>>) semaphore(%arg13 : memref<!tpu.dma_semaphore, #tpu.memory_space<semaphore_mem>>)
    %dma_start3A_31 = arith.constant 2 : i32
    %dma_start3A_32 = arith.constant 0 : i32
    %dma_start3A_33 = tpu.memref_slice %arg5[%dma_start3A_31, %dma_start3A_32] : memref<40x64xi32, #tpu.memory_space<vmem>> -> memref<1x64xi32, #tpu.memory_space<vmem>>
    %dma_start3A_34 = tpu.memref_squeeze %dma_start3A_33 : memref<1x64xi32, #tpu.memory_space<vmem>> -> memref<64xi32, #tpu.memory_space<vmem>>
    %dma_start3A_35 = arith.constant 0 : i32
    %dma_start3A_36 = arith.constant 0 : i32
    %dma_start3A_37 = tpu.memref_slice %arg2[%dma_start3A_35, %dma_start3A_36] : memref<10240x128xf32, #tpu.memory_space<hbm>> -> memref<10240x128xf32, #tpu.memory_space<hbm>>
    tpu.enqueue_indirect_dma source(%dma_start3A_37 : memref<10240x128xf32, #tpu.memory_space<hbm>>) target(%arg9 : memref<64x128xf32, #tpu.memory_space<vmem>>) offsets(%dma_start3A_34 : memref<64xi32, #tpu.memory_space<vmem>>) semaphore(%arg14 : memref<!tpu.dma_semaphore, #tpu.memory_space<semaphore_mem>>)
    %dma_start3A_38 = arith.constant 3 : i32
    %dma_start3A_39 = arith.constant 0 : i32
    %dma_start3A_40 = tpu.memref_slice %arg5[%dma_start3A_38, %dma_start3A_39] : memref<40x64xi32, #tpu.memory_space<vmem>> -> memref<1x64xi32, #tpu.memory_space<vmem>>
    %dma_start3A_41 = tpu.memref_squeeze %dma_start3A_40 : memref<1x64xi32, #tpu.memory_space<vmem>> -> memref<64xi32, #tpu.memory_space<vmem>>
    %dma_start3A_42 = arith.constant 0 : i32
    %dma_start3A_43 = arith.constant 0 : i32
    %dma_start3A_44 = tpu.memref_slice %arg2[%dma_start3A_42, %dma_start3A_43] : memref<10240x128xf32, #tpu.memory_space<hbm>> -> memref<10240x128xf32, #tpu.memory_space<hbm>>
    tpu.enqueue_indirect_dma source(%dma_start3A_44 : memref<10240x128xf32, #tpu.memory_space<hbm>>) target(%arg10 : memref<64x128xf32, #tpu.memory_space<vmem>>) offsets(%dma_start3A_41 : memref<64xi32, #tpu.memory_space<vmem>>) semaphore(%arg15 : memref<!tpu.dma_semaphore, #tpu.memory_space<semaphore_mem>>)
    %eq3A_45 = arith.constant 0 : i32
    %eq3A_46 = arith.cmpi eq, %arg0, %eq3A_45 : i32
    %convert_element_type3A_47 = arith.extui %eq3A_46 : i1 to i32
    %cond3A_48 = arith.constant 0 : i32
    %cond3A_49 = arith.cmpi ne, %convert_element_type3A_47, %cond3A_48 : i32
    scf.if %cond3A_49 {
      %dma_wait3A_304 = arith.constant 0 : i32
      %dma_wait3A_305 = tpu.memref_slice %arg11[%mul3A_2, %dma_wait3A_304] : memref<10112x128xf32, #tpu.memory_space<vmem_shared>> -> memref<632x128xf32, #tpu.memory_space<vmem_shared>>
      %dma_wait3A_306 = arith.constant 0 : i32
      %dma_wait3A_307 = tpu.memref_slice %arg2[%mul3A_2, %dma_wait3A_306] : memref<10240x128xf32, #tpu.memory_space<hbm>> -> memref<632x128xf32, #tpu.memory_space<hbm>>
      tpu.wait_dma2 semaphore(%arg20 : memref<!tpu.dma_semaphore, #tpu.memory_space<semaphore_mem>>) src(%dma_wait3A_307 : memref<632x128xf32, #tpu.memory_space<hbm>>) dst(%dma_wait3A_305 : memref<632x128xf32, #tpu.memory_space<vmem_shared>>)
    } else {
    }
    %ne3A_50 = arith.constant 0 : i32
    %ne3A_51 = arith.cmpi ne, %arg0, %ne3A_50 : i32
    %convert_element_type3A_52 = arith.extui %ne3A_51 : i1 to i32
    %cond3A_53 = arith.constant 0 : i32
    %cond3A_54 = arith.cmpi ne, %convert_element_type3A_52, %cond3A_53 : i32
    scf.if %cond3A_54 {
      %add3A_304 = arith.constant 0 : i32
      %add3A_305 = arith.addi %mul3A_2, %add3A_304 : i32
      %dma_wait3A_306 = arith.constant 0 : i32
      %dma_wait3A_307 = tpu.memref_slice %arg11[%add3A_305, %dma_wait3A_306] : memref<10112x128xf32, #tpu.memory_space<vmem_shared>> -> memref<112x128xf32, #tpu.memory_space<vmem_shared>>
      %dma_wait3A_308 = arith.constant 10000 : i32
      %dma_wait3A_309 = arith.constant 0 : i32
      %dma_wait3A_310 = tpu.memref_slice %arg2[%dma_wait3A_308, %dma_wait3A_309] : memref<10240x128xf32, #tpu.memory_space<hbm>> -> memref<112x128xf32, #tpu.memory_space<hbm>>
      tpu.wait_dma2 semaphore(%arg20 : memref<!tpu.dma_semaphore, #tpu.memory_space<semaphore_mem>>) src(%dma_wait3A_310 : memref<112x128xf32, #tpu.memory_space<hbm>>) dst(%dma_wait3A_307 : memref<112x128xf32, #tpu.memory_space<vmem_shared>>)
      %add3A_311 = arith.constant 112 : i32
      %add3A_312 = arith.addi %mul3A_2, %add3A_311 : i32
      %dma_wait3A_313 = arith.constant 0 : i32
      %dma_wait3A_314 = tpu.memref_slice %arg11[%add3A_312, %dma_wait3A_313] : memref<10112x128xf32, #tpu.memory_space<vmem_shared>> -> memref<112x128xf32, #tpu.memory_space<vmem_shared>>
      %dma_wait3A_315 = arith.constant 10000 : i32
      %dma_wait3A_316 = arith.constant 0 : i32
      %dma_wait3A_317 = tpu.memref_slice %arg2[%dma_wait3A_315, %dma_wait3A_316] : memref<10240x128xf32, #tpu.memory_space<hbm>> -> memref<112x128xf32, #tpu.memory_space<hbm>>
      tpu.wait_dma2 semaphore(%arg20 : memref<!tpu.dma_semaphore, #tpu.memory_space<semaphore_mem>>) src(%dma_wait3A_317 : memref<112x128xf32, #tpu.memory_space<hbm>>) dst(%dma_wait3A_314 : memref<112x128xf32, #tpu.memory_space<vmem_shared>>)
      %add3A_318 = arith.constant 224 : i32
      %add3A_319 = arith.addi %mul3A_2, %add3A_318 : i32
      %dma_wait3A_320 = arith.constant 0 : i32
      %dma_wait3A_321 = tpu.memref_slice %arg11[%add3A_319, %dma_wait3A_320] : memref<10112x128xf32, #tpu.memory_space<vmem_shared>> -> memref<112x128xf32, #tpu.memory_space<vmem_shared>>
      %dma_wait3A_322 = arith.constant 10000 : i32
      %dma_wait3A_323 = arith.constant 0 : i32
      %dma_wait3A_324 = tpu.memref_slice %arg2[%dma_wait3A_322, %dma_wait3A_323] : memref<10240x128xf32, #tpu.memory_space<hbm>> -> memref<112x128xf32, #tpu.memory_space<hbm>>
      tpu.wait_dma2 semaphore(%arg20 : memref<!tpu.dma_semaphore, #tpu.memory_space<semaphore_mem>>) src(%dma_wait3A_324 : memref<112x128xf32, #tpu.memory_space<hbm>>) dst(%dma_wait3A_321 : memref<112x128xf32, #tpu.memory_space<vmem_shared>>)
      %add3A_325 = arith.constant 336 : i32
      %add3A_326 = arith.addi %mul3A_2, %add3A_325 : i32
      %dma_wait3A_327 = arith.constant 0 : i32
      %dma_wait3A_328 = tpu.memref_slice %arg11[%add3A_326, %dma_wait3A_327] : memref<10112x128xf32, #tpu.memory_space<vmem_shared>> -> memref<112x128xf32, #tpu.memory_space<vmem_shared>>
      %dma_wait3A_329 = arith.constant 10000 : i32
      %dma_wait3A_330 = arith.constant 0 : i32
      %dma_wait3A_331 = tpu.memref_slice %arg2[%dma_wait3A_329, %dma_wait3A_330] : memref<10240x128xf32, #tpu.memory_space<hbm>> -> memref<112x128xf32, #tpu.memory_space<hbm>>
      tpu.wait_dma2 semaphore(%arg20 : memref<!tpu.dma_semaphore, #tpu.memory_space<semaphore_mem>>) src(%dma_wait3A_331 : memref<112x128xf32, #tpu.memory_space<hbm>>) dst(%dma_wait3A_328 : memref<112x128xf32, #tpu.memory_space<vmem_shared>>)
      %add3A_332 = arith.constant 448 : i32
      %add3A_333 = arith.addi %mul3A_2, %add3A_332 : i32
      %dma_wait3A_334 = arith.constant 0 : i32
      %dma_wait3A_335 = tpu.memref_slice %arg11[%add3A_333, %dma_wait3A_334] : memref<10112x128xf32, #tpu.memory_space<vmem_shared>> -> memref<112x128xf32, #tpu.memory_space<vmem_shared>>
      %dma_wait3A_336 = arith.constant 10000 : i32
      %dma_wait3A_337 = arith.constant 0 : i32
      %dma_wait3A_338 = tpu.memref_slice %arg2[%dma_wait3A_336, %dma_wait3A_337] : memref<10240x128xf32, #tpu.memory_space<hbm>> -> memref<112x128xf32, #tpu.memory_space<hbm>>
      tpu.wait_dma2 semaphore(%arg20 : memref<!tpu.dma_semaphore, #tpu.memory_space<semaphore_mem>>) src(%dma_wait3A_338 : memref<112x128xf32, #tpu.memory_space<hbm>>) dst(%dma_wait3A_335 : memref<112x128xf32, #tpu.memory_space<vmem_shared>>)
      %add3A_339 = arith.constant 560 : i32
      %add3A_340 = arith.addi %mul3A_2, %add3A_339 : i32
      %dma_wait3A_341 = arith.constant 0 : i32
      %dma_wait3A_342 = tpu.memref_slice %arg11[%add3A_340, %dma_wait3A_341] : memref<10112x128xf32, #tpu.memory_space<vmem_shared>> -> memref<72x128xf32, #tpu.memory_space<vmem_shared>>
      %dma_wait3A_343 = arith.constant 10000 : i32
      %dma_wait3A_344 = arith.constant 0 : i32
      %dma_wait3A_345 = tpu.memref_slice %arg2[%dma_wait3A_343, %dma_wait3A_344] : memref<10240x128xf32, #tpu.memory_space<hbm>> -> memref<72x128xf32, #tpu.memory_space<hbm>>
      tpu.wait_dma2 semaphore(%arg20 : memref<!tpu.dma_semaphore, #tpu.memory_space<semaphore_mem>>) src(%dma_wait3A_345 : memref<72x128xf32, #tpu.memory_space<hbm>>) dst(%dma_wait3A_342 : memref<72x128xf32, #tpu.memory_space<vmem_shared>>)
    } else {
    }
    %barrier3A = arith.constant 0 : index
    tpu.barrier barrier_id(%barrier3A)
    %scan3A = arith.constant 0 : i32
    %scan3A_55 = arith.constant 0 : i32
    %scan3A_56 = arith.constant 10 : i32
    %scan3A_57 = arith.addi %scan3A_55, %scan3A_56 : i32
    %scan3A_58 = arith.constant 1 : i32
    scf.for %scan3A_304 = %scan3A_55 to %scan3A_57 step %scan3A_58  : i32 {
      %mul3A_305 = arith.constant 4 : i32
      %mul3A_306 = arith.muli %scan3A_304, %mul3A_305 : i32
      %add3A_307 = arith.constant 0 : i32
      %add3A_308 = arith.addi %mul3A_306, %add3A_307 : i32
      %dma_wait3A_309 = arith.constant 0 : i32
      %dma_wait3A_310 = tpu.memref_slice %arg5[%add3A_308, %dma_wait3A_309] : memref<40x64xi32, #tpu.memory_space<vmem>> -> memref<1x64xi32, #tpu.memory_space<vmem>>
      %dma_wait3A_311 = tpu.memref_squeeze %dma_wait3A_310 : memref<1x64xi32, #tpu.memory_space<vmem>> -> memref<64xi32, #tpu.memory_space<vmem>>
      %dma_wait3A_312 = arith.constant 0 : i32
      %dma_wait3A_313 = arith.constant 0 : i32
      %dma_wait3A_314 = tpu.memref_slice %arg2[%dma_wait3A_312, %dma_wait3A_313] : memref<10240x128xf32, #tpu.memory_space<hbm>> -> memref<10240x128xf32, #tpu.memory_space<hbm>>
      tpu.wait_indirect_dma semaphore(%arg12 : memref<!tpu.dma_semaphore, #tpu.memory_space<semaphore_mem>>) src(%dma_wait3A_314 : memref<10240x128xf32, #tpu.memory_space<hbm>>) dst(%arg7 : memref<64x128xf32, #tpu.memory_space<vmem>>)
      %dma_start3A_315 = arith.constant 0 : i32
      %dma_start3A_316 = tpu.memref_slice %arg6[%add3A_308, %dma_start3A_315] : memref<40x64xi32, #tpu.memory_space<vmem>> -> memref<1x64xi32, #tpu.memory_space<vmem>>
      %dma_start3A_317 = tpu.memref_squeeze %dma_start3A_316 : memref<1x64xi32, #tpu.memory_space<vmem>> -> memref<64xi32, #tpu.memory_space<vmem>>
      %dma_start3A_318 = arith.constant 0 : i32
      %dma_start3A_319 = arith.constant 0 : i32
      %dma_start3A_320 = tpu.memref_slice %arg11[%dma_start3A_318, %dma_start3A_319] : memref<10112x128xf32, #tpu.memory_space<vmem_shared>> -> memref<10112x128xf32, #tpu.memory_space<vmem_shared>>
      tpu.enqueue_indirect_dma source(%arg7 : memref<64x128xf32, #tpu.memory_space<vmem>>) target(%dma_start3A_320 : memref<10112x128xf32, #tpu.memory_space<vmem_shared>>) offsets(%dma_start3A_317 : memref<64xi32, #tpu.memory_space<vmem>>) semaphore(%arg16 : memref<!tpu.dma_semaphore, #tpu.memory_space<semaphore_mem>>) {add = true}
      %lt3A = arith.constant 9 : i32
      %lt3A_321 = arith.cmpi slt, %scan3A_304, %lt3A : i32
      %convert_element_type3A_322 = arith.extui %lt3A_321 : i1 to i32
      %cond3A_323 = arith.constant 0 : i32
      %cond3A_324 = arith.cmpi ne, %convert_element_type3A_322, %cond3A_323 : i32
      scf.if %cond3A_324 {
        %dma_wait3A_388 = arith.constant 0 : i32
        %dma_wait3A_389 = tpu.memref_slice %arg6[%add3A_308, %dma_wait3A_388] : memref<40x64xi32, #tpu.memory_space<vmem>> -> memref<1x64xi32, #tpu.memory_space<vmem>>
        %dma_wait3A_390 = tpu.memref_squeeze %dma_wait3A_389 : memref<1x64xi32, #tpu.memory_space<vmem>> -> memref<64xi32, #tpu.memory_space<vmem>>
        %dma_wait3A_391 = arith.constant 0 : i32
        %dma_wait3A_392 = arith.constant 0 : i32
        %dma_wait3A_393 = tpu.memref_slice %arg11[%dma_wait3A_391, %dma_wait3A_392] : memref<10112x128xf32, #tpu.memory_space<vmem_shared>> -> memref<10112x128xf32, #tpu.memory_space<vmem_shared>>
        tpu.wait_indirect_dma semaphore(%arg16 : memref<!tpu.dma_semaphore, #tpu.memory_space<semaphore_mem>>) src(%arg7 : memref<64x128xf32, #tpu.memory_space<vmem>>) dst(%dma_wait3A_393 : memref<10112x128xf32, #tpu.memory_space<vmem_shared>>)
        %add3A_394 = arith.constant 4 : i32
        %add3A_395 = arith.addi %add3A_308, %add3A_394 : i32
        %dma_start3A_396 = arith.constant 0 : i32
        %dma_start3A_397 = tpu.memref_slice %arg5[%add3A_395, %dma_start3A_396] : memref<40x64xi32, #tpu.memory_space<vmem>> -> memref<1x64xi32, #tpu.memory_space<vmem>>
        %dma_start3A_398 = tpu.memref_squeeze %dma_start3A_397 : memref<1x64xi32, #tpu.memory_space<vmem>> -> memref<64xi32, #tpu.memory_space<vmem>>
        %dma_start3A_399 = arith.constant 0 : i32
        %dma_start3A_400 = arith.constant 0 : i32
        %dma_start3A_401 = tpu.memref_slice %arg2[%dma_start3A_399, %dma_start3A_400] : memref<10240x128xf32, #tpu.memory_space<hbm>> -> memref<10240x128xf32, #tpu.memory_space<hbm>>
        tpu.enqueue_indirect_dma source(%dma_start3A_401 : memref<10240x128xf32, #tpu.memory_space<hbm>>) target(%arg7 : memref<64x128xf32, #tpu.memory_space<vmem>>) offsets(%dma_start3A_398 : memref<64xi32, #tpu.memory_space<vmem>>) semaphore(%arg12 : memref<!tpu.dma_semaphore, #tpu.memory_space<semaphore_mem>>)
      } else {
      }
      %mul3A_325 = arith.constant 4 : i32
      %mul3A_326 = arith.muli %scan3A_304, %mul3A_325 : i32
      %add3A_327 = arith.constant 1 : i32
      %add3A_328 = arith.addi %mul3A_326, %add3A_327 : i32
      %dma_wait3A_329 = arith.constant 0 : i32
      %dma_wait3A_330 = tpu.memref_slice %arg5[%add3A_328, %dma_wait3A_329] : memref<40x64xi32, #tpu.memory_space<vmem>> -> memref<1x64xi32, #tpu.memory_space<vmem>>
      %dma_wait3A_331 = tpu.memref_squeeze %dma_wait3A_330 : memref<1x64xi32, #tpu.memory_space<vmem>> -> memref<64xi32, #tpu.memory_space<vmem>>
      %dma_wait3A_332 = arith.constant 0 : i32
      %dma_wait3A_333 = arith.constant 0 : i32
      %dma_wait3A_334 = tpu.memref_slice %arg2[%dma_wait3A_332, %dma_wait3A_333] : memref<10240x128xf32, #tpu.memory_space<hbm>> -> memref<10240x128xf32, #tpu.memory_space<hbm>>
      tpu.wait_indirect_dma semaphore(%arg13 : memref<!tpu.dma_semaphore, #tpu.memory_space<semaphore_mem>>) src(%dma_wait3A_334 : memref<10240x128xf32, #tpu.memory_space<hbm>>) dst(%arg8 : memref<64x128xf32, #tpu.memory_space<vmem>>)
      %dma_start3A_335 = arith.constant 0 : i32
      %dma_start3A_336 = tpu.memref_slice %arg6[%add3A_328, %dma_start3A_335] : memref<40x64xi32, #tpu.memory_space<vmem>> -> memref<1x64xi32, #tpu.memory_space<vmem>>
      %dma_start3A_337 = tpu.memref_squeeze %dma_start3A_336 : memref<1x64xi32, #tpu.memory_space<vmem>> -> memref<64xi32, #tpu.memory_space<vmem>>
      %dma_start3A_338 = arith.constant 0 : i32
      %dma_start3A_339 = arith.constant 0 : i32
      %dma_start3A_340 = tpu.memref_slice %arg11[%dma_start3A_338, %dma_start3A_339] : memref<10112x128xf32, #tpu.memory_space<vmem_shared>> -> memref<10112x128xf32, #tpu.memory_space<vmem_shared>>
      tpu.enqueue_indirect_dma source(%arg8 : memref<64x128xf32, #tpu.memory_space<vmem>>) target(%dma_start3A_340 : memref<10112x128xf32, #tpu.memory_space<vmem_shared>>) offsets(%dma_start3A_337 : memref<64xi32, #tpu.memory_space<vmem>>) semaphore(%arg17 : memref<!tpu.dma_semaphore, #tpu.memory_space<semaphore_mem>>) {add = true}
      %lt3A_341 = arith.constant 9 : i32
      %lt3A_342 = arith.cmpi slt, %scan3A_304, %lt3A_341 : i32
      %convert_element_type3A_343 = arith.extui %lt3A_342 : i1 to i32
      %cond3A_344 = arith.constant 0 : i32
      %cond3A_345 = arith.cmpi ne, %convert_element_type3A_343, %cond3A_344 : i32
      scf.if %cond3A_345 {
        %dma_wait3A_388 = arith.constant 0 : i32
        %dma_wait3A_389 = tpu.memref_slice %arg6[%add3A_328, %dma_wait3A_388] : memref<40x64xi32, #tpu.memory_space<vmem>> -> memref<1x64xi32, #tpu.memory_space<vmem>>
        %dma_wait3A_390 = tpu.memref_squeeze %dma_wait3A_389 : memref<1x64xi32, #tpu.memory_space<vmem>> -> memref<64xi32, #tpu.memory_space<vmem>>
        %dma_wait3A_391 = arith.constant 0 : i32
        %dma_wait3A_392 = arith.constant 0 : i32
        %dma_wait3A_393 = tpu.memref_slice %arg11[%dma_wait3A_391, %dma_wait3A_392] : memref<10112x128xf32, #tpu.memory_space<vmem_shared>> -> memref<10112x128xf32, #tpu.memory_space<vmem_shared>>
        tpu.wait_indirect_dma semaphore(%arg17 : memref<!tpu.dma_semaphore, #tpu.memory_space<semaphore_mem>>) src(%arg8 : memref<64x128xf32, #tpu.memory_space<vmem>>) dst(%dma_wait3A_393 : memref<10112x128xf32, #tpu.memory_space<vmem_shared>>)
        %add3A_394 = arith.constant 4 : i32
        %add3A_395 = arith.addi %add3A_328, %add3A_394 : i32
        %dma_start3A_396 = arith.constant 0 : i32
        %dma_start3A_397 = tpu.memref_slice %arg5[%add3A_395, %dma_start3A_396] : memref<40x64xi32, #tpu.memory_space<vmem>> -> memref<1x64xi32, #tpu.memory_space<vmem>>
        %dma_start3A_398 = tpu.memref_squeeze %dma_start3A_397 : memref<1x64xi32, #tpu.memory_space<vmem>> -> memref<64xi32, #tpu.memory_space<vmem>>
        %dma_start3A_399 = arith.constant 0 : i32
        %dma_start3A_400 = arith.constant 0 : i32
        %dma_start3A_401 = tpu.memref_slice %arg2[%dma_start3A_399, %dma_start3A_400] : memref<10240x128xf32, #tpu.memory_space<hbm>> -> memref<10240x128xf32, #tpu.memory_space<hbm>>
        tpu.enqueue_indirect_dma source(%dma_start3A_401 : memref<10240x128xf32, #tpu.memory_space<hbm>>) target(%arg8 : memref<64x128xf32, #tpu.memory_space<vmem>>) offsets(%dma_start3A_398 : memref<64xi32, #tpu.memory_space<vmem>>) semaphore(%arg13 : memref<!tpu.dma_semaphore, #tpu.memory_space<semaphore_mem>>)
      } else {
      }
      %mul3A_346 = arith.constant 4 : i32
      %mul3A_347 = arith.muli %scan3A_304, %mul3A_346 : i32
      %add3A_348 = arith.constant 2 : i32
      %add3A_349 = arith.addi %mul3A_347, %add3A_348 : i32
      %dma_wait3A_350 = arith.constant 0 : i32
      %dma_wait3A_351 = tpu.memref_slice %arg5[%add3A_349, %dma_wait3A_350] : memref<40x64xi32, #tpu.memory_space<vmem>> -> memref<1x64xi32, #tpu.memory_space<vmem>>
      %dma_wait3A_352 = tpu.memref_squeeze %dma_wait3A_351 : memref<1x64xi32, #tpu.memory_space<vmem>> -> memref<64xi32, #tpu.memory_space<vmem>>
      %dma_wait3A_353 = arith.constant 0 : i32
      %dma_wait3A_354 = arith.constant 0 : i32
      %dma_wait3A_355 = tpu.memref_slice %arg2[%dma_wait3A_353, %dma_wait3A_354] : memref<10240x128xf32, #tpu.memory_space<hbm>> -> memref<10240x128xf32, #tpu.memory_space<hbm>>
      tpu.wait_indirect_dma semaphore(%arg14 : memref<!tpu.dma_semaphore, #tpu.memory_space<semaphore_mem>>) src(%dma_wait3A_355 : memref<10240x128xf32, #tpu.memory_space<hbm>>) dst(%arg9 : memref<64x128xf32, #tpu.memory_space<vmem>>)
      %dma_start3A_356 = arith.constant 0 : i32
      %dma_start3A_357 = tpu.memref_slice %arg6[%add3A_349, %dma_start3A_356] : memref<40x64xi32, #tpu.memory_space<vmem>> -> memref<1x64xi32, #tpu.memory_space<vmem>>
      %dma_start3A_358 = tpu.memref_squeeze %dma_start3A_357 : memref<1x64xi32, #tpu.memory_space<vmem>> -> memref<64xi32, #tpu.memory_space<vmem>>
      %dma_start3A_359 = arith.constant 0 : i32
      %dma_start3A_360 = arith.constant 0 : i32
      %dma_start3A_361 = tpu.memref_slice %arg11[%dma_start3A_359, %dma_start3A_360] : memref<10112x128xf32, #tpu.memory_space<vmem_shared>> -> memref<10112x128xf32, #tpu.memory_space<vmem_shared>>
      tpu.enqueue_indirect_dma source(%arg9 : memref<64x128xf32, #tpu.memory_space<vmem>>) target(%dma_start3A_361 : memref<10112x128xf32, #tpu.memory_space<vmem_shared>>) offsets(%dma_start3A_358 : memref<64xi32, #tpu.memory_space<vmem>>) semaphore(%arg18 : memref<!tpu.dma_semaphore, #tpu.memory_space<semaphore_mem>>) {add = true}
      %lt3A_362 = arith.constant 9 : i32
      %lt3A_363 = arith.cmpi slt, %scan3A_304, %lt3A_362 : i32
      %convert_element_type3A_364 = arith.extui %lt3A_363 : i1 to i32
      %cond3A_365 = arith.constant 0 : i32
      %cond3A_366 = arith.cmpi ne, %convert_element_type3A_364, %cond3A_365 : i32
      scf.if %cond3A_366 {
        %dma_wait3A_388 = arith.constant 0 : i32
        %dma_wait3A_389 = tpu.memref_slice %arg6[%add3A_349, %dma_wait3A_388] : memref<40x64xi32, #tpu.memory_space<vmem>> -> memref<1x64xi32, #tpu.memory_space<vmem>>
        %dma_wait3A_390 = tpu.memref_squeeze %dma_wait3A_389 : memref<1x64xi32, #tpu.memory_space<vmem>> -> memref<64xi32, #tpu.memory_space<vmem>>
        %dma_wait3A_391 = arith.constant 0 : i32
        %dma_wait3A_392 = arith.constant 0 : i32
        %dma_wait3A_393 = tpu.memref_slice %arg11[%dma_wait3A_391, %dma_wait3A_392] : memref<10112x128xf32, #tpu.memory_space<vmem_shared>> -> memref<10112x128xf32, #tpu.memory_space<vmem_shared>>
        tpu.wait_indirect_dma semaphore(%arg18 : memref<!tpu.dma_semaphore, #tpu.memory_space<semaphore_mem>>) src(%arg9 : memref<64x128xf32, #tpu.memory_space<vmem>>) dst(%dma_wait3A_393 : memref<10112x128xf32, #tpu.memory_space<vmem_shared>>)
        %add3A_394 = arith.constant 4 : i32
        %add3A_395 = arith.addi %add3A_349, %add3A_394 : i32
        %dma_start3A_396 = arith.constant 0 : i32
        %dma_start3A_397 = tpu.memref_slice %arg5[%add3A_395, %dma_start3A_396] : memref<40x64xi32, #tpu.memory_space<vmem>> -> memref<1x64xi32, #tpu.memory_space<vmem>>
        %dma_start3A_398 = tpu.memref_squeeze %dma_start3A_397 : memref<1x64xi32, #tpu.memory_space<vmem>> -> memref<64xi32, #tpu.memory_space<vmem>>
        %dma_start3A_399 = arith.constant 0 : i32
        %dma_start3A_400 = arith.constant 0 : i32
        %dma_start3A_401 = tpu.memref_slice %arg2[%dma_start3A_399, %dma_start3A_400] : memref<10240x128xf32, #tpu.memory_space<hbm>> -> memref<10240x128xf32, #tpu.memory_space<hbm>>
        tpu.enqueue_indirect_dma source(%dma_start3A_401 : memref<10240x128xf32, #tpu.memory_space<hbm>>) target(%arg9 : memref<64x128xf32, #tpu.memory_space<vmem>>) offsets(%dma_start3A_398 : memref<64xi32, #tpu.memory_space<vmem>>) semaphore(%arg14 : memref<!tpu.dma_semaphore, #tpu.memory_space<semaphore_mem>>)
      } else {
      }
      %mul3A_367 = arith.constant 4 : i32
      %mul3A_368 = arith.muli %scan3A_304, %mul3A_367 : i32
      %add3A_369 = arith.constant 3 : i32
      %add3A_370 = arith.addi %mul3A_368, %add3A_369 : i32
      %dma_wait3A_371 = arith.constant 0 : i32
      %dma_wait3A_372 = tpu.memref_slice %arg5[%add3A_370, %dma_wait3A_371] : memref<40x64xi32, #tpu.memory_space<vmem>> -> memref<1x64xi32, #tpu.memory_space<vmem>>
      %dma_wait3A_373 = tpu.memref_squeeze %dma_wait3A_372 : memref<1x64xi32, #tpu.memory_space<vmem>> -> memref<64xi32, #tpu.memory_space<vmem>>
      %dma_wait3A_374 = arith.constant 0 : i32
      %dma_wait3A_375 = arith.constant 0 : i32
      %dma_wait3A_376 = tpu.memref_slice %arg2[%dma_wait3A_374, %dma_wait3A_375] : memref<10240x128xf32, #tpu.memory_space<hbm>> -> memref<10240x128xf32, #tpu.memory_space<hbm>>
      tpu.wait_indirect_dma semaphore(%arg15 : memref<!tpu.dma_semaphore, #tpu.memory_space<semaphore_mem>>) src(%dma_wait3A_376 : memref<10240x128xf32, #tpu.memory_space<hbm>>) dst(%arg10 : memref<64x128xf32, #tpu.memory_space<vmem>>)
      %dma_start3A_377 = arith.constant 0 : i32
      %dma_start3A_378 = tpu.memref_slice %arg6[%add3A_370, %dma_start3A_377] : memref<40x64xi32, #tpu.memory_space<vmem>> -> memref<1x64xi32, #tpu.memory_space<vmem>>
      %dma_start3A_379 = tpu.memref_squeeze %dma_start3A_378 : memref<1x64xi32, #tpu.memory_space<vmem>> -> memref<64xi32, #tpu.memory_space<vmem>>
      %dma_start3A_380 = arith.constant 0 : i32
      %dma_start3A_381 = arith.constant 0 : i32
      %dma_start3A_382 = tpu.memref_slice %arg11[%dma_start3A_380, %dma_start3A_381] : memref<10112x128xf32, #tpu.memory_space<vmem_shared>> -> memref<10112x128xf32, #tpu.memory_space<vmem_shared>>
      tpu.enqueue_indirect_dma source(%arg10 : memref<64x128xf32, #tpu.memory_space<vmem>>) target(%dma_start3A_382 : memref<10112x128xf32, #tpu.memory_space<vmem_shared>>) offsets(%dma_start3A_379 : memref<64xi32, #tpu.memory_space<vmem>>) semaphore(%arg19 : memref<!tpu.dma_semaphore, #tpu.memory_space<semaphore_mem>>) {add = true}
      %lt3A_383 = arith.constant 9 : i32
      %lt3A_384 = arith.cmpi slt, %scan3A_304, %lt3A_383 : i32
      %convert_element_type3A_385 = arith.extui %lt3A_384 : i1 to i32
      %cond3A_386 = arith.constant 0 : i32
      %cond3A_387 = arith.cmpi ne, %convert_element_type3A_385, %cond3A_386 : i32
      scf.if %cond3A_387 {
        %dma_wait3A_388 = arith.constant 0 : i32
        %dma_wait3A_389 = tpu.memref_slice %arg6[%add3A_370, %dma_wait3A_388] : memref<40x64xi32, #tpu.memory_space<vmem>> -> memref<1x64xi32, #tpu.memory_space<vmem>>
        %dma_wait3A_390 = tpu.memref_squeeze %dma_wait3A_389 : memref<1x64xi32, #tpu.memory_space<vmem>> -> memref<64xi32, #tpu.memory_space<vmem>>
        %dma_wait3A_391 = arith.constant 0 : i32
        %dma_wait3A_392 = arith.constant 0 : i32
        %dma_wait3A_393 = tpu.memref_slice %arg11[%dma_wait3A_391, %dma_wait3A_392] : memref<10112x128xf32, #tpu.memory_space<vmem_shared>> -> memref<10112x128xf32, #tpu.memory_space<vmem_shared>>
        tpu.wait_indirect_dma semaphore(%arg19 : memref<!tpu.dma_semaphore, #tpu.memory_space<semaphore_mem>>) src(%arg10 : memref<64x128xf32, #tpu.memory_space<vmem>>) dst(%dma_wait3A_393 : memref<10112x128xf32, #tpu.memory_space<vmem_shared>>)
        %add3A_394 = arith.constant 4 : i32
        %add3A_395 = arith.addi %add3A_370, %add3A_394 : i32
        %dma_start3A_396 = arith.constant 0 : i32
        %dma_start3A_397 = tpu.memref_slice %arg5[%add3A_395, %dma_start3A_396] : memref<40x64xi32, #tpu.memory_space<vmem>> -> memref<1x64xi32, #tpu.memory_space<vmem>>
        %dma_start3A_398 = tpu.memref_squeeze %dma_start3A_397 : memref<1x64xi32, #tpu.memory_space<vmem>> -> memref<64xi32, #tpu.memory_space<vmem>>
        %dma_start3A_399 = arith.constant 0 : i32
        %dma_start3A_400 = arith.constant 0 : i32
        %dma_start3A_401 = tpu.memref_slice %arg2[%dma_start3A_399, %dma_start3A_400] : memref<10240x128xf32, #tpu.memory_space<hbm>> -> memref<10240x128xf32, #tpu.memory_space<hbm>>
        tpu.enqueue_indirect_dma source(%dma_start3A_401 : memref<10240x128xf32, #tpu.memory_space<hbm>>) target(%arg10 : memref<64x128xf32, #tpu.memory_space<vmem>>) offsets(%dma_start3A_398 : memref<64xi32, #tpu.memory_space<vmem>>) semaphore(%arg15 : memref<!tpu.dma_semaphore, #tpu.memory_space<semaphore_mem>>)
      } else {
      }
    }
    %scan3A_59 = arith.constant 10 : i32
    %dma_wait3A = arith.constant 36 : i32
    %dma_wait3A_60 = arith.constant 0 : i32
    %dma_wait3A_61 = tpu.memref_slice %arg6[%dma_wait3A, %dma_wait3A_60] : memref<40x64xi32, #tpu.memory_space<vmem>> -> memref<1x64xi32, #tpu.memory_space<vmem>>
    %dma_wait3A_62 = tpu.memref_squeeze %dma_wait3A_61 : memref<1x64xi32, #tpu.memory_space<vmem>> -> memref<64xi32, #tpu.memory_space<vmem>>
    %dma_wait3A_63 = arith.constant 0 : i32
    %dma_wait3A_64 = arith.constant 0 : i32
    %dma_wait3A_65 = tpu.memref_slice %arg11[%dma_wait3A_63, %dma_wait3A_64] : memref<10112x128xf32, #tpu.memory_space<vmem_shared>> -> memref<10112x128xf32, #tpu.memory_space<vmem_shared>>
    tpu.wait_indirect_dma semaphore(%arg16 : memref<!tpu.dma_semaphore, #tpu.memory_space<semaphore_mem>>) src(%arg7 : memref<64x128xf32, #tpu.memory_space<vmem>>) dst(%dma_wait3A_65 : memref<10112x128xf32, #tpu.memory_space<vmem_shared>>)
    %dma_wait3A_66 = arith.constant 37 : i32
    %dma_wait3A_67 = arith.constant 0 : i32
    %dma_wait3A_68 = tpu.memref_slice %arg6[%dma_wait3A_66, %dma_wait3A_67] : memref<40x64xi32, #tpu.memory_space<vmem>> -> memref<1x64xi32, #tpu.memory_space<vmem>>
    %dma_wait3A_69 = tpu.memref_squeeze %dma_wait3A_68 : memref<1x64xi32, #tpu.memory_space<vmem>> -> memref<64xi32, #tpu.memory_space<vmem>>
    %dma_wait3A_70 = arith.constant 0 : i32
    %dma_wait3A_71 = arith.constant 0 : i32
    %dma_wait3A_72 = tpu.memref_slice %arg11[%dma_wait3A_70, %dma_wait3A_71] : memref<10112x128xf32, #tpu.memory_space<vmem_shared>> -> memref<10112x128xf32, #tpu.memory_space<vmem_shared>>
    tpu.wait_indirect_dma semaphore(%arg17 : memref<!tpu.dma_semaphore, #tpu.memory_space<semaphore_mem>>) src(%arg8 : memref<64x128xf32, #tpu.memory_space<vmem>>) dst(%dma_wait3A_72 : memref<10112x128xf32, #tpu.memory_space<vmem_shared>>)
    %dma_wait3A_73 = arith.constant 38 : i32
    %dma_wait3A_74 = arith.constant 0 : i32
    %dma_wait3A_75 = tpu.memref_slice %arg6[%dma_wait3A_73, %dma_wait3A_74] : memref<40x64xi32, #tpu.memory_space<vmem>> -> memref<1x64xi32, #tpu.memory_space<vmem>>
    %dma_wait3A_76 = tpu.memref_squeeze %dma_wait3A_75 : memref<1x64xi32, #tpu.memory_space<vmem>> -> memref<64xi32, #tpu.memory_space<vmem>>
    %dma_wait3A_77 = arith.constant 0 : i32
    %dma_wait3A_78 = arith.constant 0 : i32
    %dma_wait3A_79 = tpu.memref_slice %arg11[%dma_wait3A_77, %dma_wait3A_78] : memref<10112x128xf32, #tpu.memory_space<vmem_shared>> -> memref<10112x128xf32, #tpu.memory_space<vmem_shared>>
    tpu.wait_indirect_dma semaphore(%arg18 : memref<!tpu.dma_semaphore, #tpu.memory_space<semaphore_mem>>) src(%arg9 : memref<64x128xf32, #tpu.memory_space<vmem>>) dst(%dma_wait3A_79 : memref<10112x128xf32, #tpu.memory_space<vmem_shared>>)
    %dma_wait3A_80 = arith.constant 39 : i32
    %dma_wait3A_81 = arith.constant 0 : i32
    %dma_wait3A_82 = tpu.memref_slice %arg6[%dma_wait3A_80, %dma_wait3A_81] : memref<40x64xi32, #tpu.memory_space<vmem>> -> memref<1x64xi32, #tpu.memory_space<vmem>>
    %dma_wait3A_83 = tpu.memref_squeeze %dma_wait3A_82 : memref<1x64xi32, #tpu.memory_space<vmem>> -> memref<64xi32, #tpu.memory_space<vmem>>
    %dma_wait3A_84 = arith.constant 0 : i32
    %dma_wait3A_85 = arith.constant 0 : i32
    %dma_wait3A_86 = tpu.memref_slice %arg11[%dma_wait3A_84, %dma_wait3A_85] : memref<10112x128xf32, #tpu.memory_space<vmem_shared>> -> memref<10112x128xf32, #tpu.memory_space<vmem_shared>>
    tpu.wait_indirect_dma semaphore(%arg19 : memref<!tpu.dma_semaphore, #tpu.memory_space<semaphore_mem>>) src(%arg10 : memref<64x128xf32, #tpu.memory_space<vmem>>) dst(%dma_wait3A_86 : memref<10112x128xf32, #tpu.memory_space<vmem_shared>>)
    %mul3A_87 = arith.constant 160 : i32
    %mul3A_88 = arith.muli %add3A, %mul3A_87 : i32
    %add3A_89 = arith.constant 40 : i32
    %add3A_90 = arith.addi %mul3A_88, %add3A_89 : i32
    %run_scoped3A_91 = arith.constant 0 : i32
    "tpu.region"() ({
      %run_scoped3A_304 = tpu.sem_alloc : memref<!tpu.dma_semaphore, #tpu.memory_space<semaphore_mem>>
      %dma_start3A_305 = arith.constant 0 : i32
      %dma_start3A_306 = tpu.memref_slice %arg3[%run_scoped3A_91, %add3A_90, %dma_start3A_305] : memref<2x5120x64xi32, #tpu.memory_space<hbm>> -> memref<1x40x64xi32, #tpu.memory_space<hbm>>
      %dma_start3A_307 = tpu.memref_squeeze %dma_start3A_306 : memref<1x40x64xi32, #tpu.memory_space<hbm>> -> memref<40x64xi32, #tpu.memory_space<hbm>>
      %dma_start3A_308 = arith.constant 0 : i32
      %dma_start3A_309 = tpu.memref_slice %arg3[%run_scoped3A_91, %add3A_90, %dma_start3A_308] : memref<2x5120x64xi32, #tpu.memory_space<hbm>> -> memref<1x40x64xi32, #tpu.memory_space<hbm>>
      %dma_start3A_310 = tpu.memref_squeeze %dma_start3A_309 : memref<1x40x64xi32, #tpu.memory_space<hbm>> -> memref<40x64xi32, #tpu.memory_space<hbm>>
      tpu.enqueue_dma source(%dma_start3A_310 : memref<40x64xi32, #tpu.memory_space<hbm>>) target(%arg5 : memref<40x64xi32, #tpu.memory_space<vmem>>) target_semaphore(%run_scoped3A_304 : memref<!tpu.dma_semaphore, #tpu.memory_space<semaphore_mem>>)
      %dma_wait3A_311 = arith.constant 0 : i32
      %dma_wait3A_312 = tpu.memref_slice %arg3[%run_scoped3A_91, %add3A_90, %dma_wait3A_311] : memref<2x5120x64xi32, #tpu.memory_space<hbm>> -> memref<1x40x64xi32, #tpu.memory_space<hbm>>
      %dma_wait3A_313 = tpu.memref_squeeze %dma_wait3A_312 : memref<1x40x64xi32, #tpu.memory_space<hbm>> -> memref<40x64xi32, #tpu.memory_space<hbm>>
      %dma_wait3A_314 = arith.constant 0 : i32
      %dma_wait3A_315 = tpu.memref_slice %arg3[%run_scoped3A_91, %add3A_90, %dma_wait3A_314] : memref<2x5120x64xi32, #tpu.memory_space<hbm>> -> memref<1x40x64xi32, #tpu.memory_space<hbm>>
      %dma_wait3A_316 = tpu.memref_squeeze %dma_wait3A_315 : memref<1x40x64xi32, #tpu.memory_space<hbm>> -> memref<40x64xi32, #tpu.memory_space<hbm>>
      tpu.wait_dma2 semaphore(%run_scoped3A_304 : memref<!tpu.dma_semaphore, #tpu.memory_space<semaphore_mem>>) src(%dma_wait3A_316 : memref<40x64xi32, #tpu.memory_space<hbm>>) dst(%arg5 : memref<40x64xi32, #tpu.memory_space<vmem>>)
      tpu.yield
    }) : () -> ()
    %mul3A_92 = arith.constant 160 : i32
    %mul3A_93 = arith.muli %add3A, %mul3A_92 : i32
    %add3A_94 = arith.constant 40 : i32
    %add3A_95 = arith.addi %mul3A_93, %add3A_94 : i32
    %run_scoped3A_96 = arith.constant 1 : i32
    "tpu.region"() ({
      %run_scoped3A_304 = tpu.sem_alloc : memref<!tpu.dma_semaphore, #tpu.memory_space<semaphore_mem>>
      %dma_start3A_305 = arith.constant 0 : i32
      %dma_start3A_306 = tpu.memref_slice %arg3[%run_scoped3A_96, %add3A_95, %dma_start3A_305] : memref<2x5120x64xi32, #tpu.memory_space<hbm>> -> memref<1x40x64xi32, #tpu.memory_space<hbm>>
      %dma_start3A_307 = tpu.memref_squeeze %dma_start3A_306 : memref<1x40x64xi32, #tpu.memory_space<hbm>> -> memref<40x64xi32, #tpu.memory_space<hbm>>
      %dma_start3A_308 = arith.constant 0 : i32
      %dma_start3A_309 = tpu.memref_slice %arg3[%run_scoped3A_96, %add3A_95, %dma_start3A_308] : memref<2x5120x64xi32, #tpu.memory_space<hbm>> -> memref<1x40x64xi32, #tpu.memory_space<hbm>>
      %dma_start3A_310 = tpu.memref_squeeze %dma_start3A_309 : memref<1x40x64xi32, #tpu.memory_space<hbm>> -> memref<40x64xi32, #tpu.memory_space<hbm>>
      tpu.enqueue_dma source(%dma_start3A_310 : memref<40x64xi32, #tpu.memory_space<hbm>>) target(%arg6 : memref<40x64xi32, #tpu.memory_space<vmem>>) target_semaphore(%run_scoped3A_304 : memref<!tpu.dma_semaphore, #tpu.memory_space<semaphore_mem>>)
      %dma_wait3A_311 = arith.constant 0 : i32
      %dma_wait3A_312 = tpu.memref_slice %arg3[%run_scoped3A_96, %add3A_95, %dma_wait3A_311] : memref<2x5120x64xi32, #tpu.memory_space<hbm>> -> memref<1x40x64xi32, #tpu.memory_space<hbm>>
      %dma_wait3A_313 = tpu.memref_squeeze %dma_wait3A_312 : memref<1x40x64xi32, #tpu.memory_space<hbm>> -> memref<40x64xi32, #tpu.memory_space<hbm>>
      %dma_wait3A_314 = arith.constant 0 : i32
      %dma_wait3A_315 = tpu.memref_slice %arg3[%run_scoped3A_96, %add3A_95, %dma_wait3A_314] : memref<2x5120x64xi32, #tpu.memory_space<hbm>> -> memref<1x40x64xi32, #tpu.memory_space<hbm>>
      %dma_wait3A_316 = tpu.memref_squeeze %dma_wait3A_315 : memref<1x40x64xi32, #tpu.memory_space<hbm>> -> memref<40x64xi32, #tpu.memory_space<hbm>>
      tpu.wait_dma2 semaphore(%run_scoped3A_304 : memref<!tpu.dma_semaphore, #tpu.memory_space<semaphore_mem>>) src(%dma_wait3A_316 : memref<40x64xi32, #tpu.memory_space<hbm>>) dst(%arg6 : memref<40x64xi32, #tpu.memory_space<vmem>>)
      tpu.yield
    }) : () -> ()
    %dma_start3A_97 = arith.constant 0 : i32
    %dma_start3A_98 = arith.constant 0 : i32
    %dma_start3A_99 = tpu.memref_slice %arg5[%dma_start3A_97, %dma_start3A_98] : memref<40x64xi32, #tpu.memory_space<vmem>> -> memref<1x64xi32, #tpu.memory_space<vmem>>
    %dma_start3A_100 = tpu.memref_squeeze %dma_start3A_99 : memref<1x64xi32, #tpu.memory_space<vmem>> -> memref<64xi32, #tpu.memory_space<vmem>>
    %dma_start3A_101 = arith.constant 0 : i32
    %dma_start3A_102 = arith.constant 0 : i32
    %dma_start3A_103 = tpu.memref_slice %arg2[%dma_start3A_101, %dma_start3A_102] : memref<10240x128xf32, #tpu.memory_space<hbm>> -> memref<10240x128xf32, #tpu.memory_space<hbm>>
    tpu.enqueue_indirect_dma source(%dma_start3A_103 : memref<10240x128xf32, #tpu.memory_space<hbm>>) target(%arg7 : memref<64x128xf32, #tpu.memory_space<vmem>>) offsets(%dma_start3A_100 : memref<64xi32, #tpu.memory_space<vmem>>) semaphore(%arg12 : memref<!tpu.dma_semaphore, #tpu.memory_space<semaphore_mem>>)
    %dma_start3A_104 = arith.constant 1 : i32
    %dma_start3A_105 = arith.constant 0 : i32
    %dma_start3A_106 = tpu.memref_slice %arg5[%dma_start3A_104, %dma_start3A_105] : memref<40x64xi32, #tpu.memory_space<vmem>> -> memref<1x64xi32, #tpu.memory_space<vmem>>
    %dma_start3A_107 = tpu.memref_squeeze %dma_start3A_106 : memref<1x64xi32, #tpu.memory_space<vmem>> -> memref<64xi32, #tpu.memory_space<vmem>>
    %dma_start3A_108 = arith.constant 0 : i32
    %dma_start3A_109 = arith.constant 0 : i32
    %dma_start3A_110 = tpu.memref_slice %arg2[%dma_start3A_108, %dma_start3A_109] : memref<10240x128xf32, #tpu.memory_space<hbm>> -> memref<10240x128xf32, #tpu.memory_space<hbm>>
    tpu.enqueue_indirect_dma source(%dma_start3A_110 : memref<10240x128xf32, #tpu.memory_space<hbm>>) target(%arg8 : memref<64x128xf32, #tpu.memory_space<vmem>>) offsets(%dma_start3A_107 : memref<64xi32, #tpu.memory_space<vmem>>) semaphore(%arg13 : memref<!tpu.dma_semaphore, #tpu.memory_space<semaphore_mem>>)
    %dma_start3A_111 = arith.constant 2 : i32
    %dma_start3A_112 = arith.constant 0 : i32
    %dma_start3A_113 = tpu.memref_slice %arg5[%dma_start3A_111, %dma_start3A_112] : memref<40x64xi32, #tpu.memory_space<vmem>> -> memref<1x64xi32, #tpu.memory_space<vmem>>
    %dma_start3A_114 = tpu.memref_squeeze %dma_start3A_113 : memref<1x64xi32, #tpu.memory_space<vmem>> -> memref<64xi32, #tpu.memory_space<vmem>>
    %dma_start3A_115 = arith.constant 0 : i32
    %dma_start3A_116 = arith.constant 0 : i32
    %dma_start3A_117 = tpu.memref_slice %arg2[%dma_start3A_115, %dma_start3A_116] : memref<10240x128xf32, #tpu.memory_space<hbm>> -> memref<10240x128xf32, #tpu.memory_space<hbm>>
    tpu.enqueue_indirect_dma source(%dma_start3A_117 : memref<10240x128xf32, #tpu.memory_space<hbm>>) target(%arg9 : memref<64x128xf32, #tpu.memory_space<vmem>>) offsets(%dma_start3A_114 : memref<64xi32, #tpu.memory_space<vmem>>) semaphore(%arg14 : memref<!tpu.dma_semaphore, #tpu.memory_space<semaphore_mem>>)
    %dma_start3A_118 = arith.constant 3 : i32
    %dma_start3A_119 = arith.constant 0 : i32
    %dma_start3A_120 = tpu.memref_slice %arg5[%dma_start3A_118, %dma_start3A_119] : memref<40x64xi32, #tpu.memory_space<vmem>> -> memref<1x64xi32, #tpu.memory_space<vmem>>
    %dma_start3A_121 = tpu.memref_squeeze %dma_start3A_120 : memref<1x64xi32, #tpu.memory_space<vmem>> -> memref<64xi32, #tpu.memory_space<vmem>>
    %dma_start3A_122 = arith.constant 0 : i32
    %dma_start3A_123 = arith.constant 0 : i32
    %dma_start3A_124 = tpu.memref_slice %arg2[%dma_start3A_122, %dma_start3A_123] : memref<10240x128xf32, #tpu.memory_space<hbm>> -> memref<10240x128xf32, #tpu.memory_space<hbm>>
    tpu.enqueue_indirect_dma source(%dma_start3A_124 : memref<10240x128xf32, #tpu.memory_space<hbm>>) target(%arg10 : memref<64x128xf32, #tpu.memory_space<vmem>>) offsets(%dma_start3A_121 : memref<64xi32, #tpu.memory_space<vmem>>) semaphore(%arg15 : memref<!tpu.dma_semaphore, #tpu.memory_space<semaphore_mem>>)
    %scan3A_125 = arith.constant 0 : i32
    %scan3A_126 = arith.constant 0 : i32
    %scan3A_127 = arith.constant 10 : i32
    %scan3A_128 = arith.addi %scan3A_126, %scan3A_127 : i32
    %scan3A_129 = arith.constant 1 : i32
    scf.for %scan3A_304 = %scan3A_126 to %scan3A_128 step %scan3A_129  : i32 {
      %mul3A_305 = arith.constant 4 : i32
      %mul3A_306 = arith.muli %scan3A_304, %mul3A_305 : i32
      %add3A_307 = arith.constant 0 : i32
      %add3A_308 = arith.addi %mul3A_306, %add3A_307 : i32
      %dma_wait3A_309 = arith.constant 0 : i32
      %dma_wait3A_310 = tpu.memref_slice %arg5[%add3A_308, %dma_wait3A_309] : memref<40x64xi32, #tpu.memory_space<vmem>> -> memref<1x64xi32, #tpu.memory_space<vmem>>
      %dma_wait3A_311 = tpu.memref_squeeze %dma_wait3A_310 : memref<1x64xi32, #tpu.memory_space<vmem>> -> memref<64xi32, #tpu.memory_space<vmem>>
      %dma_wait3A_312 = arith.constant 0 : i32
      %dma_wait3A_313 = arith.constant 0 : i32
      %dma_wait3A_314 = tpu.memref_slice %arg2[%dma_wait3A_312, %dma_wait3A_313] : memref<10240x128xf32, #tpu.memory_space<hbm>> -> memref<10240x128xf32, #tpu.memory_space<hbm>>
      tpu.wait_indirect_dma semaphore(%arg12 : memref<!tpu.dma_semaphore, #tpu.memory_space<semaphore_mem>>) src(%dma_wait3A_314 : memref<10240x128xf32, #tpu.memory_space<hbm>>) dst(%arg7 : memref<64x128xf32, #tpu.memory_space<vmem>>)
      %dma_start3A_315 = arith.constant 0 : i32
      %dma_start3A_316 = tpu.memref_slice %arg6[%add3A_308, %dma_start3A_315] : memref<40x64xi32, #tpu.memory_space<vmem>> -> memref<1x64xi32, #tpu.memory_space<vmem>>
      %dma_start3A_317 = tpu.memref_squeeze %dma_start3A_316 : memref<1x64xi32, #tpu.memory_space<vmem>> -> memref<64xi32, #tpu.memory_space<vmem>>
      %dma_start3A_318 = arith.constant 0 : i32
      %dma_start3A_319 = arith.constant 0 : i32
      %dma_start3A_320 = tpu.memref_slice %arg11[%dma_start3A_318, %dma_start3A_319] : memref<10112x128xf32, #tpu.memory_space<vmem_shared>> -> memref<10112x128xf32, #tpu.memory_space<vmem_shared>>
      tpu.enqueue_indirect_dma source(%arg7 : memref<64x128xf32, #tpu.memory_space<vmem>>) target(%dma_start3A_320 : memref<10112x128xf32, #tpu.memory_space<vmem_shared>>) offsets(%dma_start3A_317 : memref<64xi32, #tpu.memory_space<vmem>>) semaphore(%arg16 : memref<!tpu.dma_semaphore, #tpu.memory_space<semaphore_mem>>) {add = true}
      %lt3A = arith.constant 9 : i32
      %lt3A_321 = arith.cmpi slt, %scan3A_304, %lt3A : i32
      %convert_element_type3A_322 = arith.extui %lt3A_321 : i1 to i32
      %cond3A_323 = arith.constant 0 : i32
      %cond3A_324 = arith.cmpi ne, %convert_element_type3A_322, %cond3A_323 : i32
      scf.if %cond3A_324 {
        %dma_wait3A_388 = arith.constant 0 : i32
        %dma_wait3A_389 = tpu.memref_slice %arg6[%add3A_308, %dma_wait3A_388] : memref<40x64xi32, #tpu.memory_space<vmem>> -> memref<1x64xi32, #tpu.memory_space<vmem>>
        %dma_wait3A_390 = tpu.memref_squeeze %dma_wait3A_389 : memref<1x64xi32, #tpu.memory_space<vmem>> -> memref<64xi32, #tpu.memory_space<vmem>>
        %dma_wait3A_391 = arith.constant 0 : i32
        %dma_wait3A_392 = arith.constant 0 : i32
        %dma_wait3A_393 = tpu.memref_slice %arg11[%dma_wait3A_391, %dma_wait3A_392] : memref<10112x128xf32, #tpu.memory_space<vmem_shared>> -> memref<10112x128xf32, #tpu.memory_space<vmem_shared>>
        tpu.wait_indirect_dma semaphore(%arg16 : memref<!tpu.dma_semaphore, #tpu.memory_space<semaphore_mem>>) src(%arg7 : memref<64x128xf32, #tpu.memory_space<vmem>>) dst(%dma_wait3A_393 : memref<10112x128xf32, #tpu.memory_space<vmem_shared>>)
        %add3A_394 = arith.constant 4 : i32
        %add3A_395 = arith.addi %add3A_308, %add3A_394 : i32
        %dma_start3A_396 = arith.constant 0 : i32
        %dma_start3A_397 = tpu.memref_slice %arg5[%add3A_395, %dma_start3A_396] : memref<40x64xi32, #tpu.memory_space<vmem>> -> memref<1x64xi32, #tpu.memory_space<vmem>>
        %dma_start3A_398 = tpu.memref_squeeze %dma_start3A_397 : memref<1x64xi32, #tpu.memory_space<vmem>> -> memref<64xi32, #tpu.memory_space<vmem>>
        %dma_start3A_399 = arith.constant 0 : i32
        %dma_start3A_400 = arith.constant 0 : i32
        %dma_start3A_401 = tpu.memref_slice %arg2[%dma_start3A_399, %dma_start3A_400] : memref<10240x128xf32, #tpu.memory_space<hbm>> -> memref<10240x128xf32, #tpu.memory_space<hbm>>
        tpu.enqueue_indirect_dma source(%dma_start3A_401 : memref<10240x128xf32, #tpu.memory_space<hbm>>) target(%arg7 : memref<64x128xf32, #tpu.memory_space<vmem>>) offsets(%dma_start3A_398 : memref<64xi32, #tpu.memory_space<vmem>>) semaphore(%arg12 : memref<!tpu.dma_semaphore, #tpu.memory_space<semaphore_mem>>)
      } else {
      }
      %mul3A_325 = arith.constant 4 : i32
      %mul3A_326 = arith.muli %scan3A_304, %mul3A_325 : i32
      %add3A_327 = arith.constant 1 : i32
      %add3A_328 = arith.addi %mul3A_326, %add3A_327 : i32
      %dma_wait3A_329 = arith.constant 0 : i32
      %dma_wait3A_330 = tpu.memref_slice %arg5[%add3A_328, %dma_wait3A_329] : memref<40x64xi32, #tpu.memory_space<vmem>> -> memref<1x64xi32, #tpu.memory_space<vmem>>
      %dma_wait3A_331 = tpu.memref_squeeze %dma_wait3A_330 : memref<1x64xi32, #tpu.memory_space<vmem>> -> memref<64xi32, #tpu.memory_space<vmem>>
      %dma_wait3A_332 = arith.constant 0 : i32
      %dma_wait3A_333 = arith.constant 0 : i32
      %dma_wait3A_334 = tpu.memref_slice %arg2[%dma_wait3A_332, %dma_wait3A_333] : memref<10240x128xf32, #tpu.memory_space<hbm>> -> memref<10240x128xf32, #tpu.memory_space<hbm>>
      tpu.wait_indirect_dma semaphore(%arg13 : memref<!tpu.dma_semaphore, #tpu.memory_space<semaphore_mem>>) src(%dma_wait3A_334 : memref<10240x128xf32, #tpu.memory_space<hbm>>) dst(%arg8 : memref<64x128xf32, #tpu.memory_space<vmem>>)
      %dma_start3A_335 = arith.constant 0 : i32
      %dma_start3A_336 = tpu.memref_slice %arg6[%add3A_328, %dma_start3A_335] : memref<40x64xi32, #tpu.memory_space<vmem>> -> memref<1x64xi32, #tpu.memory_space<vmem>>
      %dma_start3A_337 = tpu.memref_squeeze %dma_start3A_336 : memref<1x64xi32, #tpu.memory_space<vmem>> -> memref<64xi32, #tpu.memory_space<vmem>>
      %dma_start3A_338 = arith.constant 0 : i32
      %dma_start3A_339 = arith.constant 0 : i32
      %dma_start3A_340 = tpu.memref_slice %arg11[%dma_start3A_338, %dma_start3A_339] : memref<10112x128xf32, #tpu.memory_space<vmem_shared>> -> memref<10112x128xf32, #tpu.memory_space<vmem_shared>>
      tpu.enqueue_indirect_dma source(%arg8 : memref<64x128xf32, #tpu.memory_space<vmem>>) target(%dma_start3A_340 : memref<10112x128xf32, #tpu.memory_space<vmem_shared>>) offsets(%dma_start3A_337 : memref<64xi32, #tpu.memory_space<vmem>>) semaphore(%arg17 : memref<!tpu.dma_semaphore, #tpu.memory_space<semaphore_mem>>) {add = true}
      %lt3A_341 = arith.constant 9 : i32
      %lt3A_342 = arith.cmpi slt, %scan3A_304, %lt3A_341 : i32
      %convert_element_type3A_343 = arith.extui %lt3A_342 : i1 to i32
      %cond3A_344 = arith.constant 0 : i32
      %cond3A_345 = arith.cmpi ne, %convert_element_type3A_343, %cond3A_344 : i32
      scf.if %cond3A_345 {
        %dma_wait3A_388 = arith.constant 0 : i32
        %dma_wait3A_389 = tpu.memref_slice %arg6[%add3A_328, %dma_wait3A_388] : memref<40x64xi32, #tpu.memory_space<vmem>> -> memref<1x64xi32, #tpu.memory_space<vmem>>
        %dma_wait3A_390 = tpu.memref_squeeze %dma_wait3A_389 : memref<1x64xi32, #tpu.memory_space<vmem>> -> memref<64xi32, #tpu.memory_space<vmem>>
        %dma_wait3A_391 = arith.constant 0 : i32
        %dma_wait3A_392 = arith.constant 0 : i32
        %dma_wait3A_393 = tpu.memref_slice %arg11[%dma_wait3A_391, %dma_wait3A_392] : memref<10112x128xf32, #tpu.memory_space<vmem_shared>> -> memref<10112x128xf32, #tpu.memory_space<vmem_shared>>
        tpu.wait_indirect_dma semaphore(%arg17 : memref<!tpu.dma_semaphore, #tpu.memory_space<semaphore_mem>>) src(%arg8 : memref<64x128xf32, #tpu.memory_space<vmem>>) dst(%dma_wait3A_393 : memref<10112x128xf32, #tpu.memory_space<vmem_shared>>)
        %add3A_394 = arith.constant 4 : i32
        %add3A_395 = arith.addi %add3A_328, %add3A_394 : i32
        %dma_start3A_396 = arith.constant 0 : i32
        %dma_start3A_397 = tpu.memref_slice %arg5[%add3A_395, %dma_start3A_396] : memref<40x64xi32, #tpu.memory_space<vmem>> -> memref<1x64xi32, #tpu.memory_space<vmem>>
        %dma_start3A_398 = tpu.memref_squeeze %dma_start3A_397 : memref<1x64xi32, #tpu.memory_space<vmem>> -> memref<64xi32, #tpu.memory_space<vmem>>
        %dma_start3A_399 = arith.constant 0 : i32
        %dma_start3A_400 = arith.constant 0 : i32
        %dma_start3A_401 = tpu.memref_slice %arg2[%dma_start3A_399, %dma_start3A_400] : memref<10240x128xf32, #tpu.memory_space<hbm>> -> memref<10240x128xf32, #tpu.memory_space<hbm>>
        tpu.enqueue_indirect_dma source(%dma_start3A_401 : memref<10240x128xf32, #tpu.memory_space<hbm>>) target(%arg8 : memref<64x128xf32, #tpu.memory_space<vmem>>) offsets(%dma_start3A_398 : memref<64xi32, #tpu.memory_space<vmem>>) semaphore(%arg13 : memref<!tpu.dma_semaphore, #tpu.memory_space<semaphore_mem>>)
      } else {
      }
      %mul3A_346 = arith.constant 4 : i32
      %mul3A_347 = arith.muli %scan3A_304, %mul3A_346 : i32
      %add3A_348 = arith.constant 2 : i32
      %add3A_349 = arith.addi %mul3A_347, %add3A_348 : i32
      %dma_wait3A_350 = arith.constant 0 : i32
      %dma_wait3A_351 = tpu.memref_slice %arg5[%add3A_349, %dma_wait3A_350] : memref<40x64xi32, #tpu.memory_space<vmem>> -> memref<1x64xi32, #tpu.memory_space<vmem>>
      %dma_wait3A_352 = tpu.memref_squeeze %dma_wait3A_351 : memref<1x64xi32, #tpu.memory_space<vmem>> -> memref<64xi32, #tpu.memory_space<vmem>>
      %dma_wait3A_353 = arith.constant 0 : i32
      %dma_wait3A_354 = arith.constant 0 : i32
      %dma_wait3A_355 = tpu.memref_slice %arg2[%dma_wait3A_353, %dma_wait3A_354] : memref<10240x128xf32, #tpu.memory_space<hbm>> -> memref<10240x128xf32, #tpu.memory_space<hbm>>
      tpu.wait_indirect_dma semaphore(%arg14 : memref<!tpu.dma_semaphore, #tpu.memory_space<semaphore_mem>>) src(%dma_wait3A_355 : memref<10240x128xf32, #tpu.memory_space<hbm>>) dst(%arg9 : memref<64x128xf32, #tpu.memory_space<vmem>>)
      %dma_start3A_356 = arith.constant 0 : i32
      %dma_start3A_357 = tpu.memref_slice %arg6[%add3A_349, %dma_start3A_356] : memref<40x64xi32, #tpu.memory_space<vmem>> -> memref<1x64xi32, #tpu.memory_space<vmem>>
      %dma_start3A_358 = tpu.memref_squeeze %dma_start3A_357 : memref<1x64xi32, #tpu.memory_space<vmem>> -> memref<64xi32, #tpu.memory_space<vmem>>
      %dma_start3A_359 = arith.constant 0 : i32
      %dma_start3A_360 = arith.constant 0 : i32
      %dma_start3A_361 = tpu.memref_slice %arg11[%dma_start3A_359, %dma_start3A_360] : memref<10112x128xf32, #tpu.memory_space<vmem_shared>> -> memref<10112x128xf32, #tpu.memory_space<vmem_shared>>
      tpu.enqueue_indirect_dma source(%arg9 : memref<64x128xf32, #tpu.memory_space<vmem>>) target(%dma_start3A_361 : memref<10112x128xf32, #tpu.memory_space<vmem_shared>>) offsets(%dma_start3A_358 : memref<64xi32, #tpu.memory_space<vmem>>) semaphore(%arg18 : memref<!tpu.dma_semaphore, #tpu.memory_space<semaphore_mem>>) {add = true}
      %lt3A_362 = arith.constant 9 : i32
      %lt3A_363 = arith.cmpi slt, %scan3A_304, %lt3A_362 : i32
      %convert_element_type3A_364 = arith.extui %lt3A_363 : i1 to i32
      %cond3A_365 = arith.constant 0 : i32
      %cond3A_366 = arith.cmpi ne, %convert_element_type3A_364, %cond3A_365 : i32
      scf.if %cond3A_366 {
        %dma_wait3A_388 = arith.constant 0 : i32
        %dma_wait3A_389 = tpu.memref_slice %arg6[%add3A_349, %dma_wait3A_388] : memref<40x64xi32, #tpu.memory_space<vmem>> -> memref<1x64xi32, #tpu.memory_space<vmem>>
        %dma_wait3A_390 = tpu.memref_squeeze %dma_wait3A_389 : memref<1x64xi32, #tpu.memory_space<vmem>> -> memref<64xi32, #tpu.memory_space<vmem>>
        %dma_wait3A_391 = arith.constant 0 : i32
        %dma_wait3A_392 = arith.constant 0 : i32
        %dma_wait3A_393 = tpu.memref_slice %arg11[%dma_wait3A_391, %dma_wait3A_392] : memref<10112x128xf32, #tpu.memory_space<vmem_shared>> -> memref<10112x128xf32, #tpu.memory_space<vmem_shared>>
        tpu.wait_indirect_dma semaphore(%arg18 : memref<!tpu.dma_semaphore, #tpu.memory_space<semaphore_mem>>) src(%arg9 : memref<64x128xf32, #tpu.memory_space<vmem>>) dst(%dma_wait3A_393 : memref<10112x128xf32, #tpu.memory_space<vmem_shared>>)
        %add3A_394 = arith.constant 4 : i32
        %add3A_395 = arith.addi %add3A_349, %add3A_394 : i32
        %dma_start3A_396 = arith.constant 0 : i32
        %dma_start3A_397 = tpu.memref_slice %arg5[%add3A_395, %dma_start3A_396] : memref<40x64xi32, #tpu.memory_space<vmem>> -> memref<1x64xi32, #tpu.memory_space<vmem>>
        %dma_start3A_398 = tpu.memref_squeeze %dma_start3A_397 : memref<1x64xi32, #tpu.memory_space<vmem>> -> memref<64xi32, #tpu.memory_space<vmem>>
        %dma_start3A_399 = arith.constant 0 : i32
        %dma_start3A_400 = arith.constant 0 : i32
        %dma_start3A_401 = tpu.memref_slice %arg2[%dma_start3A_399, %dma_start3A_400] : memref<10240x128xf32, #tpu.memory_space<hbm>> -> memref<10240x128xf32, #tpu.memory_space<hbm>>
        tpu.enqueue_indirect_dma source(%dma_start3A_401 : memref<10240x128xf32, #tpu.memory_space<hbm>>) target(%arg9 : memref<64x128xf32, #tpu.memory_space<vmem>>) offsets(%dma_start3A_398 : memref<64xi32, #tpu.memory_space<vmem>>) semaphore(%arg14 : memref<!tpu.dma_semaphore, #tpu.memory_space<semaphore_mem>>)
      } else {
      }
      %mul3A_367 = arith.constant 4 : i32
      %mul3A_368 = arith.muli %scan3A_304, %mul3A_367 : i32
      %add3A_369 = arith.constant 3 : i32
      %add3A_370 = arith.addi %mul3A_368, %add3A_369 : i32
      %dma_wait3A_371 = arith.constant 0 : i32
      %dma_wait3A_372 = tpu.memref_slice %arg5[%add3A_370, %dma_wait3A_371] : memref<40x64xi32, #tpu.memory_space<vmem>> -> memref<1x64xi32, #tpu.memory_space<vmem>>
      %dma_wait3A_373 = tpu.memref_squeeze %dma_wait3A_372 : memref<1x64xi32, #tpu.memory_space<vmem>> -> memref<64xi32, #tpu.memory_space<vmem>>
      %dma_wait3A_374 = arith.constant 0 : i32
      %dma_wait3A_375 = arith.constant 0 : i32
      %dma_wait3A_376 = tpu.memref_slice %arg2[%dma_wait3A_374, %dma_wait3A_375] : memref<10240x128xf32, #tpu.memory_space<hbm>> -> memref<10240x128xf32, #tpu.memory_space<hbm>>
      tpu.wait_indirect_dma semaphore(%arg15 : memref<!tpu.dma_semaphore, #tpu.memory_space<semaphore_mem>>) src(%dma_wait3A_376 : memref<10240x128xf32, #tpu.memory_space<hbm>>) dst(%arg10 : memref<64x128xf32, #tpu.memory_space<vmem>>)
      %dma_start3A_377 = arith.constant 0 : i32
      %dma_start3A_378 = tpu.memref_slice %arg6[%add3A_370, %dma_start3A_377] : memref<40x64xi32, #tpu.memory_space<vmem>> -> memref<1x64xi32, #tpu.memory_space<vmem>>
      %dma_start3A_379 = tpu.memref_squeeze %dma_start3A_378 : memref<1x64xi32, #tpu.memory_space<vmem>> -> memref<64xi32, #tpu.memory_space<vmem>>
      %dma_start3A_380 = arith.constant 0 : i32
      %dma_start3A_381 = arith.constant 0 : i32
      %dma_start3A_382 = tpu.memref_slice %arg11[%dma_start3A_380, %dma_start3A_381] : memref<10112x128xf32, #tpu.memory_space<vmem_shared>> -> memref<10112x128xf32, #tpu.memory_space<vmem_shared>>
      tpu.enqueue_indirect_dma source(%arg10 : memref<64x128xf32, #tpu.memory_space<vmem>>) target(%dma_start3A_382 : memref<10112x128xf32, #tpu.memory_space<vmem_shared>>) offsets(%dma_start3A_379 : memref<64xi32, #tpu.memory_space<vmem>>) semaphore(%arg19 : memref<!tpu.dma_semaphore, #tpu.memory_space<semaphore_mem>>) {add = true}
      %lt3A_383 = arith.constant 9 : i32
      %lt3A_384 = arith.cmpi slt, %scan3A_304, %lt3A_383 : i32
      %convert_element_type3A_385 = arith.extui %lt3A_384 : i1 to i32
      %cond3A_386 = arith.constant 0 : i32
      %cond3A_387 = arith.cmpi ne, %convert_element_type3A_385, %cond3A_386 : i32
      scf.if %cond3A_387 {
        %dma_wait3A_388 = arith.constant 0 : i32
        %dma_wait3A_389 = tpu.memref_slice %arg6[%add3A_370, %dma_wait3A_388] : memref<40x64xi32, #tpu.memory_space<vmem>> -> memref<1x64xi32, #tpu.memory_space<vmem>>
        %dma_wait3A_390 = tpu.memref_squeeze %dma_wait3A_389 : memref<1x64xi32, #tpu.memory_space<vmem>> -> memref<64xi32, #tpu.memory_space<vmem>>
        %dma_wait3A_391 = arith.constant 0 : i32
        %dma_wait3A_392 = arith.constant 0 : i32
        %dma_wait3A_393 = tpu.memref_slice %arg11[%dma_wait3A_391, %dma_wait3A_392] : memref<10112x128xf32, #tpu.memory_space<vmem_shared>> -> memref<10112x128xf32, #tpu.memory_space<vmem_shared>>
        tpu.wait_indirect_dma semaphore(%arg19 : memref<!tpu.dma_semaphore, #tpu.memory_space<semaphore_mem>>) src(%arg10 : memref<64x128xf32, #tpu.memory_space<vmem>>) dst(%dma_wait3A_393 : memref<10112x128xf32, #tpu.memory_space<vmem_shared>>)
        %add3A_394 = arith.constant 4 : i32
        %add3A_395 = arith.addi %add3A_370, %add3A_394 : i32
        %dma_start3A_396 = arith.constant 0 : i32
        %dma_start3A_397 = tpu.memref_slice %arg5[%add3A_395, %dma_start3A_396] : memref<40x64xi32, #tpu.memory_space<vmem>> -> memref<1x64xi32, #tpu.memory_space<vmem>>
        %dma_start3A_398 = tpu.memref_squeeze %dma_start3A_397 : memref<1x64xi32, #tpu.memory_space<vmem>> -> memref<64xi32, #tpu.memory_space<vmem>>
        %dma_start3A_399 = arith.constant 0 : i32
        %dma_start3A_400 = arith.constant 0 : i32
        %dma_start3A_401 = tpu.memref_slice %arg2[%dma_start3A_399, %dma_start3A_400] : memref<10240x128xf32, #tpu.memory_space<hbm>> -> memref<10240x128xf32, #tpu.memory_space<hbm>>
        tpu.enqueue_indirect_dma source(%dma_start3A_401 : memref<10240x128xf32, #tpu.memory_space<hbm>>) target(%arg10 : memref<64x128xf32, #tpu.memory_space<vmem>>) offsets(%dma_start3A_398 : memref<64xi32, #tpu.memory_space<vmem>>) semaphore(%arg15 : memref<!tpu.dma_semaphore, #tpu.memory_space<semaphore_mem>>)
      } else {
      }
    }
    %scan3A_130 = arith.constant 10 : i32
    %dma_wait3A_131 = arith.constant 36 : i32
    %dma_wait3A_132 = arith.constant 0 : i32
    %dma_wait3A_133 = tpu.memref_slice %arg6[%dma_wait3A_131, %dma_wait3A_132] : memref<40x64xi32, #tpu.memory_space<vmem>> -> memref<1x64xi32, #tpu.memory_space<vmem>>
    %dma_wait3A_134 = tpu.memref_squeeze %dma_wait3A_133 : memref<1x64xi32, #tpu.memory_space<vmem>> -> memref<64xi32, #tpu.memory_space<vmem>>
    %dma_wait3A_135 = arith.constant 0 : i32
    %dma_wait3A_136 = arith.constant 0 : i32
    %dma_wait3A_137 = tpu.memref_slice %arg11[%dma_wait3A_135, %dma_wait3A_136] : memref<10112x128xf32, #tpu.memory_space<vmem_shared>> -> memref<10112x128xf32, #tpu.memory_space<vmem_shared>>
    tpu.wait_indirect_dma semaphore(%arg16 : memref<!tpu.dma_semaphore, #tpu.memory_space<semaphore_mem>>) src(%arg7 : memref<64x128xf32, #tpu.memory_space<vmem>>) dst(%dma_wait3A_137 : memref<10112x128xf32, #tpu.memory_space<vmem_shared>>)
    %dma_wait3A_138 = arith.constant 37 : i32
    %dma_wait3A_139 = arith.constant 0 : i32
    %dma_wait3A_140 = tpu.memref_slice %arg6[%dma_wait3A_138, %dma_wait3A_139] : memref<40x64xi32, #tpu.memory_space<vmem>> -> memref<1x64xi32, #tpu.memory_space<vmem>>
    %dma_wait3A_141 = tpu.memref_squeeze %dma_wait3A_140 : memref<1x64xi32, #tpu.memory_space<vmem>> -> memref<64xi32, #tpu.memory_space<vmem>>
    %dma_wait3A_142 = arith.constant 0 : i32
    %dma_wait3A_143 = arith.constant 0 : i32
    %dma_wait3A_144 = tpu.memref_slice %arg11[%dma_wait3A_142, %dma_wait3A_143] : memref<10112x128xf32, #tpu.memory_space<vmem_shared>> -> memref<10112x128xf32, #tpu.memory_space<vmem_shared>>
    tpu.wait_indirect_dma semaphore(%arg17 : memref<!tpu.dma_semaphore, #tpu.memory_space<semaphore_mem>>) src(%arg8 : memref<64x128xf32, #tpu.memory_space<vmem>>) dst(%dma_wait3A_144 : memref<10112x128xf32, #tpu.memory_space<vmem_shared>>)
    %dma_wait3A_145 = arith.constant 38 : i32
    %dma_wait3A_146 = arith.constant 0 : i32
    %dma_wait3A_147 = tpu.memref_slice %arg6[%dma_wait3A_145, %dma_wait3A_146] : memref<40x64xi32, #tpu.memory_space<vmem>> -> memref<1x64xi32, #tpu.memory_space<vmem>>
    %dma_wait3A_148 = tpu.memref_squeeze %dma_wait3A_147 : memref<1x64xi32, #tpu.memory_space<vmem>> -> memref<64xi32, #tpu.memory_space<vmem>>
    %dma_wait3A_149 = arith.constant 0 : i32
    %dma_wait3A_150 = arith.constant 0 : i32
    %dma_wait3A_151 = tpu.memref_slice %arg11[%dma_wait3A_149, %dma_wait3A_150] : memref<10112x128xf32, #tpu.memory_space<vmem_shared>> -> memref<10112x128xf32, #tpu.memory_space<vmem_shared>>
    tpu.wait_indirect_dma semaphore(%arg18 : memref<!tpu.dma_semaphore, #tpu.memory_space<semaphore_mem>>) src(%arg9 : memref<64x128xf32, #tpu.memory_space<vmem>>) dst(%dma_wait3A_151 : memref<10112x128xf32, #tpu.memory_space<vmem_shared>>)
    %dma_wait3A_152 = arith.constant 39 : i32
    %dma_wait3A_153 = arith.constant 0 : i32
    %dma_wait3A_154 = tpu.memref_slice %arg6[%dma_wait3A_152, %dma_wait3A_153] : memref<40x64xi32, #tpu.memory_space<vmem>> -> memref<1x64xi32, #tpu.memory_space<vmem>>
    %dma_wait3A_155 = tpu.memref_squeeze %dma_wait3A_154 : memref<1x64xi32, #tpu.memory_space<vmem>> -> memref<64xi32, #tpu.memory_space<vmem>>
    %dma_wait3A_156 = arith.constant 0 : i32
    %dma_wait3A_157 = arith.constant 0 : i32
    %dma_wait3A_158 = tpu.memref_slice %arg11[%dma_wait3A_156, %dma_wait3A_157] : memref<10112x128xf32, #tpu.memory_space<vmem_shared>> -> memref<10112x128xf32, #tpu.memory_space<vmem_shared>>
    tpu.wait_indirect_dma semaphore(%arg19 : memref<!tpu.dma_semaphore, #tpu.memory_space<semaphore_mem>>) src(%arg10 : memref<64x128xf32, #tpu.memory_space<vmem>>) dst(%dma_wait3A_158 : memref<10112x128xf32, #tpu.memory_space<vmem_shared>>)
    %mul3A_159 = arith.constant 160 : i32
    %mul3A_160 = arith.muli %add3A, %mul3A_159 : i32
    %add3A_161 = arith.constant 80 : i32
    %add3A_162 = arith.addi %mul3A_160, %add3A_161 : i32
    %run_scoped3A_163 = arith.constant 0 : i32
    "tpu.region"() ({
      %run_scoped3A_304 = tpu.sem_alloc : memref<!tpu.dma_semaphore, #tpu.memory_space<semaphore_mem>>
      %dma_start3A_305 = arith.constant 0 : i32
      %dma_start3A_306 = tpu.memref_slice %arg3[%run_scoped3A_163, %add3A_162, %dma_start3A_305] : memref<2x5120x64xi32, #tpu.memory_space<hbm>> -> memref<1x40x64xi32, #tpu.memory_space<hbm>>
      %dma_start3A_307 = tpu.memref_squeeze %dma_start3A_306 : memref<1x40x64xi32, #tpu.memory_space<hbm>> -> memref<40x64xi32, #tpu.memory_space<hbm>>
      %dma_start3A_308 = arith.constant 0 : i32
      %dma_start3A_309 = tpu.memref_slice %arg3[%run_scoped3A_163, %add3A_162, %dma_start3A_308] : memref<2x5120x64xi32, #tpu.memory_space<hbm>> -> memref<1x40x64xi32, #tpu.memory_space<hbm>>
      %dma_start3A_310 = tpu.memref_squeeze %dma_start3A_309 : memref<1x40x64xi32, #tpu.memory_space<hbm>> -> memref<40x64xi32, #tpu.memory_space<hbm>>
      tpu.enqueue_dma source(%dma_start3A_310 : memref<40x64xi32, #tpu.memory_space<hbm>>) target(%arg5 : memref<40x64xi32, #tpu.memory_space<vmem>>) target_semaphore(%run_scoped3A_304 : memref<!tpu.dma_semaphore, #tpu.memory_space<semaphore_mem>>)
      %dma_wait3A_311 = arith.constant 0 : i32
      %dma_wait3A_312 = tpu.memref_slice %arg3[%run_scoped3A_163, %add3A_162, %dma_wait3A_311] : memref<2x5120x64xi32, #tpu.memory_space<hbm>> -> memref<1x40x64xi32, #tpu.memory_space<hbm>>
      %dma_wait3A_313 = tpu.memref_squeeze %dma_wait3A_312 : memref<1x40x64xi32, #tpu.memory_space<hbm>> -> memref<40x64xi32, #tpu.memory_space<hbm>>
      %dma_wait3A_314 = arith.constant 0 : i32
      %dma_wait3A_315 = tpu.memref_slice %arg3[%run_scoped3A_163, %add3A_162, %dma_wait3A_314] : memref<2x5120x64xi32, #tpu.memory_space<hbm>> -> memref<1x40x64xi32, #tpu.memory_space<hbm>>
      %dma_wait3A_316 = tpu.memref_squeeze %dma_wait3A_315 : memref<1x40x64xi32, #tpu.memory_space<hbm>> -> memref<40x64xi32, #tpu.memory_space<hbm>>
      tpu.wait_dma2 semaphore(%run_scoped3A_304 : memref<!tpu.dma_semaphore, #tpu.memory_space<semaphore_mem>>) src(%dma_wait3A_316 : memref<40x64xi32, #tpu.memory_space<hbm>>) dst(%arg5 : memref<40x64xi32, #tpu.memory_space<vmem>>)
      tpu.yield
    }) : () -> ()
    %mul3A_164 = arith.constant 160 : i32
    %mul3A_165 = arith.muli %add3A, %mul3A_164 : i32
    %add3A_166 = arith.constant 80 : i32
    %add3A_167 = arith.addi %mul3A_165, %add3A_166 : i32
    %run_scoped3A_168 = arith.constant 1 : i32
    "tpu.region"() ({
      %run_scoped3A_304 = tpu.sem_alloc : memref<!tpu.dma_semaphore, #tpu.memory_space<semaphore_mem>>
      %dma_start3A_305 = arith.constant 0 : i32
      %dma_start3A_306 = tpu.memref_slice %arg3[%run_scoped3A_168, %add3A_167, %dma_start3A_305] : memref<2x5120x64xi32, #tpu.memory_space<hbm>> -> memref<1x40x64xi32, #tpu.memory_space<hbm>>
      %dma_start3A_307 = tpu.memref_squeeze %dma_start3A_306 : memref<1x40x64xi32, #tpu.memory_space<hbm>> -> memref<40x64xi32, #tpu.memory_space<hbm>>
      %dma_start3A_308 = arith.constant 0 : i32
      %dma_start3A_309 = tpu.memref_slice %arg3[%run_scoped3A_168, %add3A_167, %dma_start3A_308] : memref<2x5120x64xi32, #tpu.memory_space<hbm>> -> memref<1x40x64xi32, #tpu.memory_space<hbm>>
      %dma_start3A_310 = tpu.memref_squeeze %dma_start3A_309 : memref<1x40x64xi32, #tpu.memory_space<hbm>> -> memref<40x64xi32, #tpu.memory_space<hbm>>
      tpu.enqueue_dma source(%dma_start3A_310 : memref<40x64xi32, #tpu.memory_space<hbm>>) target(%arg6 : memref<40x64xi32, #tpu.memory_space<vmem>>) target_semaphore(%run_scoped3A_304 : memref<!tpu.dma_semaphore, #tpu.memory_space<semaphore_mem>>)
      %dma_wait3A_311 = arith.constant 0 : i32
      %dma_wait3A_312 = tpu.memref_slice %arg3[%run_scoped3A_168, %add3A_167, %dma_wait3A_311] : memref<2x5120x64xi32, #tpu.memory_space<hbm>> -> memref<1x40x64xi32, #tpu.memory_space<hbm>>
      %dma_wait3A_313 = tpu.memref_squeeze %dma_wait3A_312 : memref<1x40x64xi32, #tpu.memory_space<hbm>> -> memref<40x64xi32, #tpu.memory_space<hbm>>
      %dma_wait3A_314 = arith.constant 0 : i32
      %dma_wait3A_315 = tpu.memref_slice %arg3[%run_scoped3A_168, %add3A_167, %dma_wait3A_314] : memref<2x5120x64xi32, #tpu.memory_space<hbm>> -> memref<1x40x64xi32, #tpu.memory_space<hbm>>
      %dma_wait3A_316 = tpu.memref_squeeze %dma_wait3A_315 : memref<1x40x64xi32, #tpu.memory_space<hbm>> -> memref<40x64xi32, #tpu.memory_space<hbm>>
      tpu.wait_dma2 semaphore(%run_scoped3A_304 : memref<!tpu.dma_semaphore, #tpu.memory_space<semaphore_mem>>) src(%dma_wait3A_316 : memref<40x64xi32, #tpu.memory_space<hbm>>) dst(%arg6 : memref<40x64xi32, #tpu.memory_space<vmem>>)
      tpu.yield
    }) : () -> ()
    %dma_start3A_169 = arith.constant 0 : i32
    %dma_start3A_170 = arith.constant 0 : i32
    %dma_start3A_171 = tpu.memref_slice %arg5[%dma_start3A_169, %dma_start3A_170] : memref<40x64xi32, #tpu.memory_space<vmem>> -> memref<1x64xi32, #tpu.memory_space<vmem>>
    %dma_start3A_172 = tpu.memref_squeeze %dma_start3A_171 : memref<1x64xi32, #tpu.memory_space<vmem>> -> memref<64xi32, #tpu.memory_space<vmem>>
    %dma_start3A_173 = arith.constant 0 : i32
    %dma_start3A_174 = arith.constant 0 : i32
    %dma_start3A_175 = tpu.memref_slice %arg2[%dma_start3A_173, %dma_start3A_174] : memref<10240x128xf32, #tpu.memory_space<hbm>> -> memref<10240x128xf32, #tpu.memory_space<hbm>>
    tpu.enqueue_indirect_dma source(%dma_start3A_175 : memref<10240x128xf32, #tpu.memory_space<hbm>>) target(%arg7 : memref<64x128xf32, #tpu.memory_space<vmem>>) offsets(%dma_start3A_172 : memref<64xi32, #tpu.memory_space<vmem>>) semaphore(%arg12 : memref<!tpu.dma_semaphore, #tpu.memory_space<semaphore_mem>>)
    %dma_start3A_176 = arith.constant 1 : i32
    %dma_start3A_177 = arith.constant 0 : i32
    %dma_start3A_178 = tpu.memref_slice %arg5[%dma_start3A_176, %dma_start3A_177] : memref<40x64xi32, #tpu.memory_space<vmem>> -> memref<1x64xi32, #tpu.memory_space<vmem>>
    %dma_start3A_179 = tpu.memref_squeeze %dma_start3A_178 : memref<1x64xi32, #tpu.memory_space<vmem>> -> memref<64xi32, #tpu.memory_space<vmem>>
    %dma_start3A_180 = arith.constant 0 : i32
    %dma_start3A_181 = arith.constant 0 : i32
    %dma_start3A_182 = tpu.memref_slice %arg2[%dma_start3A_180, %dma_start3A_181] : memref<10240x128xf32, #tpu.memory_space<hbm>> -> memref<10240x128xf32, #tpu.memory_space<hbm>>
    tpu.enqueue_indirect_dma source(%dma_start3A_182 : memref<10240x128xf32, #tpu.memory_space<hbm>>) target(%arg8 : memref<64x128xf32, #tpu.memory_space<vmem>>) offsets(%dma_start3A_179 : memref<64xi32, #tpu.memory_space<vmem>>) semaphore(%arg13 : memref<!tpu.dma_semaphore, #tpu.memory_space<semaphore_mem>>)
    %dma_start3A_183 = arith.constant 2 : i32
    %dma_start3A_184 = arith.constant 0 : i32
    %dma_start3A_185 = tpu.memref_slice %arg5[%dma_start3A_183, %dma_start3A_184] : memref<40x64xi32, #tpu.memory_space<vmem>> -> memref<1x64xi32, #tpu.memory_space<vmem>>
    %dma_start3A_186 = tpu.memref_squeeze %dma_start3A_185 : memref<1x64xi32, #tpu.memory_space<vmem>> -> memref<64xi32, #tpu.memory_space<vmem>>
    %dma_start3A_187 = arith.constant 0 : i32
    %dma_start3A_188 = arith.constant 0 : i32
    %dma_start3A_189 = tpu.memref_slice %arg2[%dma_start3A_187, %dma_start3A_188] : memref<10240x128xf32, #tpu.memory_space<hbm>> -> memref<10240x128xf32, #tpu.memory_space<hbm>>
    tpu.enqueue_indirect_dma source(%dma_start3A_189 : memref<10240x128xf32, #tpu.memory_space<hbm>>) target(%arg9 : memref<64x128xf32, #tpu.memory_space<vmem>>) offsets(%dma_start3A_186 : memref<64xi32, #tpu.memory_space<vmem>>) semaphore(%arg14 : memref<!tpu.dma_semaphore, #tpu.memory_space<semaphore_mem>>)
    %dma_start3A_190 = arith.constant 3 : i32
    %dma_start3A_191 = arith.constant 0 : i32
    %dma_start3A_192 = tpu.memref_slice %arg5[%dma_start3A_190, %dma_start3A_191] : memref<40x64xi32, #tpu.memory_space<vmem>> -> memref<1x64xi32, #tpu.memory_space<vmem>>
    %dma_start3A_193 = tpu.memref_squeeze %dma_start3A_192 : memref<1x64xi32, #tpu.memory_space<vmem>> -> memref<64xi32, #tpu.memory_space<vmem>>
    %dma_start3A_194 = arith.constant 0 : i32
    %dma_start3A_195 = arith.constant 0 : i32
    %dma_start3A_196 = tpu.memref_slice %arg2[%dma_start3A_194, %dma_start3A_195] : memref<10240x128xf32, #tpu.memory_space<hbm>> -> memref<10240x128xf32, #tpu.memory_space<hbm>>
    tpu.enqueue_indirect_dma source(%dma_start3A_196 : memref<10240x128xf32, #tpu.memory_space<hbm>>) target(%arg10 : memref<64x128xf32, #tpu.memory_space<vmem>>) offsets(%dma_start3A_193 : memref<64xi32, #tpu.memory_space<vmem>>) semaphore(%arg15 : memref<!tpu.dma_semaphore, #tpu.memory_space<semaphore_mem>>)
    %scan3A_197 = arith.constant 0 : i32
    %scan3A_198 = arith.constant 0 : i32
    %scan3A_199 = arith.constant 10 : i32
    %scan3A_200 = arith.addi %scan3A_198, %scan3A_199 : i32
    %scan3A_201 = arith.constant 1 : i32
    scf.for %scan3A_304 = %scan3A_198 to %scan3A_200 step %scan3A_201  : i32 {
      %mul3A_305 = arith.constant 4 : i32
      %mul3A_306 = arith.muli %scan3A_304, %mul3A_305 : i32
      %add3A_307 = arith.constant 0 : i32
      %add3A_308 = arith.addi %mul3A_306, %add3A_307 : i32
      %dma_wait3A_309 = arith.constant 0 : i32
      %dma_wait3A_310 = tpu.memref_slice %arg5[%add3A_308, %dma_wait3A_309] : memref<40x64xi32, #tpu.memory_space<vmem>> -> memref<1x64xi32, #tpu.memory_space<vmem>>
      %dma_wait3A_311 = tpu.memref_squeeze %dma_wait3A_310 : memref<1x64xi32, #tpu.memory_space<vmem>> -> memref<64xi32, #tpu.memory_space<vmem>>
      %dma_wait3A_312 = arith.constant 0 : i32
      %dma_wait3A_313 = arith.constant 0 : i32
      %dma_wait3A_314 = tpu.memref_slice %arg2[%dma_wait3A_312, %dma_wait3A_313] : memref<10240x128xf32, #tpu.memory_space<hbm>> -> memref<10240x128xf32, #tpu.memory_space<hbm>>
      tpu.wait_indirect_dma semaphore(%arg12 : memref<!tpu.dma_semaphore, #tpu.memory_space<semaphore_mem>>) src(%dma_wait3A_314 : memref<10240x128xf32, #tpu.memory_space<hbm>>) dst(%arg7 : memref<64x128xf32, #tpu.memory_space<vmem>>)
      %dma_start3A_315 = arith.constant 0 : i32
      %dma_start3A_316 = tpu.memref_slice %arg6[%add3A_308, %dma_start3A_315] : memref<40x64xi32, #tpu.memory_space<vmem>> -> memref<1x64xi32, #tpu.memory_space<vmem>>
      %dma_start3A_317 = tpu.memref_squeeze %dma_start3A_316 : memref<1x64xi32, #tpu.memory_space<vmem>> -> memref<64xi32, #tpu.memory_space<vmem>>
      %dma_start3A_318 = arith.constant 0 : i32
      %dma_start3A_319 = arith.constant 0 : i32
      %dma_start3A_320 = tpu.memref_slice %arg11[%dma_start3A_318, %dma_start3A_319] : memref<10112x128xf32, #tpu.memory_space<vmem_shared>> -> memref<10112x128xf32, #tpu.memory_space<vmem_shared>>
      tpu.enqueue_indirect_dma source(%arg7 : memref<64x128xf32, #tpu.memory_space<vmem>>) target(%dma_start3A_320 : memref<10112x128xf32, #tpu.memory_space<vmem_shared>>) offsets(%dma_start3A_317 : memref<64xi32, #tpu.memory_space<vmem>>) semaphore(%arg16 : memref<!tpu.dma_semaphore, #tpu.memory_space<semaphore_mem>>) {add = true}
      %lt3A = arith.constant 9 : i32
      %lt3A_321 = arith.cmpi slt, %scan3A_304, %lt3A : i32
      %convert_element_type3A_322 = arith.extui %lt3A_321 : i1 to i32
      %cond3A_323 = arith.constant 0 : i32
      %cond3A_324 = arith.cmpi ne, %convert_element_type3A_322, %cond3A_323 : i32
      scf.if %cond3A_324 {
        %dma_wait3A_388 = arith.constant 0 : i32
        %dma_wait3A_389 = tpu.memref_slice %arg6[%add3A_308, %dma_wait3A_388] : memref<40x64xi32, #tpu.memory_space<vmem>> -> memref<1x64xi32, #tpu.memory_space<vmem>>
        %dma_wait3A_390 = tpu.memref_squeeze %dma_wait3A_389 : memref<1x64xi32, #tpu.memory_space<vmem>> -> memref<64xi32, #tpu.memory_space<vmem>>
        %dma_wait3A_391 = arith.constant 0 : i32
        %dma_wait3A_392 = arith.constant 0 : i32
        %dma_wait3A_393 = tpu.memref_slice %arg11[%dma_wait3A_391, %dma_wait3A_392] : memref<10112x128xf32, #tpu.memory_space<vmem_shared>> -> memref<10112x128xf32, #tpu.memory_space<vmem_shared>>
        tpu.wait_indirect_dma semaphore(%arg16 : memref<!tpu.dma_semaphore, #tpu.memory_space<semaphore_mem>>) src(%arg7 : memref<64x128xf32, #tpu.memory_space<vmem>>) dst(%dma_wait3A_393 : memref<10112x128xf32, #tpu.memory_space<vmem_shared>>)
        %add3A_394 = arith.constant 4 : i32
        %add3A_395 = arith.addi %add3A_308, %add3A_394 : i32
        %dma_start3A_396 = arith.constant 0 : i32
        %dma_start3A_397 = tpu.memref_slice %arg5[%add3A_395, %dma_start3A_396] : memref<40x64xi32, #tpu.memory_space<vmem>> -> memref<1x64xi32, #tpu.memory_space<vmem>>
        %dma_start3A_398 = tpu.memref_squeeze %dma_start3A_397 : memref<1x64xi32, #tpu.memory_space<vmem>> -> memref<64xi32, #tpu.memory_space<vmem>>
        %dma_start3A_399 = arith.constant 0 : i32
        %dma_start3A_400 = arith.constant 0 : i32
        %dma_start3A_401 = tpu.memref_slice %arg2[%dma_start3A_399, %dma_start3A_400] : memref<10240x128xf32, #tpu.memory_space<hbm>> -> memref<10240x128xf32, #tpu.memory_space<hbm>>
        tpu.enqueue_indirect_dma source(%dma_start3A_401 : memref<10240x128xf32, #tpu.memory_space<hbm>>) target(%arg7 : memref<64x128xf32, #tpu.memory_space<vmem>>) offsets(%dma_start3A_398 : memref<64xi32, #tpu.memory_space<vmem>>) semaphore(%arg12 : memref<!tpu.dma_semaphore, #tpu.memory_space<semaphore_mem>>)
      } else {
      }
      %mul3A_325 = arith.constant 4 : i32
      %mul3A_326 = arith.muli %scan3A_304, %mul3A_325 : i32
      %add3A_327 = arith.constant 1 : i32
      %add3A_328 = arith.addi %mul3A_326, %add3A_327 : i32
      %dma_wait3A_329 = arith.constant 0 : i32
      %dma_wait3A_330 = tpu.memref_slice %arg5[%add3A_328, %dma_wait3A_329] : memref<40x64xi32, #tpu.memory_space<vmem>> -> memref<1x64xi32, #tpu.memory_space<vmem>>
      %dma_wait3A_331 = tpu.memref_squeeze %dma_wait3A_330 : memref<1x64xi32, #tpu.memory_space<vmem>> -> memref<64xi32, #tpu.memory_space<vmem>>
      %dma_wait3A_332 = arith.constant 0 : i32
      %dma_wait3A_333 = arith.constant 0 : i32
      %dma_wait3A_334 = tpu.memref_slice %arg2[%dma_wait3A_332, %dma_wait3A_333] : memref<10240x128xf32, #tpu.memory_space<hbm>> -> memref<10240x128xf32, #tpu.memory_space<hbm>>
      tpu.wait_indirect_dma semaphore(%arg13 : memref<!tpu.dma_semaphore, #tpu.memory_space<semaphore_mem>>) src(%dma_wait3A_334 : memref<10240x128xf32, #tpu.memory_space<hbm>>) dst(%arg8 : memref<64x128xf32, #tpu.memory_space<vmem>>)
      %dma_start3A_335 = arith.constant 0 : i32
      %dma_start3A_336 = tpu.memref_slice %arg6[%add3A_328, %dma_start3A_335] : memref<40x64xi32, #tpu.memory_space<vmem>> -> memref<1x64xi32, #tpu.memory_space<vmem>>
      %dma_start3A_337 = tpu.memref_squeeze %dma_start3A_336 : memref<1x64xi32, #tpu.memory_space<vmem>> -> memref<64xi32, #tpu.memory_space<vmem>>
      %dma_start3A_338 = arith.constant 0 : i32
      %dma_start3A_339 = arith.constant 0 : i32
      %dma_start3A_340 = tpu.memref_slice %arg11[%dma_start3A_338, %dma_start3A_339] : memref<10112x128xf32, #tpu.memory_space<vmem_shared>> -> memref<10112x128xf32, #tpu.memory_space<vmem_shared>>
      tpu.enqueue_indirect_dma source(%arg8 : memref<64x128xf32, #tpu.memory_space<vmem>>) target(%dma_start3A_340 : memref<10112x128xf32, #tpu.memory_space<vmem_shared>>) offsets(%dma_start3A_337 : memref<64xi32, #tpu.memory_space<vmem>>) semaphore(%arg17 : memref<!tpu.dma_semaphore, #tpu.memory_space<semaphore_mem>>) {add = true}
      %lt3A_341 = arith.constant 9 : i32
      %lt3A_342 = arith.cmpi slt, %scan3A_304, %lt3A_341 : i32
      %convert_element_type3A_343 = arith.extui %lt3A_342 : i1 to i32
      %cond3A_344 = arith.constant 0 : i32
      %cond3A_345 = arith.cmpi ne, %convert_element_type3A_343, %cond3A_344 : i32
      scf.if %cond3A_345 {
        %dma_wait3A_388 = arith.constant 0 : i32
        %dma_wait3A_389 = tpu.memref_slice %arg6[%add3A_328, %dma_wait3A_388] : memref<40x64xi32, #tpu.memory_space<vmem>> -> memref<1x64xi32, #tpu.memory_space<vmem>>
        %dma_wait3A_390 = tpu.memref_squeeze %dma_wait3A_389 : memref<1x64xi32, #tpu.memory_space<vmem>> -> memref<64xi32, #tpu.memory_space<vmem>>
        %dma_wait3A_391 = arith.constant 0 : i32
        %dma_wait3A_392 = arith.constant 0 : i32
        %dma_wait3A_393 = tpu.memref_slice %arg11[%dma_wait3A_391, %dma_wait3A_392] : memref<10112x128xf32, #tpu.memory_space<vmem_shared>> -> memref<10112x128xf32, #tpu.memory_space<vmem_shared>>
        tpu.wait_indirect_dma semaphore(%arg17 : memref<!tpu.dma_semaphore, #tpu.memory_space<semaphore_mem>>) src(%arg8 : memref<64x128xf32, #tpu.memory_space<vmem>>) dst(%dma_wait3A_393 : memref<10112x128xf32, #tpu.memory_space<vmem_shared>>)
        %add3A_394 = arith.constant 4 : i32
        %add3A_395 = arith.addi %add3A_328, %add3A_394 : i32
        %dma_start3A_396 = arith.constant 0 : i32
        %dma_start3A_397 = tpu.memref_slice %arg5[%add3A_395, %dma_start3A_396] : memref<40x64xi32, #tpu.memory_space<vmem>> -> memref<1x64xi32, #tpu.memory_space<vmem>>
        %dma_start3A_398 = tpu.memref_squeeze %dma_start3A_397 : memref<1x64xi32, #tpu.memory_space<vmem>> -> memref<64xi32, #tpu.memory_space<vmem>>
        %dma_start3A_399 = arith.constant 0 : i32
        %dma_start3A_400 = arith.constant 0 : i32
        %dma_start3A_401 = tpu.memref_slice %arg2[%dma_start3A_399, %dma_start3A_400] : memref<10240x128xf32, #tpu.memory_space<hbm>> -> memref<10240x128xf32, #tpu.memory_space<hbm>>
        tpu.enqueue_indirect_dma source(%dma_start3A_401 : memref<10240x128xf32, #tpu.memory_space<hbm>>) target(%arg8 : memref<64x128xf32, #tpu.memory_space<vmem>>) offsets(%dma_start3A_398 : memref<64xi32, #tpu.memory_space<vmem>>) semaphore(%arg13 : memref<!tpu.dma_semaphore, #tpu.memory_space<semaphore_mem>>)
      } else {
      }
      %mul3A_346 = arith.constant 4 : i32
      %mul3A_347 = arith.muli %scan3A_304, %mul3A_346 : i32
      %add3A_348 = arith.constant 2 : i32
      %add3A_349 = arith.addi %mul3A_347, %add3A_348 : i32
      %dma_wait3A_350 = arith.constant 0 : i32
      %dma_wait3A_351 = tpu.memref_slice %arg5[%add3A_349, %dma_wait3A_350] : memref<40x64xi32, #tpu.memory_space<vmem>> -> memref<1x64xi32, #tpu.memory_space<vmem>>
      %dma_wait3A_352 = tpu.memref_squeeze %dma_wait3A_351 : memref<1x64xi32, #tpu.memory_space<vmem>> -> memref<64xi32, #tpu.memory_space<vmem>>
      %dma_wait3A_353 = arith.constant 0 : i32
      %dma_wait3A_354 = arith.constant 0 : i32
      %dma_wait3A_355 = tpu.memref_slice %arg2[%dma_wait3A_353, %dma_wait3A_354] : memref<10240x128xf32, #tpu.memory_space<hbm>> -> memref<10240x128xf32, #tpu.memory_space<hbm>>
      tpu.wait_indirect_dma semaphore(%arg14 : memref<!tpu.dma_semaphore, #tpu.memory_space<semaphore_mem>>) src(%dma_wait3A_355 : memref<10240x128xf32, #tpu.memory_space<hbm>>) dst(%arg9 : memref<64x128xf32, #tpu.memory_space<vmem>>)
      %dma_start3A_356 = arith.constant 0 : i32
      %dma_start3A_357 = tpu.memref_slice %arg6[%add3A_349, %dma_start3A_356] : memref<40x64xi32, #tpu.memory_space<vmem>> -> memref<1x64xi32, #tpu.memory_space<vmem>>
      %dma_start3A_358 = tpu.memref_squeeze %dma_start3A_357 : memref<1x64xi32, #tpu.memory_space<vmem>> -> memref<64xi32, #tpu.memory_space<vmem>>
      %dma_start3A_359 = arith.constant 0 : i32
      %dma_start3A_360 = arith.constant 0 : i32
      %dma_start3A_361 = tpu.memref_slice %arg11[%dma_start3A_359, %dma_start3A_360] : memref<10112x128xf32, #tpu.memory_space<vmem_shared>> -> memref<10112x128xf32, #tpu.memory_space<vmem_shared>>
      tpu.enqueue_indirect_dma source(%arg9 : memref<64x128xf32, #tpu.memory_space<vmem>>) target(%dma_start3A_361 : memref<10112x128xf32, #tpu.memory_space<vmem_shared>>) offsets(%dma_start3A_358 : memref<64xi32, #tpu.memory_space<vmem>>) semaphore(%arg18 : memref<!tpu.dma_semaphore, #tpu.memory_space<semaphore_mem>>) {add = true}
      %lt3A_362 = arith.constant 9 : i32
      %lt3A_363 = arith.cmpi slt, %scan3A_304, %lt3A_362 : i32
      %convert_element_type3A_364 = arith.extui %lt3A_363 : i1 to i32
      %cond3A_365 = arith.constant 0 : i32
      %cond3A_366 = arith.cmpi ne, %convert_element_type3A_364, %cond3A_365 : i32
      scf.if %cond3A_366 {
        %dma_wait3A_388 = arith.constant 0 : i32
        %dma_wait3A_389 = tpu.memref_slice %arg6[%add3A_349, %dma_wait3A_388] : memref<40x64xi32, #tpu.memory_space<vmem>> -> memref<1x64xi32, #tpu.memory_space<vmem>>
        %dma_wait3A_390 = tpu.memref_squeeze %dma_wait3A_389 : memref<1x64xi32, #tpu.memory_space<vmem>> -> memref<64xi32, #tpu.memory_space<vmem>>
        %dma_wait3A_391 = arith.constant 0 : i32
        %dma_wait3A_392 = arith.constant 0 : i32
        %dma_wait3A_393 = tpu.memref_slice %arg11[%dma_wait3A_391, %dma_wait3A_392] : memref<10112x128xf32, #tpu.memory_space<vmem_shared>> -> memref<10112x128xf32, #tpu.memory_space<vmem_shared>>
        tpu.wait_indirect_dma semaphore(%arg18 : memref<!tpu.dma_semaphore, #tpu.memory_space<semaphore_mem>>) src(%arg9 : memref<64x128xf32, #tpu.memory_space<vmem>>) dst(%dma_wait3A_393 : memref<10112x128xf32, #tpu.memory_space<vmem_shared>>)
        %add3A_394 = arith.constant 4 : i32
        %add3A_395 = arith.addi %add3A_349, %add3A_394 : i32
        %dma_start3A_396 = arith.constant 0 : i32
        %dma_start3A_397 = tpu.memref_slice %arg5[%add3A_395, %dma_start3A_396] : memref<40x64xi32, #tpu.memory_space<vmem>> -> memref<1x64xi32, #tpu.memory_space<vmem>>
        %dma_start3A_398 = tpu.memref_squeeze %dma_start3A_397 : memref<1x64xi32, #tpu.memory_space<vmem>> -> memref<64xi32, #tpu.memory_space<vmem>>
        %dma_start3A_399 = arith.constant 0 : i32
        %dma_start3A_400 = arith.constant 0 : i32
        %dma_start3A_401 = tpu.memref_slice %arg2[%dma_start3A_399, %dma_start3A_400] : memref<10240x128xf32, #tpu.memory_space<hbm>> -> memref<10240x128xf32, #tpu.memory_space<hbm>>
        tpu.enqueue_indirect_dma source(%dma_start3A_401 : memref<10240x128xf32, #tpu.memory_space<hbm>>) target(%arg9 : memref<64x128xf32, #tpu.memory_space<vmem>>) offsets(%dma_start3A_398 : memref<64xi32, #tpu.memory_space<vmem>>) semaphore(%arg14 : memref<!tpu.dma_semaphore, #tpu.memory_space<semaphore_mem>>)
      } else {
      }
      %mul3A_367 = arith.constant 4 : i32
      %mul3A_368 = arith.muli %scan3A_304, %mul3A_367 : i32
      %add3A_369 = arith.constant 3 : i32
      %add3A_370 = arith.addi %mul3A_368, %add3A_369 : i32
      %dma_wait3A_371 = arith.constant 0 : i32
      %dma_wait3A_372 = tpu.memref_slice %arg5[%add3A_370, %dma_wait3A_371] : memref<40x64xi32, #tpu.memory_space<vmem>> -> memref<1x64xi32, #tpu.memory_space<vmem>>
      %dma_wait3A_373 = tpu.memref_squeeze %dma_wait3A_372 : memref<1x64xi32, #tpu.memory_space<vmem>> -> memref<64xi32, #tpu.memory_space<vmem>>
      %dma_wait3A_374 = arith.constant 0 : i32
      %dma_wait3A_375 = arith.constant 0 : i32
      %dma_wait3A_376 = tpu.memref_slice %arg2[%dma_wait3A_374, %dma_wait3A_375] : memref<10240x128xf32, #tpu.memory_space<hbm>> -> memref<10240x128xf32, #tpu.memory_space<hbm>>
      tpu.wait_indirect_dma semaphore(%arg15 : memref<!tpu.dma_semaphore, #tpu.memory_space<semaphore_mem>>) src(%dma_wait3A_376 : memref<10240x128xf32, #tpu.memory_space<hbm>>) dst(%arg10 : memref<64x128xf32, #tpu.memory_space<vmem>>)
      %dma_start3A_377 = arith.constant 0 : i32
      %dma_start3A_378 = tpu.memref_slice %arg6[%add3A_370, %dma_start3A_377] : memref<40x64xi32, #tpu.memory_space<vmem>> -> memref<1x64xi32, #tpu.memory_space<vmem>>
      %dma_start3A_379 = tpu.memref_squeeze %dma_start3A_378 : memref<1x64xi32, #tpu.memory_space<vmem>> -> memref<64xi32, #tpu.memory_space<vmem>>
      %dma_start3A_380 = arith.constant 0 : i32
      %dma_start3A_381 = arith.constant 0 : i32
      %dma_start3A_382 = tpu.memref_slice %arg11[%dma_start3A_380, %dma_start3A_381] : memref<10112x128xf32, #tpu.memory_space<vmem_shared>> -> memref<10112x128xf32, #tpu.memory_space<vmem_shared>>
      tpu.enqueue_indirect_dma source(%arg10 : memref<64x128xf32, #tpu.memory_space<vmem>>) target(%dma_start3A_382 : memref<10112x128xf32, #tpu.memory_space<vmem_shared>>) offsets(%dma_start3A_379 : memref<64xi32, #tpu.memory_space<vmem>>) semaphore(%arg19 : memref<!tpu.dma_semaphore, #tpu.memory_space<semaphore_mem>>) {add = true}
      %lt3A_383 = arith.constant 9 : i32
      %lt3A_384 = arith.cmpi slt, %scan3A_304, %lt3A_383 : i32
      %convert_element_type3A_385 = arith.extui %lt3A_384 : i1 to i32
      %cond3A_386 = arith.constant 0 : i32
      %cond3A_387 = arith.cmpi ne, %convert_element_type3A_385, %cond3A_386 : i32
      scf.if %cond3A_387 {
        %dma_wait3A_388 = arith.constant 0 : i32
        %dma_wait3A_389 = tpu.memref_slice %arg6[%add3A_370, %dma_wait3A_388] : memref<40x64xi32, #tpu.memory_space<vmem>> -> memref<1x64xi32, #tpu.memory_space<vmem>>
        %dma_wait3A_390 = tpu.memref_squeeze %dma_wait3A_389 : memref<1x64xi32, #tpu.memory_space<vmem>> -> memref<64xi32, #tpu.memory_space<vmem>>
        %dma_wait3A_391 = arith.constant 0 : i32
        %dma_wait3A_392 = arith.constant 0 : i32
        %dma_wait3A_393 = tpu.memref_slice %arg11[%dma_wait3A_391, %dma_wait3A_392] : memref<10112x128xf32, #tpu.memory_space<vmem_shared>> -> memref<10112x128xf32, #tpu.memory_space<vmem_shared>>
        tpu.wait_indirect_dma semaphore(%arg19 : memref<!tpu.dma_semaphore, #tpu.memory_space<semaphore_mem>>) src(%arg10 : memref<64x128xf32, #tpu.memory_space<vmem>>) dst(%dma_wait3A_393 : memref<10112x128xf32, #tpu.memory_space<vmem_shared>>)
        %add3A_394 = arith.constant 4 : i32
        %add3A_395 = arith.addi %add3A_370, %add3A_394 : i32
        %dma_start3A_396 = arith.constant 0 : i32
        %dma_start3A_397 = tpu.memref_slice %arg5[%add3A_395, %dma_start3A_396] : memref<40x64xi32, #tpu.memory_space<vmem>> -> memref<1x64xi32, #tpu.memory_space<vmem>>
        %dma_start3A_398 = tpu.memref_squeeze %dma_start3A_397 : memref<1x64xi32, #tpu.memory_space<vmem>> -> memref<64xi32, #tpu.memory_space<vmem>>
        %dma_start3A_399 = arith.constant 0 : i32
        %dma_start3A_400 = arith.constant 0 : i32
        %dma_start3A_401 = tpu.memref_slice %arg2[%dma_start3A_399, %dma_start3A_400] : memref<10240x128xf32, #tpu.memory_space<hbm>> -> memref<10240x128xf32, #tpu.memory_space<hbm>>
        tpu.enqueue_indirect_dma source(%dma_start3A_401 : memref<10240x128xf32, #tpu.memory_space<hbm>>) target(%arg10 : memref<64x128xf32, #tpu.memory_space<vmem>>) offsets(%dma_start3A_398 : memref<64xi32, #tpu.memory_space<vmem>>) semaphore(%arg15 : memref<!tpu.dma_semaphore, #tpu.memory_space<semaphore_mem>>)
      } else {
      }
    }
    %scan3A_202 = arith.constant 10 : i32
    %dma_wait3A_203 = arith.constant 36 : i32
    %dma_wait3A_204 = arith.constant 0 : i32
    %dma_wait3A_205 = tpu.memref_slice %arg6[%dma_wait3A_203, %dma_wait3A_204] : memref<40x64xi32, #tpu.memory_space<vmem>> -> memref<1x64xi32, #tpu.memory_space<vmem>>
    %dma_wait3A_206 = tpu.memref_squeeze %dma_wait3A_205 : memref<1x64xi32, #tpu.memory_space<vmem>> -> memref<64xi32, #tpu.memory_space<vmem>>
    %dma_wait3A_207 = arith.constant 0 : i32
    %dma_wait3A_208 = arith.constant 0 : i32
    %dma_wait3A_209 = tpu.memref_slice %arg11[%dma_wait3A_207, %dma_wait3A_208] : memref<10112x128xf32, #tpu.memory_space<vmem_shared>> -> memref<10112x128xf32, #tpu.memory_space<vmem_shared>>
    tpu.wait_indirect_dma semaphore(%arg16 : memref<!tpu.dma_semaphore, #tpu.memory_space<semaphore_mem>>) src(%arg7 : memref<64x128xf32, #tpu.memory_space<vmem>>) dst(%dma_wait3A_209 : memref<10112x128xf32, #tpu.memory_space<vmem_shared>>)
    %dma_wait3A_210 = arith.constant 37 : i32
    %dma_wait3A_211 = arith.constant 0 : i32
    %dma_wait3A_212 = tpu.memref_slice %arg6[%dma_wait3A_210, %dma_wait3A_211] : memref<40x64xi32, #tpu.memory_space<vmem>> -> memref<1x64xi32, #tpu.memory_space<vmem>>
    %dma_wait3A_213 = tpu.memref_squeeze %dma_wait3A_212 : memref<1x64xi32, #tpu.memory_space<vmem>> -> memref<64xi32, #tpu.memory_space<vmem>>
    %dma_wait3A_214 = arith.constant 0 : i32
    %dma_wait3A_215 = arith.constant 0 : i32
    %dma_wait3A_216 = tpu.memref_slice %arg11[%dma_wait3A_214, %dma_wait3A_215] : memref<10112x128xf32, #tpu.memory_space<vmem_shared>> -> memref<10112x128xf32, #tpu.memory_space<vmem_shared>>
    tpu.wait_indirect_dma semaphore(%arg17 : memref<!tpu.dma_semaphore, #tpu.memory_space<semaphore_mem>>) src(%arg8 : memref<64x128xf32, #tpu.memory_space<vmem>>) dst(%dma_wait3A_216 : memref<10112x128xf32, #tpu.memory_space<vmem_shared>>)
    %dma_wait3A_217 = arith.constant 38 : i32
    %dma_wait3A_218 = arith.constant 0 : i32
    %dma_wait3A_219 = tpu.memref_slice %arg6[%dma_wait3A_217, %dma_wait3A_218] : memref<40x64xi32, #tpu.memory_space<vmem>> -> memref<1x64xi32, #tpu.memory_space<vmem>>
    %dma_wait3A_220 = tpu.memref_squeeze %dma_wait3A_219 : memref<1x64xi32, #tpu.memory_space<vmem>> -> memref<64xi32, #tpu.memory_space<vmem>>
    %dma_wait3A_221 = arith.constant 0 : i32
    %dma_wait3A_222 = arith.constant 0 : i32
    %dma_wait3A_223 = tpu.memref_slice %arg11[%dma_wait3A_221, %dma_wait3A_222] : memref<10112x128xf32, #tpu.memory_space<vmem_shared>> -> memref<10112x128xf32, #tpu.memory_space<vmem_shared>>
    tpu.wait_indirect_dma semaphore(%arg18 : memref<!tpu.dma_semaphore, #tpu.memory_space<semaphore_mem>>) src(%arg9 : memref<64x128xf32, #tpu.memory_space<vmem>>) dst(%dma_wait3A_223 : memref<10112x128xf32, #tpu.memory_space<vmem_shared>>)
    %dma_wait3A_224 = arith.constant 39 : i32
    %dma_wait3A_225 = arith.constant 0 : i32
    %dma_wait3A_226 = tpu.memref_slice %arg6[%dma_wait3A_224, %dma_wait3A_225] : memref<40x64xi32, #tpu.memory_space<vmem>> -> memref<1x64xi32, #tpu.memory_space<vmem>>
    %dma_wait3A_227 = tpu.memref_squeeze %dma_wait3A_226 : memref<1x64xi32, #tpu.memory_space<vmem>> -> memref<64xi32, #tpu.memory_space<vmem>>
    %dma_wait3A_228 = arith.constant 0 : i32
    %dma_wait3A_229 = arith.constant 0 : i32
    %dma_wait3A_230 = tpu.memref_slice %arg11[%dma_wait3A_228, %dma_wait3A_229] : memref<10112x128xf32, #tpu.memory_space<vmem_shared>> -> memref<10112x128xf32, #tpu.memory_space<vmem_shared>>
    tpu.wait_indirect_dma semaphore(%arg19 : memref<!tpu.dma_semaphore, #tpu.memory_space<semaphore_mem>>) src(%arg10 : memref<64x128xf32, #tpu.memory_space<vmem>>) dst(%dma_wait3A_230 : memref<10112x128xf32, #tpu.memory_space<vmem_shared>>)
    %mul3A_231 = arith.constant 160 : i32
    %mul3A_232 = arith.muli %add3A, %mul3A_231 : i32
    %add3A_233 = arith.constant 120 : i32
    %add3A_234 = arith.addi %mul3A_232, %add3A_233 : i32
    %run_scoped3A_235 = arith.constant 0 : i32
    "tpu.region"() ({
      %run_scoped3A_304 = tpu.sem_alloc : memref<!tpu.dma_semaphore, #tpu.memory_space<semaphore_mem>>
      %dma_start3A_305 = arith.constant 0 : i32
      %dma_start3A_306 = tpu.memref_slice %arg3[%run_scoped3A_235, %add3A_234, %dma_start3A_305] : memref<2x5120x64xi32, #tpu.memory_space<hbm>> -> memref<1x40x64xi32, #tpu.memory_space<hbm>>
      %dma_start3A_307 = tpu.memref_squeeze %dma_start3A_306 : memref<1x40x64xi32, #tpu.memory_space<hbm>> -> memref<40x64xi32, #tpu.memory_space<hbm>>
      %dma_start3A_308 = arith.constant 0 : i32
      %dma_start3A_309 = tpu.memref_slice %arg3[%run_scoped3A_235, %add3A_234, %dma_start3A_308] : memref<2x5120x64xi32, #tpu.memory_space<hbm>> -> memref<1x40x64xi32, #tpu.memory_space<hbm>>
      %dma_start3A_310 = tpu.memref_squeeze %dma_start3A_309 : memref<1x40x64xi32, #tpu.memory_space<hbm>> -> memref<40x64xi32, #tpu.memory_space<hbm>>
      tpu.enqueue_dma source(%dma_start3A_310 : memref<40x64xi32, #tpu.memory_space<hbm>>) target(%arg5 : memref<40x64xi32, #tpu.memory_space<vmem>>) target_semaphore(%run_scoped3A_304 : memref<!tpu.dma_semaphore, #tpu.memory_space<semaphore_mem>>)
      %dma_wait3A_311 = arith.constant 0 : i32
      %dma_wait3A_312 = tpu.memref_slice %arg3[%run_scoped3A_235, %add3A_234, %dma_wait3A_311] : memref<2x5120x64xi32, #tpu.memory_space<hbm>> -> memref<1x40x64xi32, #tpu.memory_space<hbm>>
      %dma_wait3A_313 = tpu.memref_squeeze %dma_wait3A_312 : memref<1x40x64xi32, #tpu.memory_space<hbm>> -> memref<40x64xi32, #tpu.memory_space<hbm>>
      %dma_wait3A_314 = arith.constant 0 : i32
      %dma_wait3A_315 = tpu.memref_slice %arg3[%run_scoped3A_235, %add3A_234, %dma_wait3A_314] : memref<2x5120x64xi32, #tpu.memory_space<hbm>> -> memref<1x40x64xi32, #tpu.memory_space<hbm>>
      %dma_wait3A_316 = tpu.memref_squeeze %dma_wait3A_315 : memref<1x40x64xi32, #tpu.memory_space<hbm>> -> memref<40x64xi32, #tpu.memory_space<hbm>>
      tpu.wait_dma2 semaphore(%run_scoped3A_304 : memref<!tpu.dma_semaphore, #tpu.memory_space<semaphore_mem>>) src(%dma_wait3A_316 : memref<40x64xi32, #tpu.memory_space<hbm>>) dst(%arg5 : memref<40x64xi32, #tpu.memory_space<vmem>>)
      tpu.yield
    }) : () -> ()
    %mul3A_236 = arith.constant 160 : i32
    %mul3A_237 = arith.muli %add3A, %mul3A_236 : i32
    %add3A_238 = arith.constant 120 : i32
    %add3A_239 = arith.addi %mul3A_237, %add3A_238 : i32
    %run_scoped3A_240 = arith.constant 1 : i32
    "tpu.region"() ({
      %run_scoped3A_304 = tpu.sem_alloc : memref<!tpu.dma_semaphore, #tpu.memory_space<semaphore_mem>>
      %dma_start3A_305 = arith.constant 0 : i32
      %dma_start3A_306 = tpu.memref_slice %arg3[%run_scoped3A_240, %add3A_239, %dma_start3A_305] : memref<2x5120x64xi32, #tpu.memory_space<hbm>> -> memref<1x40x64xi32, #tpu.memory_space<hbm>>
      %dma_start3A_307 = tpu.memref_squeeze %dma_start3A_306 : memref<1x40x64xi32, #tpu.memory_space<hbm>> -> memref<40x64xi32, #tpu.memory_space<hbm>>
      %dma_start3A_308 = arith.constant 0 : i32
      %dma_start3A_309 = tpu.memref_slice %arg3[%run_scoped3A_240, %add3A_239, %dma_start3A_308] : memref<2x5120x64xi32, #tpu.memory_space<hbm>> -> memref<1x40x64xi32, #tpu.memory_space<hbm>>
      %dma_start3A_310 = tpu.memref_squeeze %dma_start3A_309 : memref<1x40x64xi32, #tpu.memory_space<hbm>> -> memref<40x64xi32, #tpu.memory_space<hbm>>
      tpu.enqueue_dma source(%dma_start3A_310 : memref<40x64xi32, #tpu.memory_space<hbm>>) target(%arg6 : memref<40x64xi32, #tpu.memory_space<vmem>>) target_semaphore(%run_scoped3A_304 : memref<!tpu.dma_semaphore, #tpu.memory_space<semaphore_mem>>)
      %dma_wait3A_311 = arith.constant 0 : i32
      %dma_wait3A_312 = tpu.memref_slice %arg3[%run_scoped3A_240, %add3A_239, %dma_wait3A_311] : memref<2x5120x64xi32, #tpu.memory_space<hbm>> -> memref<1x40x64xi32, #tpu.memory_space<hbm>>
      %dma_wait3A_313 = tpu.memref_squeeze %dma_wait3A_312 : memref<1x40x64xi32, #tpu.memory_space<hbm>> -> memref<40x64xi32, #tpu.memory_space<hbm>>
      %dma_wait3A_314 = arith.constant 0 : i32
      %dma_wait3A_315 = tpu.memref_slice %arg3[%run_scoped3A_240, %add3A_239, %dma_wait3A_314] : memref<2x5120x64xi32, #tpu.memory_space<hbm>> -> memref<1x40x64xi32, #tpu.memory_space<hbm>>
      %dma_wait3A_316 = tpu.memref_squeeze %dma_wait3A_315 : memref<1x40x64xi32, #tpu.memory_space<hbm>> -> memref<40x64xi32, #tpu.memory_space<hbm>>
      tpu.wait_dma2 semaphore(%run_scoped3A_304 : memref<!tpu.dma_semaphore, #tpu.memory_space<semaphore_mem>>) src(%dma_wait3A_316 : memref<40x64xi32, #tpu.memory_space<hbm>>) dst(%arg6 : memref<40x64xi32, #tpu.memory_space<vmem>>)
      tpu.yield
    }) : () -> ()
    %dma_start3A_241 = arith.constant 0 : i32
    %dma_start3A_242 = arith.constant 0 : i32
    %dma_start3A_243 = tpu.memref_slice %arg5[%dma_start3A_241, %dma_start3A_242] : memref<40x64xi32, #tpu.memory_space<vmem>> -> memref<1x64xi32, #tpu.memory_space<vmem>>
    %dma_start3A_244 = tpu.memref_squeeze %dma_start3A_243 : memref<1x64xi32, #tpu.memory_space<vmem>> -> memref<64xi32, #tpu.memory_space<vmem>>
    %dma_start3A_245 = arith.constant 0 : i32
    %dma_start3A_246 = arith.constant 0 : i32
    %dma_start3A_247 = tpu.memref_slice %arg2[%dma_start3A_245, %dma_start3A_246] : memref<10240x128xf32, #tpu.memory_space<hbm>> -> memref<10240x128xf32, #tpu.memory_space<hbm>>
    tpu.enqueue_indirect_dma source(%dma_start3A_247 : memref<10240x128xf32, #tpu.memory_space<hbm>>) target(%arg7 : memref<64x128xf32, #tpu.memory_space<vmem>>) offsets(%dma_start3A_244 : memref<64xi32, #tpu.memory_space<vmem>>) semaphore(%arg12 : memref<!tpu.dma_semaphore, #tpu.memory_space<semaphore_mem>>)
    %dma_start3A_248 = arith.constant 1 : i32
    %dma_start3A_249 = arith.constant 0 : i32
    %dma_start3A_250 = tpu.memref_slice %arg5[%dma_start3A_248, %dma_start3A_249] : memref<40x64xi32, #tpu.memory_space<vmem>> -> memref<1x64xi32, #tpu.memory_space<vmem>>
    %dma_start3A_251 = tpu.memref_squeeze %dma_start3A_250 : memref<1x64xi32, #tpu.memory_space<vmem>> -> memref<64xi32, #tpu.memory_space<vmem>>
    %dma_start3A_252 = arith.constant 0 : i32
    %dma_start3A_253 = arith.constant 0 : i32
    %dma_start3A_254 = tpu.memref_slice %arg2[%dma_start3A_252, %dma_start3A_253] : memref<10240x128xf32, #tpu.memory_space<hbm>> -> memref<10240x128xf32, #tpu.memory_space<hbm>>
    tpu.enqueue_indirect_dma source(%dma_start3A_254 : memref<10240x128xf32, #tpu.memory_space<hbm>>) target(%arg8 : memref<64x128xf32, #tpu.memory_space<vmem>>) offsets(%dma_start3A_251 : memref<64xi32, #tpu.memory_space<vmem>>) semaphore(%arg13 : memref<!tpu.dma_semaphore, #tpu.memory_space<semaphore_mem>>)
    %dma_start3A_255 = arith.constant 2 : i32
    %dma_start3A_256 = arith.constant 0 : i32
    %dma_start3A_257 = tpu.memref_slice %arg5[%dma_start3A_255, %dma_start3A_256] : memref<40x64xi32, #tpu.memory_space<vmem>> -> memref<1x64xi32, #tpu.memory_space<vmem>>
    %dma_start3A_258 = tpu.memref_squeeze %dma_start3A_257 : memref<1x64xi32, #tpu.memory_space<vmem>> -> memref<64xi32, #tpu.memory_space<vmem>>
    %dma_start3A_259 = arith.constant 0 : i32
    %dma_start3A_260 = arith.constant 0 : i32
    %dma_start3A_261 = tpu.memref_slice %arg2[%dma_start3A_259, %dma_start3A_260] : memref<10240x128xf32, #tpu.memory_space<hbm>> -> memref<10240x128xf32, #tpu.memory_space<hbm>>
    tpu.enqueue_indirect_dma source(%dma_start3A_261 : memref<10240x128xf32, #tpu.memory_space<hbm>>) target(%arg9 : memref<64x128xf32, #tpu.memory_space<vmem>>) offsets(%dma_start3A_258 : memref<64xi32, #tpu.memory_space<vmem>>) semaphore(%arg14 : memref<!tpu.dma_semaphore, #tpu.memory_space<semaphore_mem>>)
    %dma_start3A_262 = arith.constant 3 : i32
    %dma_start3A_263 = arith.constant 0 : i32
    %dma_start3A_264 = tpu.memref_slice %arg5[%dma_start3A_262, %dma_start3A_263] : memref<40x64xi32, #tpu.memory_space<vmem>> -> memref<1x64xi32, #tpu.memory_space<vmem>>
    %dma_start3A_265 = tpu.memref_squeeze %dma_start3A_264 : memref<1x64xi32, #tpu.memory_space<vmem>> -> memref<64xi32, #tpu.memory_space<vmem>>
    %dma_start3A_266 = arith.constant 0 : i32
    %dma_start3A_267 = arith.constant 0 : i32
    %dma_start3A_268 = tpu.memref_slice %arg2[%dma_start3A_266, %dma_start3A_267] : memref<10240x128xf32, #tpu.memory_space<hbm>> -> memref<10240x128xf32, #tpu.memory_space<hbm>>
    tpu.enqueue_indirect_dma source(%dma_start3A_268 : memref<10240x128xf32, #tpu.memory_space<hbm>>) target(%arg10 : memref<64x128xf32, #tpu.memory_space<vmem>>) offsets(%dma_start3A_265 : memref<64xi32, #tpu.memory_space<vmem>>) semaphore(%arg15 : memref<!tpu.dma_semaphore, #tpu.memory_space<semaphore_mem>>)
    %scan3A_269 = arith.constant 0 : i32
    %scan3A_270 = arith.constant 0 : i32
    %scan3A_271 = arith.constant 10 : i32
    %scan3A_272 = arith.addi %scan3A_270, %scan3A_271 : i32
    %scan3A_273 = arith.constant 1 : i32
    scf.for %scan3A_304 = %scan3A_270 to %scan3A_272 step %scan3A_273  : i32 {
      %mul3A_305 = arith.constant 4 : i32
      %mul3A_306 = arith.muli %scan3A_304, %mul3A_305 : i32
      %add3A_307 = arith.constant 0 : i32
      %add3A_308 = arith.addi %mul3A_306, %add3A_307 : i32
      %dma_wait3A_309 = arith.constant 0 : i32
      %dma_wait3A_310 = tpu.memref_slice %arg5[%add3A_308, %dma_wait3A_309] : memref<40x64xi32, #tpu.memory_space<vmem>> -> memref<1x64xi32, #tpu.memory_space<vmem>>
      %dma_wait3A_311 = tpu.memref_squeeze %dma_wait3A_310 : memref<1x64xi32, #tpu.memory_space<vmem>> -> memref<64xi32, #tpu.memory_space<vmem>>
      %dma_wait3A_312 = arith.constant 0 : i32
      %dma_wait3A_313 = arith.constant 0 : i32
      %dma_wait3A_314 = tpu.memref_slice %arg2[%dma_wait3A_312, %dma_wait3A_313] : memref<10240x128xf32, #tpu.memory_space<hbm>> -> memref<10240x128xf32, #tpu.memory_space<hbm>>
      tpu.wait_indirect_dma semaphore(%arg12 : memref<!tpu.dma_semaphore, #tpu.memory_space<semaphore_mem>>) src(%dma_wait3A_314 : memref<10240x128xf32, #tpu.memory_space<hbm>>) dst(%arg7 : memref<64x128xf32, #tpu.memory_space<vmem>>)
      %dma_start3A_315 = arith.constant 0 : i32
      %dma_start3A_316 = tpu.memref_slice %arg6[%add3A_308, %dma_start3A_315] : memref<40x64xi32, #tpu.memory_space<vmem>> -> memref<1x64xi32, #tpu.memory_space<vmem>>
      %dma_start3A_317 = tpu.memref_squeeze %dma_start3A_316 : memref<1x64xi32, #tpu.memory_space<vmem>> -> memref<64xi32, #tpu.memory_space<vmem>>
      %dma_start3A_318 = arith.constant 0 : i32
      %dma_start3A_319 = arith.constant 0 : i32
      %dma_start3A_320 = tpu.memref_slice %arg11[%dma_start3A_318, %dma_start3A_319] : memref<10112x128xf32, #tpu.memory_space<vmem_shared>> -> memref<10112x128xf32, #tpu.memory_space<vmem_shared>>
      tpu.enqueue_indirect_dma source(%arg7 : memref<64x128xf32, #tpu.memory_space<vmem>>) target(%dma_start3A_320 : memref<10112x128xf32, #tpu.memory_space<vmem_shared>>) offsets(%dma_start3A_317 : memref<64xi32, #tpu.memory_space<vmem>>) semaphore(%arg16 : memref<!tpu.dma_semaphore, #tpu.memory_space<semaphore_mem>>) {add = true}
      %lt3A = arith.constant 9 : i32
      %lt3A_321 = arith.cmpi slt, %scan3A_304, %lt3A : i32
      %convert_element_type3A_322 = arith.extui %lt3A_321 : i1 to i32
      %cond3A_323 = arith.constant 0 : i32
      %cond3A_324 = arith.cmpi ne, %convert_element_type3A_322, %cond3A_323 : i32
      scf.if %cond3A_324 {
        %dma_wait3A_388 = arith.constant 0 : i32
        %dma_wait3A_389 = tpu.memref_slice %arg6[%add3A_308, %dma_wait3A_388] : memref<40x64xi32, #tpu.memory_space<vmem>> -> memref<1x64xi32, #tpu.memory_space<vmem>>
        %dma_wait3A_390 = tpu.memref_squeeze %dma_wait3A_389 : memref<1x64xi32, #tpu.memory_space<vmem>> -> memref<64xi32, #tpu.memory_space<vmem>>
        %dma_wait3A_391 = arith.constant 0 : i32
        %dma_wait3A_392 = arith.constant 0 : i32
        %dma_wait3A_393 = tpu.memref_slice %arg11[%dma_wait3A_391, %dma_wait3A_392] : memref<10112x128xf32, #tpu.memory_space<vmem_shared>> -> memref<10112x128xf32, #tpu.memory_space<vmem_shared>>
        tpu.wait_indirect_dma semaphore(%arg16 : memref<!tpu.dma_semaphore, #tpu.memory_space<semaphore_mem>>) src(%arg7 : memref<64x128xf32, #tpu.memory_space<vmem>>) dst(%dma_wait3A_393 : memref<10112x128xf32, #tpu.memory_space<vmem_shared>>)
        %add3A_394 = arith.constant 4 : i32
        %add3A_395 = arith.addi %add3A_308, %add3A_394 : i32
        %dma_start3A_396 = arith.constant 0 : i32
        %dma_start3A_397 = tpu.memref_slice %arg5[%add3A_395, %dma_start3A_396] : memref<40x64xi32, #tpu.memory_space<vmem>> -> memref<1x64xi32, #tpu.memory_space<vmem>>
        %dma_start3A_398 = tpu.memref_squeeze %dma_start3A_397 : memref<1x64xi32, #tpu.memory_space<vmem>> -> memref<64xi32, #tpu.memory_space<vmem>>
        %dma_start3A_399 = arith.constant 0 : i32
        %dma_start3A_400 = arith.constant 0 : i32
        %dma_start3A_401 = tpu.memref_slice %arg2[%dma_start3A_399, %dma_start3A_400] : memref<10240x128xf32, #tpu.memory_space<hbm>> -> memref<10240x128xf32, #tpu.memory_space<hbm>>
        tpu.enqueue_indirect_dma source(%dma_start3A_401 : memref<10240x128xf32, #tpu.memory_space<hbm>>) target(%arg7 : memref<64x128xf32, #tpu.memory_space<vmem>>) offsets(%dma_start3A_398 : memref<64xi32, #tpu.memory_space<vmem>>) semaphore(%arg12 : memref<!tpu.dma_semaphore, #tpu.memory_space<semaphore_mem>>)
      } else {
      }
      %mul3A_325 = arith.constant 4 : i32
      %mul3A_326 = arith.muli %scan3A_304, %mul3A_325 : i32
      %add3A_327 = arith.constant 1 : i32
      %add3A_328 = arith.addi %mul3A_326, %add3A_327 : i32
      %dma_wait3A_329 = arith.constant 0 : i32
      %dma_wait3A_330 = tpu.memref_slice %arg5[%add3A_328, %dma_wait3A_329] : memref<40x64xi32, #tpu.memory_space<vmem>> -> memref<1x64xi32, #tpu.memory_space<vmem>>
      %dma_wait3A_331 = tpu.memref_squeeze %dma_wait3A_330 : memref<1x64xi32, #tpu.memory_space<vmem>> -> memref<64xi32, #tpu.memory_space<vmem>>
      %dma_wait3A_332 = arith.constant 0 : i32
      %dma_wait3A_333 = arith.constant 0 : i32
      %dma_wait3A_334 = tpu.memref_slice %arg2[%dma_wait3A_332, %dma_wait3A_333] : memref<10240x128xf32, #tpu.memory_space<hbm>> -> memref<10240x128xf32, #tpu.memory_space<hbm>>
      tpu.wait_indirect_dma semaphore(%arg13 : memref<!tpu.dma_semaphore, #tpu.memory_space<semaphore_mem>>) src(%dma_wait3A_334 : memref<10240x128xf32, #tpu.memory_space<hbm>>) dst(%arg8 : memref<64x128xf32, #tpu.memory_space<vmem>>)
      %dma_start3A_335 = arith.constant 0 : i32
      %dma_start3A_336 = tpu.memref_slice %arg6[%add3A_328, %dma_start3A_335] : memref<40x64xi32, #tpu.memory_space<vmem>> -> memref<1x64xi32, #tpu.memory_space<vmem>>
      %dma_start3A_337 = tpu.memref_squeeze %dma_start3A_336 : memref<1x64xi32, #tpu.memory_space<vmem>> -> memref<64xi32, #tpu.memory_space<vmem>>
      %dma_start3A_338 = arith.constant 0 : i32
      %dma_start3A_339 = arith.constant 0 : i32
      %dma_start3A_340 = tpu.memref_slice %arg11[%dma_start3A_338, %dma_start3A_339] : memref<10112x128xf32, #tpu.memory_space<vmem_shared>> -> memref<10112x128xf32, #tpu.memory_space<vmem_shared>>
      tpu.enqueue_indirect_dma source(%arg8 : memref<64x128xf32, #tpu.memory_space<vmem>>) target(%dma_start3A_340 : memref<10112x128xf32, #tpu.memory_space<vmem_shared>>) offsets(%dma_start3A_337 : memref<64xi32, #tpu.memory_space<vmem>>) semaphore(%arg17 : memref<!tpu.dma_semaphore, #tpu.memory_space<semaphore_mem>>) {add = true}
      %lt3A_341 = arith.constant 9 : i32
      %lt3A_342 = arith.cmpi slt, %scan3A_304, %lt3A_341 : i32
      %convert_element_type3A_343 = arith.extui %lt3A_342 : i1 to i32
      %cond3A_344 = arith.constant 0 : i32
      %cond3A_345 = arith.cmpi ne, %convert_element_type3A_343, %cond3A_344 : i32
      scf.if %cond3A_345 {
        %dma_wait3A_388 = arith.constant 0 : i32
        %dma_wait3A_389 = tpu.memref_slice %arg6[%add3A_328, %dma_wait3A_388] : memref<40x64xi32, #tpu.memory_space<vmem>> -> memref<1x64xi32, #tpu.memory_space<vmem>>
        %dma_wait3A_390 = tpu.memref_squeeze %dma_wait3A_389 : memref<1x64xi32, #tpu.memory_space<vmem>> -> memref<64xi32, #tpu.memory_space<vmem>>
        %dma_wait3A_391 = arith.constant 0 : i32
        %dma_wait3A_392 = arith.constant 0 : i32
        %dma_wait3A_393 = tpu.memref_slice %arg11[%dma_wait3A_391, %dma_wait3A_392] : memref<10112x128xf32, #tpu.memory_space<vmem_shared>> -> memref<10112x128xf32, #tpu.memory_space<vmem_shared>>
        tpu.wait_indirect_dma semaphore(%arg17 : memref<!tpu.dma_semaphore, #tpu.memory_space<semaphore_mem>>) src(%arg8 : memref<64x128xf32, #tpu.memory_space<vmem>>) dst(%dma_wait3A_393 : memref<10112x128xf32, #tpu.memory_space<vmem_shared>>)
        %add3A_394 = arith.constant 4 : i32
        %add3A_395 = arith.addi %add3A_328, %add3A_394 : i32
        %dma_start3A_396 = arith.constant 0 : i32
        %dma_start3A_397 = tpu.memref_slice %arg5[%add3A_395, %dma_start3A_396] : memref<40x64xi32, #tpu.memory_space<vmem>> -> memref<1x64xi32, #tpu.memory_space<vmem>>
        %dma_start3A_398 = tpu.memref_squeeze %dma_start3A_397 : memref<1x64xi32, #tpu.memory_space<vmem>> -> memref<64xi32, #tpu.memory_space<vmem>>
        %dma_start3A_399 = arith.constant 0 : i32
        %dma_start3A_400 = arith.constant 0 : i32
        %dma_start3A_401 = tpu.memref_slice %arg2[%dma_start3A_399, %dma_start3A_400] : memref<10240x128xf32, #tpu.memory_space<hbm>> -> memref<10240x128xf32, #tpu.memory_space<hbm>>
        tpu.enqueue_indirect_dma source(%dma_start3A_401 : memref<10240x128xf32, #tpu.memory_space<hbm>>) target(%arg8 : memref<64x128xf32, #tpu.memory_space<vmem>>) offsets(%dma_start3A_398 : memref<64xi32, #tpu.memory_space<vmem>>) semaphore(%arg13 : memref<!tpu.dma_semaphore, #tpu.memory_space<semaphore_mem>>)
      } else {
      }
      %mul3A_346 = arith.constant 4 : i32
      %mul3A_347 = arith.muli %scan3A_304, %mul3A_346 : i32
      %add3A_348 = arith.constant 2 : i32
      %add3A_349 = arith.addi %mul3A_347, %add3A_348 : i32
      %dma_wait3A_350 = arith.constant 0 : i32
      %dma_wait3A_351 = tpu.memref_slice %arg5[%add3A_349, %dma_wait3A_350] : memref<40x64xi32, #tpu.memory_space<vmem>> -> memref<1x64xi32, #tpu.memory_space<vmem>>
      %dma_wait3A_352 = tpu.memref_squeeze %dma_wait3A_351 : memref<1x64xi32, #tpu.memory_space<vmem>> -> memref<64xi32, #tpu.memory_space<vmem>>
      %dma_wait3A_353 = arith.constant 0 : i32
      %dma_wait3A_354 = arith.constant 0 : i32
      %dma_wait3A_355 = tpu.memref_slice %arg2[%dma_wait3A_353, %dma_wait3A_354] : memref<10240x128xf32, #tpu.memory_space<hbm>> -> memref<10240x128xf32, #tpu.memory_space<hbm>>
      tpu.wait_indirect_dma semaphore(%arg14 : memref<!tpu.dma_semaphore, #tpu.memory_space<semaphore_mem>>) src(%dma_wait3A_355 : memref<10240x128xf32, #tpu.memory_space<hbm>>) dst(%arg9 : memref<64x128xf32, #tpu.memory_space<vmem>>)
      %dma_start3A_356 = arith.constant 0 : i32
      %dma_start3A_357 = tpu.memref_slice %arg6[%add3A_349, %dma_start3A_356] : memref<40x64xi32, #tpu.memory_space<vmem>> -> memref<1x64xi32, #tpu.memory_space<vmem>>
      %dma_start3A_358 = tpu.memref_squeeze %dma_start3A_357 : memref<1x64xi32, #tpu.memory_space<vmem>> -> memref<64xi32, #tpu.memory_space<vmem>>
      %dma_start3A_359 = arith.constant 0 : i32
      %dma_start3A_360 = arith.constant 0 : i32
      %dma_start3A_361 = tpu.memref_slice %arg11[%dma_start3A_359, %dma_start3A_360] : memref<10112x128xf32, #tpu.memory_space<vmem_shared>> -> memref<10112x128xf32, #tpu.memory_space<vmem_shared>>
      tpu.enqueue_indirect_dma source(%arg9 : memref<64x128xf32, #tpu.memory_space<vmem>>) target(%dma_start3A_361 : memref<10112x128xf32, #tpu.memory_space<vmem_shared>>) offsets(%dma_start3A_358 : memref<64xi32, #tpu.memory_space<vmem>>) semaphore(%arg18 : memref<!tpu.dma_semaphore, #tpu.memory_space<semaphore_mem>>) {add = true}
      %lt3A_362 = arith.constant 9 : i32
      %lt3A_363 = arith.cmpi slt, %scan3A_304, %lt3A_362 : i32
      %convert_element_type3A_364 = arith.extui %lt3A_363 : i1 to i32
      %cond3A_365 = arith.constant 0 : i32
      %cond3A_366 = arith.cmpi ne, %convert_element_type3A_364, %cond3A_365 : i32
      scf.if %cond3A_366 {
        %dma_wait3A_388 = arith.constant 0 : i32
        %dma_wait3A_389 = tpu.memref_slice %arg6[%add3A_349, %dma_wait3A_388] : memref<40x64xi32, #tpu.memory_space<vmem>> -> memref<1x64xi32, #tpu.memory_space<vmem>>
        %dma_wait3A_390 = tpu.memref_squeeze %dma_wait3A_389 : memref<1x64xi32, #tpu.memory_space<vmem>> -> memref<64xi32, #tpu.memory_space<vmem>>
        %dma_wait3A_391 = arith.constant 0 : i32
        %dma_wait3A_392 = arith.constant 0 : i32
        %dma_wait3A_393 = tpu.memref_slice %arg11[%dma_wait3A_391, %dma_wait3A_392] : memref<10112x128xf32, #tpu.memory_space<vmem_shared>> -> memref<10112x128xf32, #tpu.memory_space<vmem_shared>>
        tpu.wait_indirect_dma semaphore(%arg18 : memref<!tpu.dma_semaphore, #tpu.memory_space<semaphore_mem>>) src(%arg9 : memref<64x128xf32, #tpu.memory_space<vmem>>) dst(%dma_wait3A_393 : memref<10112x128xf32, #tpu.memory_space<vmem_shared>>)
        %add3A_394 = arith.constant 4 : i32
        %add3A_395 = arith.addi %add3A_349, %add3A_394 : i32
        %dma_start3A_396 = arith.constant 0 : i32
        %dma_start3A_397 = tpu.memref_slice %arg5[%add3A_395, %dma_start3A_396] : memref<40x64xi32, #tpu.memory_space<vmem>> -> memref<1x64xi32, #tpu.memory_space<vmem>>
        %dma_start3A_398 = tpu.memref_squeeze %dma_start3A_397 : memref<1x64xi32, #tpu.memory_space<vmem>> -> memref<64xi32, #tpu.memory_space<vmem>>
        %dma_start3A_399 = arith.constant 0 : i32
        %dma_start3A_400 = arith.constant 0 : i32
        %dma_start3A_401 = tpu.memref_slice %arg2[%dma_start3A_399, %dma_start3A_400] : memref<10240x128xf32, #tpu.memory_space<hbm>> -> memref<10240x128xf32, #tpu.memory_space<hbm>>
        tpu.enqueue_indirect_dma source(%dma_start3A_401 : memref<10240x128xf32, #tpu.memory_space<hbm>>) target(%arg9 : memref<64x128xf32, #tpu.memory_space<vmem>>) offsets(%dma_start3A_398 : memref<64xi32, #tpu.memory_space<vmem>>) semaphore(%arg14 : memref<!tpu.dma_semaphore, #tpu.memory_space<semaphore_mem>>)
      } else {
      }
      %mul3A_367 = arith.constant 4 : i32
      %mul3A_368 = arith.muli %scan3A_304, %mul3A_367 : i32
      %add3A_369 = arith.constant 3 : i32
      %add3A_370 = arith.addi %mul3A_368, %add3A_369 : i32
      %dma_wait3A_371 = arith.constant 0 : i32
      %dma_wait3A_372 = tpu.memref_slice %arg5[%add3A_370, %dma_wait3A_371] : memref<40x64xi32, #tpu.memory_space<vmem>> -> memref<1x64xi32, #tpu.memory_space<vmem>>
      %dma_wait3A_373 = tpu.memref_squeeze %dma_wait3A_372 : memref<1x64xi32, #tpu.memory_space<vmem>> -> memref<64xi32, #tpu.memory_space<vmem>>
      %dma_wait3A_374 = arith.constant 0 : i32
      %dma_wait3A_375 = arith.constant 0 : i32
      %dma_wait3A_376 = tpu.memref_slice %arg2[%dma_wait3A_374, %dma_wait3A_375] : memref<10240x128xf32, #tpu.memory_space<hbm>> -> memref<10240x128xf32, #tpu.memory_space<hbm>>
      tpu.wait_indirect_dma semaphore(%arg15 : memref<!tpu.dma_semaphore, #tpu.memory_space<semaphore_mem>>) src(%dma_wait3A_376 : memref<10240x128xf32, #tpu.memory_space<hbm>>) dst(%arg10 : memref<64x128xf32, #tpu.memory_space<vmem>>)
      %dma_start3A_377 = arith.constant 0 : i32
      %dma_start3A_378 = tpu.memref_slice %arg6[%add3A_370, %dma_start3A_377] : memref<40x64xi32, #tpu.memory_space<vmem>> -> memref<1x64xi32, #tpu.memory_space<vmem>>
      %dma_start3A_379 = tpu.memref_squeeze %dma_start3A_378 : memref<1x64xi32, #tpu.memory_space<vmem>> -> memref<64xi32, #tpu.memory_space<vmem>>
      %dma_start3A_380 = arith.constant 0 : i32
      %dma_start3A_381 = arith.constant 0 : i32
      %dma_start3A_382 = tpu.memref_slice %arg11[%dma_start3A_380, %dma_start3A_381] : memref<10112x128xf32, #tpu.memory_space<vmem_shared>> -> memref<10112x128xf32, #tpu.memory_space<vmem_shared>>
      tpu.enqueue_indirect_dma source(%arg10 : memref<64x128xf32, #tpu.memory_space<vmem>>) target(%dma_start3A_382 : memref<10112x128xf32, #tpu.memory_space<vmem_shared>>) offsets(%dma_start3A_379 : memref<64xi32, #tpu.memory_space<vmem>>) semaphore(%arg19 : memref<!tpu.dma_semaphore, #tpu.memory_space<semaphore_mem>>) {add = true}
      %lt3A_383 = arith.constant 9 : i32
      %lt3A_384 = arith.cmpi slt, %scan3A_304, %lt3A_383 : i32
      %convert_element_type3A_385 = arith.extui %lt3A_384 : i1 to i32
      %cond3A_386 = arith.constant 0 : i32
      %cond3A_387 = arith.cmpi ne, %convert_element_type3A_385, %cond3A_386 : i32
      scf.if %cond3A_387 {
        %dma_wait3A_388 = arith.constant 0 : i32
        %dma_wait3A_389 = tpu.memref_slice %arg6[%add3A_370, %dma_wait3A_388] : memref<40x64xi32, #tpu.memory_space<vmem>> -> memref<1x64xi32, #tpu.memory_space<vmem>>
        %dma_wait3A_390 = tpu.memref_squeeze %dma_wait3A_389 : memref<1x64xi32, #tpu.memory_space<vmem>> -> memref<64xi32, #tpu.memory_space<vmem>>
        %dma_wait3A_391 = arith.constant 0 : i32
        %dma_wait3A_392 = arith.constant 0 : i32
        %dma_wait3A_393 = tpu.memref_slice %arg11[%dma_wait3A_391, %dma_wait3A_392] : memref<10112x128xf32, #tpu.memory_space<vmem_shared>> -> memref<10112x128xf32, #tpu.memory_space<vmem_shared>>
        tpu.wait_indirect_dma semaphore(%arg19 : memref<!tpu.dma_semaphore, #tpu.memory_space<semaphore_mem>>) src(%arg10 : memref<64x128xf32, #tpu.memory_space<vmem>>) dst(%dma_wait3A_393 : memref<10112x128xf32, #tpu.memory_space<vmem_shared>>)
        %add3A_394 = arith.constant 4 : i32
        %add3A_395 = arith.addi %add3A_370, %add3A_394 : i32
        %dma_start3A_396 = arith.constant 0 : i32
        %dma_start3A_397 = tpu.memref_slice %arg5[%add3A_395, %dma_start3A_396] : memref<40x64xi32, #tpu.memory_space<vmem>> -> memref<1x64xi32, #tpu.memory_space<vmem>>
        %dma_start3A_398 = tpu.memref_squeeze %dma_start3A_397 : memref<1x64xi32, #tpu.memory_space<vmem>> -> memref<64xi32, #tpu.memory_space<vmem>>
        %dma_start3A_399 = arith.constant 0 : i32
        %dma_start3A_400 = arith.constant 0 : i32
        %dma_start3A_401 = tpu.memref_slice %arg2[%dma_start3A_399, %dma_start3A_400] : memref<10240x128xf32, #tpu.memory_space<hbm>> -> memref<10240x128xf32, #tpu.memory_space<hbm>>
        tpu.enqueue_indirect_dma source(%dma_start3A_401 : memref<10240x128xf32, #tpu.memory_space<hbm>>) target(%arg10 : memref<64x128xf32, #tpu.memory_space<vmem>>) offsets(%dma_start3A_398 : memref<64xi32, #tpu.memory_space<vmem>>) semaphore(%arg15 : memref<!tpu.dma_semaphore, #tpu.memory_space<semaphore_mem>>)
      } else {
      }
    }
    %scan3A_274 = arith.constant 10 : i32
    %dma_wait3A_275 = arith.constant 36 : i32
    %dma_wait3A_276 = arith.constant 0 : i32
    %dma_wait3A_277 = tpu.memref_slice %arg6[%dma_wait3A_275, %dma_wait3A_276] : memref<40x64xi32, #tpu.memory_space<vmem>> -> memref<1x64xi32, #tpu.memory_space<vmem>>
    %dma_wait3A_278 = tpu.memref_squeeze %dma_wait3A_277 : memref<1x64xi32, #tpu.memory_space<vmem>> -> memref<64xi32, #tpu.memory_space<vmem>>
    %dma_wait3A_279 = arith.constant 0 : i32
    %dma_wait3A_280 = arith.constant 0 : i32
    %dma_wait3A_281 = tpu.memref_slice %arg11[%dma_wait3A_279, %dma_wait3A_280] : memref<10112x128xf32, #tpu.memory_space<vmem_shared>> -> memref<10112x128xf32, #tpu.memory_space<vmem_shared>>
    tpu.wait_indirect_dma semaphore(%arg16 : memref<!tpu.dma_semaphore, #tpu.memory_space<semaphore_mem>>) src(%arg7 : memref<64x128xf32, #tpu.memory_space<vmem>>) dst(%dma_wait3A_281 : memref<10112x128xf32, #tpu.memory_space<vmem_shared>>)
    %dma_wait3A_282 = arith.constant 37 : i32
    %dma_wait3A_283 = arith.constant 0 : i32
    %dma_wait3A_284 = tpu.memref_slice %arg6[%dma_wait3A_282, %dma_wait3A_283] : memref<40x64xi32, #tpu.memory_space<vmem>> -> memref<1x64xi32, #tpu.memory_space<vmem>>
    %dma_wait3A_285 = tpu.memref_squeeze %dma_wait3A_284 : memref<1x64xi32, #tpu.memory_space<vmem>> -> memref<64xi32, #tpu.memory_space<vmem>>
    %dma_wait3A_286 = arith.constant 0 : i32
    %dma_wait3A_287 = arith.constant 0 : i32
    %dma_wait3A_288 = tpu.memref_slice %arg11[%dma_wait3A_286, %dma_wait3A_287] : memref<10112x128xf32, #tpu.memory_space<vmem_shared>> -> memref<10112x128xf32, #tpu.memory_space<vmem_shared>>
    tpu.wait_indirect_dma semaphore(%arg17 : memref<!tpu.dma_semaphore, #tpu.memory_space<semaphore_mem>>) src(%arg8 : memref<64x128xf32, #tpu.memory_space<vmem>>) dst(%dma_wait3A_288 : memref<10112x128xf32, #tpu.memory_space<vmem_shared>>)
    %dma_wait3A_289 = arith.constant 38 : i32
    %dma_wait3A_290 = arith.constant 0 : i32
    %dma_wait3A_291 = tpu.memref_slice %arg6[%dma_wait3A_289, %dma_wait3A_290] : memref<40x64xi32, #tpu.memory_space<vmem>> -> memref<1x64xi32, #tpu.memory_space<vmem>>
    %dma_wait3A_292 = tpu.memref_squeeze %dma_wait3A_291 : memref<1x64xi32, #tpu.memory_space<vmem>> -> memref<64xi32, #tpu.memory_space<vmem>>
    %dma_wait3A_293 = arith.constant 0 : i32
    %dma_wait3A_294 = arith.constant 0 : i32
    %dma_wait3A_295 = tpu.memref_slice %arg11[%dma_wait3A_293, %dma_wait3A_294] : memref<10112x128xf32, #tpu.memory_space<vmem_shared>> -> memref<10112x128xf32, #tpu.memory_space<vmem_shared>>
    tpu.wait_indirect_dma semaphore(%arg18 : memref<!tpu.dma_semaphore, #tpu.memory_space<semaphore_mem>>) src(%arg9 : memref<64x128xf32, #tpu.memory_space<vmem>>) dst(%dma_wait3A_295 : memref<10112x128xf32, #tpu.memory_space<vmem_shared>>)
    %dma_wait3A_296 = arith.constant 39 : i32
    %dma_wait3A_297 = arith.constant 0 : i32
    %dma_wait3A_298 = tpu.memref_slice %arg6[%dma_wait3A_296, %dma_wait3A_297] : memref<40x64xi32, #tpu.memory_space<vmem>> -> memref<1x64xi32, #tpu.memory_space<vmem>>
    %dma_wait3A_299 = tpu.memref_squeeze %dma_wait3A_298 : memref<1x64xi32, #tpu.memory_space<vmem>> -> memref<64xi32, #tpu.memory_space<vmem>>
    %dma_wait3A_300 = arith.constant 0 : i32
    %dma_wait3A_301 = arith.constant 0 : i32
    %dma_wait3A_302 = tpu.memref_slice %arg11[%dma_wait3A_300, %dma_wait3A_301] : memref<10112x128xf32, #tpu.memory_space<vmem_shared>> -> memref<10112x128xf32, #tpu.memory_space<vmem_shared>>
    tpu.wait_indirect_dma semaphore(%arg19 : memref<!tpu.dma_semaphore, #tpu.memory_space<semaphore_mem>>) src(%arg10 : memref<64x128xf32, #tpu.memory_space<vmem>>) dst(%dma_wait3A_302 : memref<10112x128xf32, #tpu.memory_space<vmem_shared>>)
    %barrier3A_303 = arith.constant 0 : index
    tpu.barrier barrier_id(%barrier3A_303)
    "tpu.region"() ({
      %run_scoped3A_304 = tpu.sem_alloc : memref<!tpu.dma_semaphore, #tpu.memory_space<semaphore_mem>>
      %dma_start3A_305 = arith.constant 0 : i32
      %dma_start3A_306 = tpu.memref_slice %arg4[%arg0, %mul3A_2, %dma_start3A_305] : memref<2x10112x128xf32, #tpu.memory_space<hbm>> -> memref<1x632x128xf32, #tpu.memory_space<hbm>>
      %dma_start3A_307 = tpu.memref_squeeze %dma_start3A_306 : memref<1x632x128xf32, #tpu.memory_space<hbm>> -> memref<632x128xf32, #tpu.memory_space<hbm>>
      %dma_start3A_308 = arith.constant 0 : i32
      %dma_start3A_309 = tpu.memref_slice %arg11[%mul3A_2, %dma_start3A_308] : memref<10112x128xf32, #tpu.memory_space<vmem_shared>> -> memref<632x128xf32, #tpu.memory_space<vmem_shared>>
      tpu.enqueue_dma source(%dma_start3A_309 : memref<632x128xf32, #tpu.memory_space<vmem_shared>>) target(%dma_start3A_307 : memref<632x128xf32, #tpu.memory_space<hbm>>) target_semaphore(%run_scoped3A_304 : memref<!tpu.dma_semaphore, #tpu.memory_space<semaphore_mem>>)
      %dma_wait3A_310 = arith.constant 0 : i32
      %dma_wait3A_311 = tpu.memref_slice %arg4[%arg0, %mul3A_2, %dma_wait3A_310] : memref<2x10112x128xf32, #tpu.memory_space<hbm>> -> memref<1x632x128xf32, #tpu.memory_space<hbm>>
      %dma_wait3A_312 = tpu.memref_squeeze %dma_wait3A_311 : memref<1x632x128xf32, #tpu.memory_space<hbm>> -> memref<632x128xf32, #tpu.memory_space<hbm>>
      %dma_wait3A_313 = arith.constant 0 : i32
      %dma_wait3A_314 = tpu.memref_slice %arg11[%mul3A_2, %dma_wait3A_313] : memref<10112x128xf32, #tpu.memory_space<vmem_shared>> -> memref<632x128xf32, #tpu.memory_space<vmem_shared>>
      tpu.wait_dma2 semaphore(%run_scoped3A_304 : memref<!tpu.dma_semaphore, #tpu.memory_space<semaphore_mem>>) src(%dma_wait3A_314 : memref<632x128xf32, #tpu.memory_space<vmem_shared>>) dst(%dma_wait3A_312 : memref<632x128xf32, #tpu.memory_space<hbm>>)
      tpu.yield
    }) : () -> ()
    return
  }
}

module attributes {stable_mosaic.version = 14 : i64} {
  func.func @_prescale_body(%arg0: i32, %arg1: memref<1280x128xf32, #tpu.memory_space<vmem>>, %arg2: memref<128x128xf32, #tpu.memory_space<vmem>>, %arg3: memref<20480xf32, #tpu.memory_space<vmem>>, %arg4: memref<1280x128xf32, #tpu.memory_space<vmem>>) attributes {dimension_semantics = [#tpu.dimension_semantics<arbitrary>], iteration_bounds = array<i64: 8>, scalar_prefetch = 0 : i64, scratch_operands = 0 : i64, tpu.core_type = #tpu.core_type<tc>, window_params = [{transform_indices = @transform_0, window_bounds = array<i64: 1280, 128>}, {pipeline_mode = #tpu.pipeline_mode<synchronous>, transform_indices = @transform_1, window_bounds = array<i64: 128, 128>}, {pipeline_mode = #tpu.pipeline_mode<synchronous>, transform_indices = @transform_2, window_bounds = array<i64: 20480>}, {transform_indices = @transform_3, window_bounds = array<i64: 1280, 128>}]} {
    %mul3A = arith.constant 1280 : i32
    %mul3A_0 = arith.muli %arg0, %mul3A : i32
    %iota3A = tpu.iota {dimensions = array<i32: 0>} : vector<1280x1xi32>
    %add3A = vector.broadcast %mul3A_0 : i32 to vector<1280x1xi32>
    %add3A_1 = arith.addi %add3A, %iota3A : vector<1280x1xi32>
    %mul3A_2 = arith.constant 1280 : i32
    %mul3A_3 = arith.muli %arg0, %mul3A_2 : i32
    %get3A = arith.index_cast %mul3A_3 : i32 to index
    %get3A_4 = vector.load %arg3[%get3A] : memref<20480xf32, #tpu.memory_space<vmem>>, vector<1280xf32>
    %mul3A_5 = arith.constant 1280 : i32
    %mul3A_6 = arith.muli %arg0, %mul3A_5 : i32
    %add3A_7 = arith.constant 10240 : i32
    %add3A_8 = arith.addi %add3A_7, %mul3A_6 : i32
    %get3A_9 = arith.index_cast %add3A_8 : i32 to index
    %get3A_10 = vector.load %arg3[%get3A_9] : memref<20480xf32, #tpu.memory_space<vmem>>, vector<1280xf32>
    %add3A_11 = arith.addf %get3A_4, %get3A_10 : vector<1280xf32>
    %add3A_12 = arith.constant 1.000000e+00 : f32
    %add3A_13 = vector.broadcast %add3A_12 : f32 to vector<1280xf32>
    %add3A_14 = arith.addf %add3A_11, %add3A_13 : vector<1280xf32>
    %reshape3A = vector.shape_cast %add3A_14 : vector<1280xf32> to vector<1280x1xf32>
    %rsqrt3A = math.rsqrt %reshape3A : vector<1280x1xf32>
    %get3A_15 = arith.constant 0 : index
    %get3A_16 = arith.constant 0 : index
    %get3A_17 = vector.load %arg1[%get3A_15, %get3A_16] : memref<1280x128xf32, #tpu.memory_space<vmem>>, vector<1280x128xf32>
    %get3A_18 = arith.constant 0 : index
    %get3A_19 = arith.constant 0 : index
    %get3A_20 = vector.load %arg2[%get3A_18, %get3A_19] : memref<128x128xf32, #tpu.memory_space<vmem>>, vector<128x128xf32>
    %dot_general3A = arith.constant dense<0.000000e+00> : vector<1280x128xf32>
    %dot_general3A_21 = tpu.matmul %get3A_17, %get3A_20, %dot_general3A {dimension_numbers = #tpu.dot_dimension_numbers<[1], [0], [0], [1], [0, 0, 1, 1], [], []>, transpose_lhs_hint = false} : vector<1280x128xf32>, vector<128x128xf32>, vector<1280x128xf32> -> vector<1280x128xf32>
    %lt3A = arith.constant 10000 : i32
    %lt3A_22 = vector.broadcast %lt3A : i32 to vector<1280x1xi32>
    %lt3A_23 = arith.cmpi slt, %add3A_1, %lt3A_22 : vector<1280x1xi32>
    %mul3A_24 = vector.broadcast %rsqrt3A : vector<1280x1xf32> to vector<1280x128xf32>
    %mul3A_25 = arith.mulf %dot_general3A_21, %mul3A_24 : vector<1280x128xf32>
    %jit3A = arith.constant 0.000000e+00 : f32
    %broadcast_in_dim3A = vector.shape_cast %lt3A_23 : vector<1280x1xi1> to vector<1280x1xi1>
    %broadcast_in_dim3A_26 = vector.broadcast %broadcast_in_dim3A : vector<1280x1xi1> to vector<1280x128xi1>
    %broadcast_in_dim3A_27 = vector.broadcast %jit3A : f32 to vector<1280x128xf32>
    %select_n3A = arith.select %broadcast_in_dim3A_26, %mul3A_25, %broadcast_in_dim3A_27 : vector<1280x128xi1>, vector<1280x128xf32>
    %swap3A = arith.constant 0 : index
    %swap3A_28 = arith.constant 0 : index
    %swap3A_29 = vector.load %arg4[%swap3A, %swap3A_28] : memref<1280x128xf32, #tpu.memory_space<vmem>>, vector<1280x128xf32>
    tpu.vector_store %arg4[%swap3A, %swap3A_28], %select_n3A {strides = array<i32>} : memref<1280x128xf32, #tpu.memory_space<vmem>>, vector<1280x128xf32>,
    return
  }
  func.func @transform_0(%arg0: i32) -> (i32, i32) {
    %c0_i32 = arith.constant 0 : i32
    %c0_i32_0 = arith.constant 0 : i32
    return %arg0, %c0_i32 : i32, i32
  }
  func.func @transform_1(%arg0: i32) -> (i32, i32) {
    %c0_i32 = arith.constant 0 : i32
    %c0_i32_0 = arith.constant 0 : i32
    %c0_i32_1 = arith.constant 0 : i32
    return %c0_i32, %c0_i32_0 : i32, i32
  }
  func.func @transform_2(%arg0: i32) -> i32 {
    %c0_i32 = arith.constant 0 : i32
    %c0_i32_0 = arith.constant 0 : i32
    return %c0_i32 : i32
  }
  func.func @transform_3(%arg0: i32) -> (i32, i32) {
    %c0_i32 = arith.constant 0 : i32
    %c0_i32_0 = arith.constant 0 : i32
    return %arg0, %c0_i32 : i32, i32
  }
}

module attributes {stable_mosaic.version = 14 : i64} {
  func.func @_final_body(%arg0: i32, %arg1: memref<1x2000x128xf32, #tpu.memory_space<vmem>>, %arg2: memref<1x2000x128xf32, #tpu.memory_space<vmem>>, %arg3: memref<2000x128xf32, #tpu.memory_space<vmem>>) attributes {dimension_semantics = [#tpu.dimension_semantics<arbitrary>], iteration_bounds = array<i64: 5>, scalar_prefetch = 0 : i64, scratch_operands = 0 : i64, tpu.core_type = #tpu.core_type<tc>, window_params = [{transform_indices = @transform_0, window_bounds = array<i64: 1, 2000, 128>}, {transform_indices = @transform_1, window_bounds = array<i64: 1, 2000, 128>}, {transform_indices = @transform_2, window_bounds = array<i64: 2000, 128>}]} {
    %get3A = arith.constant 0 : index
    %get3A_0 = arith.constant 0 : index
    %get3A_1 = arith.constant 0 : index
    %get3A_2 = vector.load %arg1[%get3A, %get3A_0, %get3A_1] : memref<1x2000x128xf32, #tpu.memory_space<vmem>>, vector<1x2000x128xf32>
    %get3A_3 = vector.shape_cast %get3A_2 : vector<1x2000x128xf32> to vector<2000x128xf32>
    %get3A_4 = arith.constant 0 : index
    %get3A_5 = arith.constant 0 : index
    %get3A_6 = arith.constant 0 : index
    %get3A_7 = vector.load %arg2[%get3A_4, %get3A_5, %get3A_6] : memref<1x2000x128xf32, #tpu.memory_space<vmem>>, vector<1x2000x128xf32>
    %get3A_8 = vector.shape_cast %get3A_7 : vector<1x2000x128xf32> to vector<2000x128xf32>
    %add3A = arith.addf %get3A_3, %get3A_8 : vector<2000x128xf32>
    %mul3A = arith.mulf %add3A, %add3A : vector<2000x128xf32>
    %reduce_sum3A = arith.constant dense<0.000000e+00> : vector<2000xf32>
    %reduce_sum3A_9 = vector.multi_reduction <add>, %mul3A, %reduce_sum3A [1] : vector<2000x128xf32> to vector<2000xf32>
    %broadcast_in_dim3A = vector.shape_cast %reduce_sum3A_9 : vector<2000xf32> to vector<2000x1xf32>
    %sqrt3A = math.sqrt %broadcast_in_dim3A : vector<2000x1xf32>
    %max3A = arith.constant 9.99999996E-13 : f32
    %max3A_10 = vector.broadcast %max3A : f32 to vector<2000x1xf32>
    %max3A_11 = arith.maximumf %sqrt3A, %max3A_10 : vector<2000x1xf32>
    %div3A = vector.broadcast %max3A_11 : vector<2000x1xf32> to vector<2000x128xf32>
    %div3A_12 = arith.divf %add3A, %div3A : vector<2000x128xf32>
    %tanh3A = math.tanh %div3A_12 : vector<2000x128xf32>
    %swap3A = arith.constant 0 : index
    %swap3A_13 = arith.constant 0 : index
    %swap3A_14 = vector.load %arg3[%swap3A, %swap3A_13] : memref<2000x128xf32, #tpu.memory_space<vmem>>, vector<2000x128xf32>
    tpu.vector_store %arg3[%swap3A, %swap3A_13], %tanh3A {strides = array<i32>} : memref<2000x128xf32, #tpu.memory_space<vmem>>, vector<2000x128xf32>,
    return
  }
  func.func @transform_0(%arg0: i32) -> (i32, i32, i32) {
    %c0_i32 = arith.constant 0 : i32
    %c0_i32_0 = arith.constant 0 : i32
    %c0_i32_1 = arith.constant 0 : i32
    return %c0_i32, %arg0, %c0_i32_0 : i32, i32, i32
  }
  func.func @transform_1(%arg0: i32) -> (i32, i32, i32) {
    %c1_i32 = arith.constant 1 : i32
    %c0_i32 = arith.constant 0 : i32
    %c0_i32_0 = arith.constant 0 : i32
    return %c1_i32, %arg0, %c0_i32 : i32, i32, i32
  }
  func.func @transform_2(%arg0: i32) -> (i32, i32) {
    %c0_i32 = arith.constant 0 : i32
    %c0_i32_0 = arith.constant 0 : i32
    return %arg0, %c0_i32 : i32, i32
  }
}

</mosaic_0001>

<sc_bundles>
// kernel: kernel.6.cloned.1.call-start
scs
__scs_entry_jumppad:
0x0: {  	(pc) =	sbr.rel $0x88, $3  }
0x1: {  	(tag) =	ssettag $0x0;
	lr =	simm.s32 $0x1  }
0x2: {  	[smem:$0x3F9E] =	sst lr;
	_ =	strace $0xD0000000  }
0x3: {  	_ = 	snop  }
0x4: {  	_ = 	snop  }
0x5: {  	_ = 	snop  }
0x6: {  	_ = 	snop  }
0x7: {  	_ = 	snop  }
__scs_overlays_trampoline_lowered:
0x8: {  	[smem:$0x3FAD] =	sst s0  }
0x9: {  	[smem:$0x3FAE] =	sst s1  }
0xa: {  	[smem:$0x3FAF] =	sst s2  }
0xb: {  	[smem:$0x3FB0] =	sst s3  }
0xc: {  	[smem:$0x3FB1] =	sst s4  }
0xd: {  	[smem:$0x3FB2] =	sst s5  }
0xe: {  	[smem:$0x3FB3] =	sst s6  }
0xf: {  	[smem:$0x3FB4] =	sst s7  }
0x10: {  	[smem:$0x3FB5] =	sst s8  }
0x11: {  	[smem:$0x3FB6] =	sst s9;
	s0 =	simm.s32 @!p0 $0x0  }
0x12: {  	s1 =	sld [smem:$0x3F9C];
	s0 =	simm.s32 @p0 $0x1  }
0x13: {  	[smem:$0x3FB7] =	sst s0;
	s0 =	simm.s32 @!p1 $0x0  }
0x14: {  	s2 =	sld [smem:$0x3F9B];
	s0 =	simm.s32 @p1 $0x1  }
0x15: {  	[smem:$0x3FB8] =	sst s0;
	s0 =	simm.s32 @!p2 $0x0  }
0x16: {  	s3 =	sld [smem:$0x3FDB];
	s0 =	simm.s32 @p2 $0x1  }
0x17: {  	s4 =	simm.s32 $0x1BF5;
	[smem:$0x3FBA] =	sst s0  }
0x18: {  	s0 =	sld [smem:$0x3F9D];
	_ =	swait.ge [sflag:s4], $0x0  }
0x19: {  	s7 =	sld [smem:$0x3F9E]  }
0x1a: {  	s8 =	sadd.s32 $0xFFFFE003, lr  }
0x1b: {  	s9 =	sadd.s32 $0xFFFFFEF7, lr;
	s5 =	simm.s32 $0xFFFFFFFF;
	p2 =	slt.u32 s8, $0xFFFFF086  }
0x1c: {  	p1 =	slt.u32 s9, $0xF7A;
	s5 =	simm.s32 @!p2 $0x0  }
0x1d: {  	s5 =	simm.s32 @p1 $0x1;
	p0 =	seq.s32 s7, s2  }
0x1e: {  	s7 =	smul.u32 @!p0 $0xF7A, s2;
	p2 =	seq.s32 @!p0 s5, $0x0  }
0x1f: {  	s9 =	smul.u32 $0xF7A, s1;
	s8 =	simm.s32 @!p0 $0x1BF5;
	p2 =	por !p2, p0  }
0x20: {  	[sflag:s8] =	ssyncset.s32 @!p0 $0xFFFFF086;
	s6 =	sadd.s32 @!p0 s3, s7;
	s7 =	simm.s32 @!p0 $0x108  }
0x21: {  	s3 =	sadd.s32 s3, s9;
	s6 =	sadd.s32 @!p0 $0x88, s6;
	s7 =	simm.s32 @p2 $0x1082  }
0x22: {  	[simem:s7], [sflag:s8] =	dma.local @!p0 [hbm:s6], $0xF7A  }
0x23: {  	s9 =	sor.u32 $0xD0000000, s2;
	s6 =	simm.s32 $0x108;
	_ =	swait.ge @!p0 [sflag:s8], $0x0  }
0x24: {  	s3 =	sadd.s32 $0x88, s3;
	s6 =	simm.s32 @!p1 $0x1082;
	[sflag:s4] =	ssyncset.s32 $0xFFFFF086  }
0x25: {  	[simem:s6], [sflag:s4] =	dma.local [hbm:s3], $0xF7A  }
0x26: {  	[smem:$0x3F9E] =	sst s1;
	(tag) =	ssettag s2;
	_ =	strace s9  }
0x27: {  	s1 =	sld [smem:$0x3FAE]  }
0x28: {  	s2 =	sld [smem:$0x3FAF]  }
0x29: {  	s4 =	sld [smem:$0x3FB1]  }
0x2a: {  	p0 =	seq.s32 s5, $0x0;
	s5 =	sld [smem:$0x3FB2]  }
0x2b: {  	s6 =	sld [smem:$0x3FB3]  }
0x2c: {  	s7 =	sld [smem:$0x3FB4]  }
0x2d: {  	s3 =	simm.s32 $0x108;
	s8 =	sld [smem:$0x3FB5]  }
0x2e: {  	s3 =	simm.s32 @!p0 $0x1082;
	s9 =	sld [smem:$0x3FB6]  }
0x2f: {  	lr =	sadd.s32 s0, s3;
	s0 =	sld [smem:$0x3FAD]  }
0x30: {  	s3 =	sld [smem:$0x3FB0]  }
0x31: {  	[smem:$0x3FB9] =	sst s10  }
0x32: {  	s10 =	sld [smem:$0x3FB7];
	_ =	sdelay $0x3  }
0x33: {  	p0 =	seq.s32 s10, $0x1;
	s10 =	sld [smem:$0x3FB9];
	_ =	sdelay $0x3  }
0x34: {  	[smem:$0x3FB9] =	sst s10  }
0x35: {  	s10 =	sld [smem:$0x3FB8];
	_ =	sdelay $0x3  }
0x36: {  	p1 =	seq.s32 s10, $0x1;
	s10 =	sld [smem:$0x3FB9];
	_ =	sdelay $0x3  }
0x37: {  	[smem:$0x3FB9] =	sst s10  }
0x38: {  	s10 =	sld [smem:$0x3FBA]  }
0x39: {  	_ = 	snop;
	(pc) =	sbr.ind lr, $3  }
0x3a: {  	_ = 	snop  }
0x3b: {  	_ = 	snop  }
0x3c: {  	p2 =	seq.s32 s10, $0x1;
	s10 =	sld [smem:$0x3FB9]  }
0x3d: {  	_ =	shalt  }
0x3e: {  	_ =	shalt  }
0x3f: {  	_ =	shalt  }
0x40: {  	_ =	shalt  }
0x41: {  	_ =	shalt  }
0x42: {  	_ =	shalt  }
0x43: {  	_ =	shalt  }
0x44: {  	_ =	shalt  }
0x45: {  	_ =	shalt  }
0x46: {  	_ =	shalt  }
0x47: {  	_ =	shalt  }
0x48: {  	_ =	shalt  }
0x49: {  	_ =	shalt  }
0x4a: {  	_ =	shalt  }
0x4b: {  	_ =	shalt  }
0x4c: {  	_ =	shalt  }
0x4d: {  	_ =	shalt  }
0x4e: {  	_ =	shalt  }
0x4f: {  	_ =	shalt  }
0x50: {  	_ =	shalt  }
0x51: {  	_ =	shalt  }
0x52: {  	_ =	shalt  }
0x53: {  	_ =	shalt  }
0x54: {  	_ =	shalt  }
0x55: {  	_ =	shalt  }
0x56: {  	_ =	shalt  }
0x57: {  	_ =	shalt  }
0x58: {  	_ =	shalt  }
0x59: {  	_ =	shalt  }
0x5a: {  	_ =	shalt  }
0x5b: {  	_ =	shalt  }
0x5c: {  	_ =	shalt  }
0x5d: {  	_ =	shalt  }
0x5e: {  	_ =	shalt  }
0x5f: {  	_ =	shalt  }
0x60: {  	_ =	shalt  }
0x61: {  	_ =	shalt  }
0x62: {  	_ =	shalt  }
0x63: {  	_ =	shalt  }
0x64: {  	_ =	shalt  }
0x65: {  	_ =	shalt  }
0x66: {  	_ =	shalt  }
0x67: {  	_ =	shalt  }
0x68: {  	_ =	shalt  }
0x69: {  	_ =	shalt  }
0x6a: {  	_ =	shalt  }
0x6b: {  	_ =	shalt  }
0x6c: {  	_ =	shalt  }
0x6d: {  	_ =	shalt  }
0x6e: {  	_ =	shalt  }
0x6f: {  	_ =	shalt  }
0x70: {  	_ =	shalt  }
0x71: {  	_ =	shalt  }
0x72: {  	_ =	shalt  }
0x73: {  	_ =	shalt  }
0x74: {  	_ =	shalt  }
0x75: {  	_ =	shalt  }
0x76: {  	_ =	shalt  }
0x77: {  	_ =	shalt  }
0x78: {  	_ =	shalt  }
0x79: {  	_ =	shalt  }
0x7a: {  	_ =	shalt  }
0x7b: {  	_ =	shalt  }
0x7c: {  	_ =	shalt  }
0x7d: {  	_ =	shalt  }
0x7e: {  	_ =	shalt  }
0x7f: {  	_ =	shalt  }
0x80: {  	_ =	shalt  }
0x81: {  	_ =	shalt  }
0x82: {  	_ =	shalt  }
0x83: {  	_ =	shalt  }
0x84: {  	_ =	shalt  }
0x85: {  	_ =	shalt  }
0x86: {  	_ =	shalt  }
0x87: {  	_ =	shalt  }
.Lfunc_end0:
.L_simem_size_0:
called_computation_lowered:
.L_overlay_start_0:
0x88: {  	s2 =	sld [smem:$0x3FD9]  }
0x89: {  	s3 =	sld [smem:$0x3FFE];
	_ =	sdelay $0x1  }
0x8a: {  	s1 =	srdreg.scid  }
0x8b: {  	s0 =	sand.u32 $0x1, s1  }
0x8c: {  	s18 =	sshll.u32 s0, $0xA;
	s2 =	sadd.s32 s3, s2  }
0x8d: {  	s2 =	sadd.s32 s2, s18  }
0x8e: {  	[smem:$0x3FC5] =	sst s2  }
0x8f: {  	_ = 	snop  }
0x90: {  	s2 =	sld [smem:$0x3FC8]  }
0x91: {  	s19 =	sld [smem:$0x3FD0];
	(tm) =	ssettm $0x1  }
0x92: {  	s4 =	sld [smem:$0x3FFB];
	_ =	sdelay $0x3  }
0x93: {  	_ =	strace s4  }
0x94: {  	s4 =	sld [smem:$0x3FFC];
	_ =	sdelay $0x3  }
0x95: {  	_ =	strace s4  }
0x96: {  	s4 =	sld [smem:$0x3FFD];
	_ =	sdelay $0x3  }
0x97: {  	_ =	strace s4  }
0x98: {  	_ =	strace $0x8FFFFFFF  }
0x99: {  	s20 =	sld [smem:$0x3FDB];
	_ =	sdelay $0x1  }
0x9a: {  	s5 =	simm.s32 $_scs_section_size  }
0x9b: {  	s6 =	simm.s32 $_size__tile_overlayer_lowered;
	s7 =	simm.s32 $_tile_overlayer_lowered  }
0x9c: {  	s23 =	simm.s32 $0x1BFF;
	s22 =	sshll.u32 s7, $0x1;
	s4 =	sadd.s32 s5, s20  }
0x9d: {  	s8 =	simm.s32 $0x0;
	s21 =	sshll.u32 s6, $0x1;
	s6 =	sadd.s32 s22, s4  }
0x9e: {  	[timem:s8], [sflag:s23] =	dma.local [hbm:s6], s21  }
0x9f: {  	_ =	swait.ge [sflag:s23], s21  }
0xa0: {  	s5 =	ssub.s32 $0x0, s21;
	[sflag:s23] =	ssyncset.done $0x0  }
0xa1: {  	[sflag:s23] =	ssyncadd.s32 s5;
	_ =	sdelay $0x1  }
0xa2: {  	s24 =	simm.s32 $0x1B8B  }
0xa3: {  	_ =	swait.ge [sflag:s24], $0x1  }
0xa4: {  	[sflag:s24] =	ssyncset.done $0x0  }
0xa5: {  	s25 =	simm.s32 $0x1B8E;
	[sflag:s24] =	ssyncadd.s32 $0xFFFFFFFF  }
0xa6: {  	s26 =	simm.s32 $execute0_lowered;
	[smem:$0x3FD2] =	sst s25  }
0xa7: {  	s5 =	sshll.u32 s26, $0x1;
	_ =	strace $0x80000046;
	[dreg:$0x1] =	wrdreg $0xFFFFFFFF  }
0xa8: {  	s28 =	simm.s32 $_size_execute0_lowered;
	s4 =	sadd.s32 s4, s5;
	[dreg:$0x0] =	wrdreg $0x0  }
0xa9: {  	s5 =	sshll.u32 s28, $0x1;
	[dreg:$0x2] =	wrdreg s4  }
0xaa: {  	[dreg:$0x3] =	wrdreg s5  }
0xab: {  	[dreg:$0x4] =	wrdreg $0xC0  }
0xac: {  	_ =	task [dreg:s8], $0x5FFFF  }
0xad: {  	[dreg:$0x1] =	wrdreg $0xFFFFFFFF  }
0xae: {  	[dreg:$0x0] =	wrdreg $0x60  }
0xaf: {  	[dreg:$0x2] =	wrdreg s2  }
0xb0: {  	[dreg:$0x3] =	wrdreg s19  }
0xb1: {  	[dreg:$0x4] =	wrdreg $0xA4800  }
0xb2: {  	[dreg:$0x5] =	wrdreg $0x9  }
0xb3: {  	_ =	task.clear_ibuf [dreg:s8], $0x6FFFF;
	_ =	strace $0x90000046  }
0xb4: {  	s29 =	simm.s32 $0x9;
	_ =	strace $0x80000048  }
0xb5: {  	_ =	swait.ge [sflag:s29], $0x1  }
0xb6: {  	[sflag:s29] =	ssyncadd.s32 $0xFFFFFFFF  }
0xb7: {  	_ =	strace $0x90000048  }
0xb8: {  	_ =	sfence  }
0xb9: {  	s30 =	sld [smem:$0x0];
	_ =	sdelay $0x2  }
0xba: {  	s31 =	sshll.u32 s1, $0xD;
	s1 =	sshrl.u32 s1, $0x2  }
0xbb: {  	s3 =	sand.u32 $0x4000, s31;
	s1 =	sadd.s32 s1, s30  }
0xbc: {  	s0 =	sor.u32 s3, s0;
	s1 =	sshll.u32 s1, $0x11  }
0xbd: {  	s0 =	sor.u32 s1, s0  }
0xbe: {  	s0 =	sadd.s32 $0x8F2B, s0  }
0xbf: {  	[sflag:s0] =	ssyncadd.remote.s32 $0x1  }
0xc0: {  	_ =	sfence.sel $0xFFFF  }
0xc1: {  	[dreg:$0x0] =	wrdreg $0xFFFFFFFF;
	(pc) =	sbr.abs _section_cstart, $3  }
0xc2: {  	[dreg:$0x1] =	wrdreg $0xFFFFFFFF  }
0xc3: {  	_ =	task.clear_ibuf [dreg:s8], $0x2FFFF;
	_ =	strace $0x9FFFFFFF  }
0xc4: {  	(tm) =	ssettm $0x7FFFFFFF  }
0xc5: {  	_ =	shalt  }
tec
execute0_lowered:
.L_overlay_start_1:
0x0: {  	(tag) =	ssettag $0x1  }
0x1: {  	s1 =	rddreg [dreg:$0x0]  }
0x2: {  	s0 =	srdreg.scid;
	s2 =	rddreg [dreg:$0x1]  }
0x3: {  	s8 =	stileid.u32;
	s6 =	rddreg [dreg:$0x2]  }
0x4: {  	s7 =	simm.s32 $0x0;
	s25 =	simm.s32 $0x2;
	s26 =	simm.s32 $0x0  }
0x5: {  	s0 =	sand.u32 $0x1, s0;
	s5 =	smul.u32 $0xA000, s8;
	[smem:$0x7FF] =	sst s7  }
0x6: {  	s18 =	smul.u32 $0x280, s8;
	s3 =	sshll.u32 s0, $0x4;
	s4 =	ssub.s32 $0x2, s0  }
0x7: {  	_ =	strace $0x80000047;
	s0 =	smul.u32 $0x2800, s0;
	s24 =	sor.u32 s8, s3  }
0x8: {  	s30 =	sshrl.u32 s4, $0x1;
	s31 =	sshrl.u32 s5, $0x2;
	s5 =	sadd.s32 $0x12E40, s1  }
0x9: {  	s3 =	smul.u32 $0x9C0, s24;
	s23 =	ssub.s32 s4, s30;
	s4 =	sadd.s32 s18, s6  }
0xa: {  	s6 =	sadd.s32 s31, s6;
	s0 =	sadd.s32 s18, s0;
	p0 =	seq.s32 s24, $0x1F  }
0xb: {  	s24 =	simm.s32 $0x5200;
	s7 =	sadd.s32 $0x2800, s4;
	s8 =	sadd.s32 $0x5000, s4  }
0xc: {  	s9 =	sadd.s32 $0x7800, s4;
	s10 =	sadd.s32 $0xA000, s4;
	s11 =	sadd.s32 $0xC800, s4  }
0xd: {  	s12 =	sadd.s32 $0xF000, s4;
	s13 =	sadd.s32 $0x11800, s4;
	s14 =	sadd.s32 $0x14000, s4  }
0xe: {  	s15 =	sadd.s32 $0x16800, s4;
	s16 =	sadd.s32 $0x19000, s4;
	s17 =	sadd.s32 $0x1B800, s4  }
0xf: {  	s18 =	sadd.s32 $0x1E000, s4;
	s19 =	sadd.s32 $0x20800, s4;
	s0 =	sshrl.u32 s0, $0x3  }
0x10: {  	s20 =	sadd.s32 $0x23000, s4;
	s21 =	sadd.s32 $0x25800, s4;
	s23 =	smax.u32 s23, $0x1  }
0x11: {  	v0 =	vimm.f32 $0.0e+00;
	v1 =	vimm.f32 $1.000000000e+00;
	s3 =	sadd.s32 s1, s3;
	s22 =	sadd.s32 s2, s0;
	s2 =	simm.s32 $0xA200  }
.LBB2_1:
0x12: {  	s28 =	simm.s32 @p0 $0x0  }
0x13: {  	[tilespmem:s28], [sflag:$0x1] =	stream.linear.gather @p0 [hbm4b:s5+s28], $0x5200, $0x38;
	[tilespmem:$0xCC80] =	vst v63  }
0x14: {  	s28 =	simm.s32 @!p0 $0x0  }
0x15: {  	[tilespmem:s28], [sflag:$0x1] =	stream.linear.gather @!p0 [hbm4b:s3+s28], $0x4E00, $0x38;
	[tilespmem:$0xCC80] =	vst v63  }
0x16: {  	s29 =	simm.s32 $0x0;
	s28 =	simm.s32 $0x40  }
.LBB2_2:
0x17: {  	p1 =	sne.s32 s28, $0x9FC0;
	[tilespmem:s29+$0x5200] =	vst v0;
	s29 =	smov.u32 s28;
	s28 =	sadd.s32 $0x40, s28  }
.Ltmp0:
0x18: {  	(pc) =	sbr.rel @p1 .LBB2_2-.Ltmp0, $2  }
0x19: {  	_ =	sdelay $0x2  }
0x1a: {  	s29 =	sshra.s32 s29, $0x2  }
0x1b: {  	[tilespmem:s29+$0x5200] =	vst v0;
	s28 =	simm.s32 @p0 $0x1  }
0x1c: {  	_ =	swait.ge @p0 [sflag:s28], $0x5200  }
0x1d: {  	[sflag:s28] =	ssyncset.done @p0 $0x0  }
0x1e: {  	s30 =	simm.s32 @!p0 $0x1;
	[sflag:s28] =	ssyncadd.s32 @p0 $0xFFFFAE00  }
0x1f: {  	s29 =	simm.s32 @!p0 $0x270;
	s28 =	simm.s32 $0x0;
	_ =	swait.ge @!p0 [sflag:s30], $0x4E00  }
0x20: {  	s31 =	sand.u32 $0x70, s28;
	s1 =	sand.u32 $0xFFFFFF00, s28;
	[sflag:s30] =	ssyncset.done @!p0 $0x0  }
0x21: {  	s29 =	simm.s32 @p0 $0x290;
	s1 =	sor.u32 s31, s1;
	[sflag:s30] =	ssyncadd.s32 @!p0 $0xFFFFB200  }
0x22: {  	s29 =	sshll.u32 s29, $0x4;
	v2 =	vld [tilespmem:s1+$0x0]  }
0x23: {  	p1 =	sne.s32 s29, $0x10  }
.Ltmp1:
0x24: {  	_ = 	snop;
	(pc) =	sbr.rel @!p1 .LBB2_5-.Ltmp1, $2  }
0x25: {  	_ =	sdelay $0x2  }
0x26: {  	s31 =	simm.s32 $0x20;
	s30 =	simm.s32 $0x10  }
.LBB2_4:
0x27: {  	s1 =	sand.u32 $0x70, s30;
	s0 =	sand.u32 $0xFFFFFF00, s31;
	s30 =	sadd.s32 $0x10, s30  }
0x28: {  	s0 =	sor.u32 s1, s0;
	p1 =	sne.s32 s29, s30;
	[tilespmem:v2+s24+$0x0] =	vst.idx.add.f32.msk $0xffff, v1  }
0x29: {  	v2 =	vld [tilespmem:s0+$0x0];
	_ =	sdelay $0x1  }
.Ltmp2:
0x2a: {  	(pc) =	sbr.rel @p1 .LBB2_4-.Ltmp2, $2  }
0x2b: {  	_ =	sdelay $0x2  }
0x2c: {  	s31 =	sadd.s32 $0x20, s31  }
.LBB2_5:
0x2d: {  	_ =	sdelay $0x3  }
0x2e: {  	[tilespmem:v2+s24+$0x0] =	vst.idx.add.f32.msk $0xffff, v1  }
0x2f: {  	[spmem:s6] =	stream.linear.scatter [tilespmem:s24], [sflag:$0x2], $0x2800, $0x38;
	[tilespmem:$0xCC80] =	vst v63  }
0x30: {  	_ =	swait.ge [sflag:s25], $0x2800  }
0x31: {  	[sflag:s25] =	ssyncset.done $0x0  }
0x32: {  	[sflag:s25] =	ssyncadd.s32 $0xFFFFD800  }
0x33: {  	s29 =	simm.s32 $0x7A00;
	[bflag:$0x0] =	sbarrier.arrive $0xFFFF  }
0x34: {  	[tilespmem:s29], [sflag:$0x2] =	stream.linear.gather [spmem:s4], $0x280, $0x38;
	[tilespmem:$0xCC80] =	vst v63  }
0x35: {  	_ =	swait.ge [sflag:s25], $0x280  }
0x36: {  	[sflag:s25] =	ssyncset.done $0x0  }
0x37: {  	s0 =	simm.s32 $0x7C80;
	[sflag:s25] =	ssyncadd.s32 $0xFFFFFD80  }
0x38: {  	[tilespmem:s0], [sflag:$0x2] =	stream.linear.gather [spmem:s7], $0x280, $0x38;
	[tilespmem:$0xCC80] =	vst v63  }
0x39: {  	_ =	swait.ge [sflag:s25], $0x280  }
0x3a: {  	[sflag:s25] =	ssyncset.done $0x0  }
0x3b: {  	s1 =	simm.s32 $0x7F00;
	[sflag:s25] =	ssyncadd.s32 $0xFFFFFD80  }
0x3c: {  	[tilespmem:s1], [sflag:$0x2] =	stream.linear.gather [spmem:s8], $0x280, $0x38;
	[tilespmem:$0xCC80] =	vst v63  }
0x3d: {  	_ =	swait.ge [sflag:s25], $0x280  }
0x3e: {  	[sflag:s25] =	ssyncset.done $0x0  }
0x3f: {  	s1 =	simm.s32 $0x8180;
	[sflag:s25] =	ssyncadd.s32 $0xFFFFFD80  }
0x40: {  	[tilespmem:s1], [sflag:$0x2] =	stream.linear.gather [spmem:s9], $0x280, $0x38;
	[tilespmem:$0xCC80] =	vst v63  }
0x41: {  	_ =	swait.ge [sflag:s25], $0x280  }
0x42: {  	[sflag:s25] =	ssyncset.done $0x0  }
0x43: {  	s1 =	simm.s32 $0x8400;
	[sflag:s25] =	ssyncadd.s32 $0xFFFFFD80  }
0x44: {  	[tilespmem:s1], [sflag:$0x2] =	stream.linear.gather [spmem:s10], $0x280, $0x38;
	[tilespmem:$0xCC80] =	vst v63  }
0x45: {  	_ =	swait.ge [sflag:s25], $0x280  }
0x46: {  	[sflag:s25] =	ssyncset.done $0x0  }
0x47: {  	s1 =	simm.s32 $0x8680;
	[sflag:s25] =	ssyncadd.s32 $0xFFFFFD80  }
0x48: {  	[tilespmem:s1], [sflag:$0x2] =	stream.linear.gather [spmem:s11], $0x280, $0x38;
	[tilespmem:$0xCC80] =	vst v63  }
0x49: {  	_ =	swait.ge [sflag:s25], $0x280  }
0x4a: {  	[sflag:s25] =	ssyncset.done $0x0  }
0x4b: {  	s1 =	simm.s32 $0x8900;
	[sflag:s25] =	ssyncadd.s32 $0xFFFFFD80  }
0x4c: {  	[tilespmem:s1], [sflag:$0x2] =	stream.linear.gather [spmem:s12], $0x280, $0x38;
	[tilespmem:$0xCC80] =	vst v63  }
0x4d: {  	_ =	swait.ge [sflag:s25], $0x280  }
0x4e: {  	[sflag:s25] =	ssyncset.done $0x0  }
0x4f: {  	s1 =	simm.s32 $0x8B80;
	[sflag:s25] =	ssyncadd.s32 $0xFFFFFD80  }
0x50: {  	[tilespmem:s1], [sflag:$0x2] =	stream.linear.gather [spmem:s13], $0x280, $0x38;
	[tilespmem:$0xCC80] =	vst v63  }
0x51: {  	_ =	swait.ge [sflag:s25], $0x280  }
0x52: {  	[sflag:s25] =	ssyncset.done $0x0  }
0x53: {  	s1 =	simm.s32 $0x8E00;
	[sflag:s25] =	ssyncadd.s32 $0xFFFFFD80  }
0x54: {  	[tilespmem:s1], [sflag:$0x2] =	stream.linear.gather [spmem:s14], $0x280, $0x38;
	[tilespmem:$0xCC80] =	vst v63  }
0x55: {  	_ =	swait.ge [sflag:s25], $0x280  }
0x56: {  	[sflag:s25] =	ssyncset.done $0x0  }
0x57: {  	s1 =	simm.s32 $0x9080;
	[sflag:s25] =	ssyncadd.s32 $0xFFFFFD80  }
0x58: {  	[tilespmem:s1], [sflag:$0x2] =	stream.linear.gather [spmem:s15], $0x280, $0x38;
	[tilespmem:$0xCC80] =	vst v63  }
0x59: {  	_ =	swait.ge [sflag:s25], $0x280  }
0x5a: {  	[sflag:s25] =	ssyncset.done $0x0  }
0x5b: {  	s1 =	simm.s32 $0x9300;
	[sflag:s25] =	ssyncadd.s32 $0xFFFFFD80  }
0x5c: {  	[tilespmem:s1], [sflag:$0x2] =	stream.linear.gather [spmem:s16], $0x280, $0x38;
	[tilespmem:$0xCC80] =	vst v63  }
0x5d: {  	_ =	swait.ge [sflag:s25], $0x280  }
0x5e: {  	[sflag:s25] =	ssyncset.done $0x0  }
0x5f: {  	s1 =	simm.s32 $0x9580;
	[sflag:s25] =	ssyncadd.s32 $0xFFFFFD80  }
0x60: {  	[tilespmem:s1], [sflag:$0x2] =	stream.linear.gather [spmem:s17], $0x280, $0x38;
	[tilespmem:$0xCC80] =	vst v63  }
0x61: {  	_ =	swait.ge [sflag:s25], $0x280  }
0x62: {  	[sflag:s25] =	ssyncset.done $0x0  }
0x63: {  	s1 =	simm.s32 $0x9800;
	[sflag:s25] =	ssyncadd.s32 $0xFFFFFD80  }
0x64: {  	[tilespmem:s1], [sflag:$0x2] =	stream.linear.gather [spmem:s18], $0x280, $0x38;
	[tilespmem:$0xCC80] =	vst v63  }
0x65: {  	_ =	swait.ge [sflag:s25], $0x280  }
0x66: {  	[sflag:s25] =	ssyncset.done $0x0  }
0x67: {  	s1 =	simm.s32 $0x9A80;
	[sflag:s25] =	ssyncadd.s32 $0xFFFFFD80  }
0x68: {  	[tilespmem:s1], [sflag:$0x2] =	stream.linear.gather [spmem:s19], $0x280, $0x38;
	[tilespmem:$0xCC80] =	vst v63  }
0x69: {  	_ =	swait.ge [sflag:s25], $0x280  }
0x6a: {  	[sflag:s25] =	ssyncset.done $0x0  }
0x6b: {  	s1 =	simm.s32 $0x9D00;
	[sflag:s25] =	ssyncadd.s32 $0xFFFFFD80  }
0x6c: {  	[tilespmem:s1], [sflag:$0x2] =	stream.linear.gather [spmem:s20], $0x280, $0x38;
	[tilespmem:$0xCC80] =	vst v63  }
0x6d: {  	_ =	swait.ge [sflag:s25], $0x280  }
0x6e: {  	[sflag:s25] =	ssyncset.done $0x0  }
0x6f: {  	s1 =	simm.s32 $0x9F80;
	[sflag:s25] =	ssyncadd.s32 $0xFFFFFD80  }
0x70: {  	[tilespmem:s1], [sflag:$0x2] =	stream.linear.gather [spmem:s21], $0x280, $0x38;
	[tilespmem:$0xCC80] =	vst v63  }
0x71: {  	_ =	swait.ge [sflag:s25], $0x280  }
0x72: {  	[sflag:s25] =	ssyncset.done $0x0  }
0x73: {  	s1 =	sand.u32 $0x3F0, s28;
	[sflag:s25] =	ssyncadd.s32 $0xFFFFFD80  }
0x74: {  	v2 =	vld [tilespmem:s1+$0x7C80]  }
0x75: {  	v3 =	vld [tilespmem:s29+$0x0];
	_ =	sdelay $0x1  }
0x76: {  	v4 =	vld [tilespmem:s1+$0x7F00];
	_ =	sdelay $0x1  }
0x77: {  	v5 =	vld [tilespmem:s1+$0x8180]  }
0x78: {  	v2 =	vadd.f32 v2, v3  }
0x79: {  	v3 =	vld [tilespmem:s1+$0x8400]  }
0x7a: {  	v2 =	vadd.f32 v4, v2  }
0x7b: {  	v56 =	vld [tilespmem:s1+$0x8680]  }
0x7c: {  	v2 =	vadd.f32 v5, v2  }
0x7d: {  	v57 =	vld [tilespmem:s1+$0x8900]  }
0x7e: {  	v2 =	vadd.f32 v3, v2  }
0x7f: {  	v3 =	vld [tilespmem:s1+$0x8B80]  }
0x80: {  	v2 =	vadd.f32 v56, v2  }
0x81: {  	v58 =	vld [tilespmem:s1+$0x8E00]  }
0x82: {  	v2 =	vadd.f32 v57, v2  }
0x83: {  	v59 =	vld [tilespmem:s1+$0x9080]  }
0x84: {  	v2 =	vadd.f32 v3, v2  }
0x85: {  	v3 =	vld [tilespmem:s1+$0x9300]  }
0x86: {  	v2 =	vadd.f32 v58, v2  }
0x87: {  	v60 =	vld [tilespmem:s1+$0x9580]  }
0x88: {  	v2 =	vadd.f32 v59, v2  }
0x89: {  	v61 =	vld [tilespmem:s1+$0x9800]  }
0x8a: {  	v2 =	vadd.f32 v3, v2  }
0x8b: {  	v3 =	vld [tilespmem:s1+$0x9A80]  }
0x8c: {  	v2 =	vadd.f32 v60, v2  }
0x8d: {  	v62 =	vld [tilespmem:s1+$0x9D00]  }
0x8e: {  	v2 =	vadd.f32 v61, v2  }
0x8f: {  	v63 =	vld [tilespmem:s1+$0x9F80]  }
0x90: {  	v2 =	vadd.f32 v3, v2;
	_ =	sdelay $0x1  }
0x91: {  	v2 =	vadd.f32 v62, v2;
	_ =	sdelay $0x1  }
0x92: {  	v2 =	vadd.f32 v63, v2  }
0x93: {  	s28 =	simm.s32 $0xA200;
	s1 =	simm.s32 $0x10  }
0x94: {  	s29 =	sand.u32 $0x3F0, s1;
	[tilespmem:s28+$0x0] =	vst v2  }
0x95: {  	s31 =	simm.s32 $0x20;
	s30 =	simm.s32 $0x7A10;
	v2 =	vld [tilespmem:s29+$0x7C80]  }
.LBB2_6:
0x96: {  	p1 =	sne.s32 s31, $0x270;
	v3 =	vld [tilespmem:s30+$0x0];
	_ =	sdelay $0x1  }
0x97: {  	v4 =	vld [tilespmem:s29+$0x7F00];
	_ =	sdelay $0x1  }
0x98: {  	v5 =	vld [tilespmem:s29+$0x8180]  }
0x99: {  	v2 =	vadd.f32 v2, v3  }
0x9a: {  	v3 =	vld [tilespmem:s29+$0x8400]  }
0x9b: {  	v2 =	vadd.f32 v4, v2  }
0x9c: {  	v4 =	vld [tilespmem:s29+$0x8680]  }
0x9d: {  	v2 =	vadd.f32 v5, v2  }
0x9e: {  	v5 =	vld [tilespmem:s29+$0x8900]  }
0x9f: {  	v2 =	vadd.f32 v3, v2  }
0xa0: {  	v3 =	vld [tilespmem:s29+$0x8B80]  }
0xa1: {  	v2 =	vadd.f32 v4, v2  }
0xa2: {  	v4 =	vld [tilespmem:s29+$0x8E00]  }
0xa3: {  	v2 =	vadd.f32 v5, v2  }
0xa4: {  	v5 =	vld [tilespmem:s29+$0x9080]  }
0xa5: {  	v2 =	vadd.f32 v3, v2  }
0xa6: {  	v3 =	vld [tilespmem:s29+$0x9300]  }
0xa7: {  	v2 =	vadd.f32 v4, v2  }
0xa8: {  	v4 =	vld [tilespmem:s29+$0x9580]  }
0xa9: {  	v2 =	vadd.f32 v5, v2  }
0xaa: {  	v5 =	vld [tilespmem:s29+$0x9800]  }
0xab: {  	v2 =	vadd.f32 v3, v2  }
0xac: {  	v3 =	vld [tilespmem:s29+$0x9A80]  }
0xad: {  	v2 =	vadd.f32 v4, v2  }
0xae: {  	v4 =	vld [tilespmem:s29+$0x9D00]  }
0xaf: {  	v2 =	vadd.f32 v5, v2  }
0xb0: {  	v5 =	vld [tilespmem:s29+$0x9F80]  }
0xb1: {  	v2 =	vadd.f32 v3, v2;
	_ =	sdelay $0x1  }
0xb2: {  	v2 =	vadd.f32 v4, v2  }
.Ltmp3:
0xb3: {  	(pc) =	sbr.rel @p1 .LBB2_6-.Ltmp3, $4  }
0xb4: {  	v2 =	vadd.f32 v5, v2  }
0xb5: {  	s28 =	sadd.s32 $0x10, s28  }
0xb6: {  	s29 =	sand.u32 $0x3F0, s31;
	[tilespmem:s28+$0x0] =	vst v2  }
0xb7: {  	s30 =	sadd.s32 $0x10, s30;
	s31 =	sadd.s32 $0x10, s31;
	v2 =	vld [tilespmem:s29+$0x7C80]  }
0xb8: {  	v3 =	vld [tilespmem:s30+$0x0];
	_ =	sdelay $0x1  }
0xb9: {  	v4 =	vld [tilespmem:s29+$0x7F00];
	_ =	sdelay $0x1  }
0xba: {  	v5 =	vld [tilespmem:s29+$0x8180]  }
0xbb: {  	v2 =	vadd.f32 v2, v3  }
0xbc: {  	v3 =	vld [tilespmem:s29+$0x8400]  }
0xbd: {  	v2 =	vadd.f32 v4, v2  }
0xbe: {  	v56 =	vld [tilespmem:s29+$0x8680]  }
0xbf: {  	v2 =	vadd.f32 v5, v2  }
0xc0: {  	v57 =	vld [tilespmem:s29+$0x8900]  }
0xc1: {  	v2 =	vadd.f32 v3, v2  }
0xc2: {  	v3 =	vld [tilespmem:s29+$0x8B80]  }
0xc3: {  	v2 =	vadd.f32 v56, v2  }
0xc4: {  	v58 =	vld [tilespmem:s29+$0x8E00]  }
0xc5: {  	v2 =	vadd.f32 v57, v2  }
0xc6: {  	v59 =	vld [tilespmem:s29+$0x9080]  }
0xc7: {  	v2 =	vadd.f32 v3, v2  }
0xc8: {  	v3 =	vld [tilespmem:s29+$0x9300]  }
0xc9: {  	v2 =	vadd.f32 v58, v2  }
0xca: {  	v60 =	vld [tilespmem:s29+$0x9580]  }
0xcb: {  	v2 =	vadd.f32 v59, v2  }
0xcc: {  	v61 =	vld [tilespmem:s29+$0x9800]  }
0xcd: {  	v2 =	vadd.f32 v3, v2  }
0xce: {  	v3 =	vld [tilespmem:s29+$0x9A80]  }
0xcf: {  	v2 =	vadd.f32 v60, v2  }
0xd0: {  	v62 =	vld [tilespmem:s29+$0x9D00]  }
0xd1: {  	v2 =	vadd.f32 v61, v2  }
0xd2: {  	v63 =	vld [tilespmem:s29+$0x9F80]  }
0xd3: {  	v2 =	vadd.f32 v3, v2;
	_ =	sdelay $0x1  }
0xd4: {  	v2 =	vadd.f32 v62, v2;
	_ =	sdelay $0x1  }
0xd5: {  	s26 =	sadd.s32 $0x1, s26;
	v2 =	vadd.f32 v63, v2  }
0xd6: {  	s0 =	sadd.s32 $0x10, s28;
	p1 =	sne.s32 s26, s23  }
.Ltmp4:
0xd7: {  	s31 =	simm.s32 $0x0;
	[tilespmem:s0+$0x0] =	vst v2;
	(pc) =	sbr.rel @p1 .LBB2_1-.Ltmp4, $4  }
0xd8: {  	[hbm4b:s22+s31] =	stream.linear.scatter [tilespmem:s2], [sflag:$0x2], $0x280, $0x38;
	[tilespmem:$0xCC80] =	vst v63  }
0xd9: {  	_ =	swait.ge [sflag:s25], $0x280  }
0xda: {  	[sflag:s25] =	ssyncset.done $0x0  }
0xdb: {  	[sflag:s25] =	ssyncadd.s32 $0xFFFFFD80  }
0xdc: {  	_ =	sfence.sel $0x180000  }
0xdd: {  	[bflag:$0x0] =	sbarrier.arrive $0xFFFF  }
0xde: {  	_ =	strace $0x90000047  }
0xdf: {  	s0 =	stileid.u32;
	[bflag:$0x2] =	sbarrier.arrive $0xFFFF  }
0xe0: {  	p0 =	sne.s32 s0, $0x0;
	s0 =	rddreg [dreg:$0x3]  }
0xe1: {  	s0 =	sadd.s32 @!p0 $0x100000, s0  }
0xe2: {  	[sflag:s0] =	ssyncadd.tile.s32 @!p0 $0x1;
	_ =	shalt  }
.Lfunc_end2:
_tile_overlayer_lowered:
.L_overlay_start_2:
0xe3: {  	(tag) =	ssettag $0x2  }
0xe4: {  	s0 =	rddreg [dreg:$0x0];
	s2 =	stileid.u32  }
0xe5: {  	s1 =	rddreg [dreg:$0x1];
	p0 =	sne.s32 s2, $0x0  }
0xe6: {  	s3 =	rddreg [dreg:$0x2];
	[bflag:$0x3] =	sbarrier.arrive $0xFFFF;
	s2 =	simm.s32 @!p0 $0x1C02  }
0xe7: {  	[timem:s3], [sflag:s2] =	dma.local @!p0 [hbm:s0], s1  }
0xe8: {  	s0 =	simm.s32 @!p0 $0x2  }
0xe9: {  	_ =	swait.ge @!p0 [sflag:s0], s1  }
0xea: {  	s1 =	ssub.s32 @!p0 $0x0, s1;
	[sflag:s0] =	ssyncset.done @!p0 $0x0  }
0xeb: {  	[sflag:s0] =	ssyncadd.s32 @!p0 s1  }
0xec: {  	[bflag:$0x3] =	sbarrier.arrive $0xFFFF  }
0xed: {  	_ =	shalt  }

// kernel: kernel.9.cloned.1.call-start
scs
__scs_entry_jumppad:
0x0: {  	(pc) =	sbr.rel $0x88, $3  }
0x1: {  	(tag) =	ssettag $0x0;
	lr =	simm.s32 $0x1  }
0x2: {  	[smem:$0x3F9E] =	sst lr;
	_ =	strace $0xD0000000  }
0x3: {  	_ = 	snop  }
0x4: {  	_ = 	snop  }
0x5: {  	_ = 	snop  }
0x6: {  	_ = 	snop  }
0x7: {  	_ = 	snop  }
__scs_overlays_trampoline_lowered:
0x8: {  	[smem:$0x3FAD] =	sst s0  }
0x9: {  	[smem:$0x3FAE] =	sst s1  }
0xa: {  	[smem:$0x3FAF] =	sst s2  }
0xb: {  	[smem:$0x3FB0] =	sst s3  }
0xc: {  	[smem:$0x3FB1] =	sst s4  }
0xd: {  	[smem:$0x3FB2] =	sst s5  }
0xe: {  	[smem:$0x3FB3] =	sst s6  }
0xf: {  	[smem:$0x3FB4] =	sst s7  }
0x10: {  	[smem:$0x3FB5] =	sst s8  }
0x11: {  	[smem:$0x3FB6] =	sst s9;
	s0 =	simm.s32 @!p0 $0x0  }
0x12: {  	s1 =	sld [smem:$0x3F9C];
	s0 =	simm.s32 @p0 $0x1  }
0x13: {  	[smem:$0x3FB7] =	sst s0;
	s0 =	simm.s32 @!p1 $0x0  }
0x14: {  	s2 =	sld [smem:$0x3F9B];
	s0 =	simm.s32 @p1 $0x1  }
0x15: {  	[smem:$0x3FB8] =	sst s0;
	s0 =	simm.s32 @!p2 $0x0  }
0x16: {  	s3 =	sld [smem:$0x3FDB];
	s0 =	simm.s32 @p2 $0x1  }
0x17: {  	s4 =	simm.s32 $0x1BF5;
	[smem:$0x3FBA] =	sst s0  }
0x18: {  	s0 =	sld [smem:$0x3F9D];
	_ =	swait.ge [sflag:s4], $0x0  }
0x19: {  	s7 =	sld [smem:$0x3F9E]  }
0x1a: {  	s8 =	sadd.s32 $0xFFFFE003, lr  }
0x1b: {  	s9 =	sadd.s32 $0xFFFFFEF7, lr;
	s5 =	simm.s32 $0xFFFFFFFF;
	p2 =	slt.u32 s8, $0xFFFFF086  }
0x1c: {  	p1 =	slt.u32 s9, $0xF7A;
	s5 =	simm.s32 @!p2 $0x0  }
0x1d: {  	s5 =	simm.s32 @p1 $0x1;
	p0 =	seq.s32 s7, s2  }
0x1e: {  	s7 =	smul.u32 @!p0 $0xF7A, s2;
	p2 =	seq.s32 @!p0 s5, $0x0  }
0x1f: {  	s9 =	smul.u32 $0xF7A, s1;
	s8 =	simm.s32 @!p0 $0x1BF5;
	p2 =	por !p2, p0  }
0x20: {  	[sflag:s8] =	ssyncset.s32 @!p0 $0xFFFFF086;
	s6 =	sadd.s32 @!p0 s3, s7;
	s7 =	simm.s32 @!p0 $0x108  }
0x21: {  	s3 =	sadd.s32 s3, s9;
	s6 =	sadd.s32 @!p0 $0x88, s6;
	s7 =	simm.s32 @p2 $0x1082  }
0x22: {  	[simem:s7], [sflag:s8] =	dma.local @!p0 [hbm:s6], $0xF7A  }
0x23: {  	s9 =	sor.u32 $0xD0000000, s2;
	s6 =	simm.s32 $0x108;
	_ =	swait.ge @!p0 [sflag:s8], $0x0  }
0x24: {  	s3 =	sadd.s32 $0x88, s3;
	s6 =	simm.s32 @!p1 $0x1082;
	[sflag:s4] =	ssyncset.s32 $0xFFFFF086  }
0x25: {  	[simem:s6], [sflag:s4] =	dma.local [hbm:s3], $0xF7A  }
0x26: {  	[smem:$0x3F9E] =	sst s1;
	(tag) =	ssettag s2;
	_ =	strace s9  }
0x27: {  	s1 =	sld [smem:$0x3FAE]  }
0x28: {  	s2 =	sld [smem:$0x3FAF]  }
0x29: {  	s4 =	sld [smem:$0x3FB1]  }
0x2a: {  	p0 =	seq.s32 s5, $0x0;
	s5 =	sld [smem:$0x3FB2]  }
0x2b: {  	s6 =	sld [smem:$0x3FB3]  }
0x2c: {  	s7 =	sld [smem:$0x3FB4]  }
0x2d: {  	s3 =	simm.s32 $0x108;
	s8 =	sld [smem:$0x3FB5]  }
0x2e: {  	s3 =	simm.s32 @!p0 $0x1082;
	s9 =	sld [smem:$0x3FB6]  }
0x2f: {  	lr =	sadd.s32 s0, s3;
	s0 =	sld [smem:$0x3FAD]  }
0x30: {  	s3 =	sld [smem:$0x3FB0]  }
0x31: {  	[smem:$0x3FB9] =	sst s10  }
0x32: {  	s10 =	sld [smem:$0x3FB7];
	_ =	sdelay $0x3  }
0x33: {  	p0 =	seq.s32 s10, $0x1;
	s10 =	sld [smem:$0x3FB9];
	_ =	sdelay $0x3  }
0x34: {  	[smem:$0x3FB9] =	sst s10  }
0x35: {  	s10 =	sld [smem:$0x3FB8];
	_ =	sdelay $0x3  }
0x36: {  	p1 =	seq.s32 s10, $0x1;
	s10 =	sld [smem:$0x3FB9];
	_ =	sdelay $0x3  }
0x37: {  	[smem:$0x3FB9] =	sst s10  }
0x38: {  	s10 =	sld [smem:$0x3FBA]  }
0x39: {  	_ = 	snop;
	(pc) =	sbr.ind lr, $3  }
0x3a: {  	_ = 	snop  }
0x3b: {  	_ = 	snop  }
0x3c: {  	p2 =	seq.s32 s10, $0x1;
	s10 =	sld [smem:$0x3FB9]  }
0x3d: {  	_ =	shalt  }
0x3e: {  	_ =	shalt  }
0x3f: {  	_ =	shalt  }
0x40: {  	_ =	shalt  }
0x41: {  	_ =	shalt  }
0x42: {  	_ =	shalt  }
0x43: {  	_ =	shalt  }
0x44: {  	_ =	shalt  }
0x45: {  	_ =	shalt  }
0x46: {  	_ =	shalt  }
0x47: {  	_ =	shalt  }
0x48: {  	_ =	shalt  }
0x49: {  	_ =	shalt  }
0x4a: {  	_ =	shalt  }
0x4b: {  	_ =	shalt  }
0x4c: {  	_ =	shalt  }
0x4d: {  	_ =	shalt  }
0x4e: {  	_ =	shalt  }
0x4f: {  	_ =	shalt  }
0x50: {  	_ =	shalt  }
0x51: {  	_ =	shalt  }
0x52: {  	_ =	shalt  }
0x53: {  	_ =	shalt  }
0x54: {  	_ =	shalt  }
0x55: {  	_ =	shalt  }
0x56: {  	_ =	shalt  }
0x57: {  	_ =	shalt  }
0x58: {  	_ =	shalt  }
0x59: {  	_ =	shalt  }
0x5a: {  	_ =	shalt  }
0x5b: {  	_ =	shalt  }
0x5c: {  	_ =	shalt  }
0x5d: {  	_ =	shalt  }
0x5e: {  	_ =	shalt  }
0x5f: {  	_ =	shalt  }
0x60: {  	_ =	shalt  }
0x61: {  	_ =	shalt  }
0x62: {  	_ =	shalt  }
0x63: {  	_ =	shalt  }
0x64: {  	_ =	shalt  }
0x65: {  	_ =	shalt  }
0x66: {  	_ =	shalt  }
0x67: {  	_ =	shalt  }
0x68: {  	_ =	shalt  }
0x69: {  	_ =	shalt  }
0x6a: {  	_ =	shalt  }
0x6b: {  	_ =	shalt  }
0x6c: {  	_ =	shalt  }
0x6d: {  	_ =	shalt  }
0x6e: {  	_ =	shalt  }
0x6f: {  	_ =	shalt  }
0x70: {  	_ =	shalt  }
0x71: {  	_ =	shalt  }
0x72: {  	_ =	shalt  }
0x73: {  	_ =	shalt  }
0x74: {  	_ =	shalt  }
0x75: {  	_ =	shalt  }
0x76: {  	_ =	shalt  }
0x77: {  	_ =	shalt  }
0x78: {  	_ =	shalt  }
0x79: {  	_ =	shalt  }
0x7a: {  	_ =	shalt  }
0x7b: {  	_ =	shalt  }
0x7c: {  	_ =	shalt  }
0x7d: {  	_ =	shalt  }
0x7e: {  	_ =	shalt  }
0x7f: {  	_ =	shalt  }
0x80: {  	_ =	shalt  }
0x81: {  	_ =	shalt  }
0x82: {  	_ =	shalt  }
0x83: {  	_ =	shalt  }
0x84: {  	_ =	shalt  }
0x85: {  	_ =	shalt  }
0x86: {  	_ =	shalt  }
0x87: {  	_ =	shalt  }
.Lfunc_end0:
.L_simem_size_0:
called_computation.1_lowered:
.L_overlay_start_0:
0x88: {  	s2 =	sld [smem:$0x3FD9]  }
0x89: {  	s3 =	sld [smem:$0x3FFE];
	_ =	sdelay $0x1  }
0x8a: {  	s1 =	srdreg.scid  }
0x8b: {  	s0 =	sand.u32 $0x1, s1  }
0x8c: {  	s16 =	sshll.u32 s0, $0xA;
	s2 =	sadd.s32 s3, s2  }
0x8d: {  	s2 =	sadd.s32 s2, s16  }
0x8e: {  	[smem:$0x3FC5] =	sst s2  }
0x8f: {  	_ = 	snop  }
0x90: {  	(tm) =	ssettm $0x1  }
0x91: {  	s17 =	sld [smem:$0x3FFB];
	_ =	sdelay $0x3  }
0x92: {  	_ =	strace s17  }
0x93: {  	s2 =	sld [smem:$0x3FFC];
	_ =	sdelay $0x3  }
0x94: {  	_ =	strace s2  }
0x95: {  	s2 =	sld [smem:$0x3FFD];
	_ =	sdelay $0x3  }
0x96: {  	_ =	strace s2  }
0x97: {  	_ =	strace $0x8FFFFFFF  }
0x98: {  	s18 =	sld [smem:$0x3FDB];
	_ =	sdelay $0x1  }
0x99: {  	s19 =	simm.s32 $_scs_section_size  }
0x9a: {  	s4 =	simm.s32 $_size__tile_overlayer_lowered;
	s5 =	simm.s32 $_tile_overlayer_lowered  }
0x9b: {  	s22 =	simm.s32 $0x1BFF;
	s21 =	sshll.u32 s5, $0x1;
	s2 =	sadd.s32 s19, s18  }
0x9c: {  	s6 =	simm.s32 $0x0;
	s20 =	sshll.u32 s4, $0x1;
	s4 =	sadd.s32 s21, s2  }
0x9d: {  	[timem:s6], [sflag:s22] =	dma.local [hbm:s4], s20  }
0x9e: {  	_ =	swait.ge [sflag:s22], s20  }
0x9f: {  	s3 =	ssub.s32 $0x0, s20;
	[sflag:s22] =	ssyncset.done $0x0  }
0xa0: {  	[sflag:s22] =	ssyncadd.s32 s3;
	_ =	sdelay $0x1  }
0xa1: {  	s23 =	simm.s32 $0x1B8B  }
0xa2: {  	_ =	swait.ge [sflag:s23], $0x1  }
0xa3: {  	[sflag:s23] =	ssyncset.done $0x0  }
0xa4: {  	s25 =	simm.s32 $0x1B8E;
	s24 =	sld [smem:$0x3FFE];
	[sflag:s23] =	ssyncadd.s32 $0xFFFFFFFF  }
0xa5: {  	s26 =	simm.s32 $execute0_lowered;
	[smem:$0x3FD2] =	sst s25  }
0xa6: {  	s4 =	sshll.u32 s26, $0x1;
	_ =	strace $0x80000049;
	[dreg:$0x1] =	wrdreg $0xFFFFFFFF  }
0xa7: {  	s28 =	simm.s32 $_size_execute0_lowered;
	s2 =	sadd.s32 s2, s4;
	[dreg:$0x0] =	wrdreg $0x0  }
0xa8: {  	s4 =	sshll.u32 s28, $0x1;
	[dreg:$0x2] =	wrdreg s2  }
0xa9: {  	[dreg:$0x3] =	wrdreg s4  }
0xaa: {  	[dreg:$0x4] =	wrdreg $0xC0  }
0xab: {  	_ =	task [dreg:s6], $0x5FFFF  }
0xac: {  	[dreg:$0x1] =	wrdreg $0xFFFFFFFF  }
0xad: {  	[dreg:$0x0] =	wrdreg $0x60  }
0xae: {  	[dreg:$0x2] =	wrdreg s24  }
0xaf: {  	[dreg:$0x3] =	wrdreg $0xA8000  }
0xb0: {  	[dreg:$0x4] =	wrdreg $0x9  }
0xb1: {  	_ =	task.clear_ibuf [dreg:s6], $0x5FFFF;
	_ =	strace $0x90000049  }
0xb2: {  	s29 =	simm.s32 $0x9;
	_ =	strace $0x8000004B  }
0xb3: {  	_ =	swait.ge [sflag:s29], $0x1  }
0xb4: {  	[sflag:s29] =	ssyncadd.s32 $0xFFFFFFFF  }
0xb5: {  	_ =	strace $0x9000004B  }
0xb6: {  	_ =	sfence  }
0xb7: {  	s30 =	sld [smem:$0x0];
	_ =	sdelay $0x2  }
0xb8: {  	s31 =	sshll.u32 s1, $0xD;
	s1 =	sshrl.u32 s1, $0x2  }
0xb9: {  	s3 =	sand.u32 $0x4000, s31;
	s1 =	sadd.s32 s1, s30  }
0xba: {  	s0 =	sor.u32 s3, s0;
	s1 =	sshll.u32 s1, $0x11  }
0xbb: {  	s0 =	sor.u32 s1, s0  }
0xbc: {  	s0 =	sadd.s32 $0x8F2B, s0  }
0xbd: {  	[sflag:s0] =	ssyncadd.remote.s32 $0x1  }
0xbe: {  	_ =	sfence.sel $0xFFFF  }
0xbf: {  	[dreg:$0x0] =	wrdreg $0xFFFFFFFF;
	(pc) =	sbr.abs _section_cstart, $3  }
0xc0: {  	[dreg:$0x1] =	wrdreg $0xFFFFFFFF  }
0xc1: {  	_ =	task.clear_ibuf [dreg:s6], $0x2FFFF;
	_ =	strace $0x9FFFFFFF  }
0xc2: {  	(tm) =	ssettm $0x7FFFFFFF  }
0xc3: {  	_ =	shalt  }
tec
execute0_lowered:
.L_overlay_start_1:
0x0: {  	(tag) =	ssettag $0x1  }
0x1: {  	s0 =	srdreg.scid;
	s6 =	rddreg [dreg:$0x0]  }
0x2: {  	s15 =	stileid.u32;
	s2 =	rddreg [dreg:$0x1];
	s3 =	simm.s32 $0x0  }
0x3: {  	s28 =	simm.s32 $0xA;
	s29 =	simm.s32 $0x1400;
	s7 =	smul.u32 $0x13C00, s15  }
0x4: {  	s30 =	simm.s32 $0x40;
	s31 =	simm.s32 $0x2800;
	s8 =	smul.u32 $0x4F000, s15  }
0x5: {  	s0 =	sand.u32 $0x1, s0;
	[smem:$0x7FF] =	sst s3;
	s17 =	smul.u32 $0x2780, s15  }
0x6: {  	s4 =	sadd.s32 $0x29C00, s6;
	s1 =	sshll.u32 s0, $0x4;
	s5 =	smul.u32 $0x13C000, s0  }
0x7: {  	_ =	strace $0x8000004A;
	s14 =	ssub.s32 $0x2, s0;
	p0 =	sne.s32 s0, $0x0  }
0x8: {  	s1 =	sor.u32 s15, s1;
	s9 =	sshrl.u32 s14, $0x1;
	s16 =	sshrl.u32 s8, $0x2  }
0x9: {  	s8 =	sadd.s32 s4, s17;
	s0 =	sshll.u32 @p0 s15, $0x6;
	s17 =	simm.s32 $0x4  }
0xa: {  	s1 =	smul.u32 $0x5000, s1;
	s5 =	sadd.s32 s7, s5;
	s7 =	ssub.s32 s14, s9  }
0xb: {  	[dreg:$0x4] =	wrdreg s8;
	s8 =	simm.s32 $0x6800;
	s5 =	sshrl.u32 s5, $0x3  }
0xc: {  	s26 =	smax.u32 s7, $0x1;
	s7 =	simm.s32 $0x100;
	s1 =	sshrl.u32 s1, $0x3  }
0xd: {  	s10 =	sadd.s32 s5, s6;
	s5 =	sadd.s32 s16, s2;
	[dreg:$0xe] =	wrdreg s26  }
0xe: {  	s1 =	sadd.s32 s1, s6;
	s25 =	sadd.s32 $0x51C00, s10;
	[dreg:$0x3] =	wrdreg s5  }
0xf: {  	s16 =	simm.s32 $0x7;
	s18 =	sadd.s32 $0x1C00, s1;
	[dreg:$0xd] =	wrdreg s25  }
0x10: {  	s6 =	sadd.s32 $0x50D00, s6;
	s19 =	sadd.s32 $0x15C00, s1;
	[dreg:$0x5] =	wrdreg s18  }
0x11: {  	s9 =	sadd.s32 $0x3800, s5;
	s20 =	sadd.s32 $0x1E80, s1;
	[dreg:$0x6] =	wrdreg s19  }
0x12: {  	s11 =	sadd.s32 $0x7000, s5;
	s21 =	sadd.s32 $0x15E80, s1;
	[dreg:$0x7] =	wrdreg s20  }
0x13: {  	s12 =	sadd.s32 $0xA800, s5;
	s22 =	sadd.s32 $0x2100, s1;
	[dreg:$0x8] =	wrdreg s21  }
0x14: {  	s13 =	sadd.s32 $0xE000, s5;
	s23 =	sadd.s32 $0x16100, s1;
	[dreg:$0x9] =	wrdreg s22  }
0x15: {  	s14 =	sadd.s32 $0x11800, s5;
	s24 =	sadd.s32 $0x2380, s1;
	[dreg:$0xa] =	wrdreg s23  }
0x16: {  	s10 =	simm.s32 $0x8800;
	s1 =	sadd.s32 $0x16380, s1;
	[dreg:$0xb] =	wrdreg s24  }
0x17: {  	[dreg:$0xc] =	wrdreg s1;
	s18 =	sor.u32 @p0 $0x1C09, s0;
	s0 =	sshrl.u32 @p0 s5, $0x3  }
0x18: {  	s1 =	sshrl.u32 @p0 s13, $0x3;
	s13 =	simm.s32 $0x2;
	s19 =	simm.s32 $0x8  }
0x19: {  	s20 =	simm.s32 $0x2600;
	s21 =	simm.s32 $0x2680;
	[dreg:$0xf] =	wrdreg s0  }
0x1a: {  	s22 =	simm.s32 $0x2700;
	s0 =	sshrl.u32 @p0 s9, $0x3;
	[dreg:$0x13] =	wrdreg s1  }
0x1b: {  	s23 =	simm.s32 $0x2780;
	s1 =	sshrl.u32 @p0 s14, $0x3;
	[dreg:$0x10] =	wrdreg s0  }
0x1c: {  	s24 =	simm.s32 $0x0;
	s0 =	sshrl.u32 @p0 s11, $0x3;
	[dreg:$0x14] =	wrdreg s1  }
0x1d: {  	s9 =	simm.s32 $0x180;
	[dreg:$0x11] =	wrdreg s0;
	s0 =	sshrl.u32 @p0 s12, $0x3  }
0x1e: {  	s14 =	simm.s32 $0x6;
	[dreg:$0x12] =	wrdreg s0;
	s0 =	sshll.u32 @!p0 s15, $0x6  }
0x1f: {  	s1 =	simm.s32 $0x80;
	s11 =	simm.s32 $0x1;
	s0 =	sor.u32 @!p0 $0x1C09, s0  }
0x20: {  	s12 =	simm.s32 $0x5;
	[dreg:$0x15] =	wrdreg s0;
	s0 =	sshrl.u32 @!p0 s5, $0x3  }
0x21: {  	s15 =	simm.s32 $0x3;
	[dreg:$0x16] =	wrdreg s0;
	s0 =	simm.s32 $0x4800  }
.LBB2_1:
0x22: {  	s5 =	rddreg [dreg:$0xf]  }
0x23: {  	[spmem:s5], [sflag:s18] =	dma.local @p0 [hbm:s6], $0x700  }
0x24: {  	s5 =	rddreg [dreg:$0x10]  }
0x25: {  	[spmem:s5], [sflag:s18] =	dma.local @p0 [hbm:s6], $0x700  }
0x26: {  	s5 =	rddreg [dreg:$0x11]  }
0x27: {  	[spmem:s5], [sflag:s18] =	dma.local @p0 [hbm:s6], $0x700  }
0x28: {  	s5 =	rddreg [dreg:$0x12]  }
0x29: {  	[spmem:s5], [sflag:s18] =	dma.local @p0 [hbm:s6], $0x700  }
0x2a: {  	s5 =	rddreg [dreg:$0x13]  }
0x2b: {  	[spmem:s5], [sflag:s18] =	dma.local @p0 [hbm:s6], $0x700  }
0x2c: {  	s5 =	rddreg [dreg:$0x14]  }
0x2d: {  	[spmem:s5], [sflag:s18] =	dma.local @p0 [hbm:s6], $0x480  }
0x2e: {  	s5 =	rddreg [dreg:$0x4]  }
0x2f: {  	s25 =	rddreg [dreg:$0x15]  }
0x30: {  	s26 =	rddreg [dreg:$0x16]  }
0x31: {  	[spmem:s26], [sflag:s25] =	dma.local @!p0 [hbm:s5], $0x2780  }
0x32: {  	s5 =	rddreg [dreg:$0x5]  }
0x33: {  	[tilespmem:s3], [sflag:$0xA] =	stream.linear.gather [hbm4b:s5+s3], $0x1400, $0x38;
	[tilespmem:$0x1E400] =	vst v63  }
0x34: {  	_ =	swait.ge [sflag:s28], $0x1400  }
0x35: {  	[sflag:s28] =	ssyncset.done $0x0  }
0x36: {  	s25 =	rddreg [dreg:$0x6];
	[sflag:s28] =	ssyncadd.s32 $0xFFFFEC00  }
0x37: {  	[tilespmem:s29], [sflag:$0xA] =	stream.linear.gather [hbm4b:s25+s3], $0x1400, $0x38;
	[tilespmem:$0x1E400] =	vst v63  }
0x38: {  	_ =	swait.ge [sflag:s28], $0x1400  }
0x39: {  	[sflag:s28] =	ssyncset.done $0x0  }
0x3a: {  	[sflag:s28] =	ssyncadd.s32 $0xFFFFEC00  }
0x3b: {  	[tilespmem:s31], [sflag:$0x1] =	stream.indirect.gather [hbm4b:s4+s30], $0x80, s3, s30, $0xb8;
	[tilespmem:$0x1E400] =	vst v63  }
0x3c: {  	_ = 	snop  }
0x3d: {  	[tilespmem:s0], [sflag:$0x2] =	stream.indirect.gather [hbm4b:s4+s30], $0x80, s1, s30, $0xb8;
	[tilespmem:$0x1E400] =	vst v63  }
0x3e: {  	_ = 	snop  }
0x3f: {  	[tilespmem:s8], [sflag:$0x3] =	stream.indirect.gather [hbm4b:s4+s30], $0x80, s7, s30, $0xb8;
	[tilespmem:$0x1E400] =	vst v63  }
0x40: {  	s25 =	simm.s32 @p0 $0x9  }
0x41: {  	[tilespmem:s10], [sflag:$0x4] =	stream.indirect.gather [hbm4b:s4+s30], $0x80, s9, s30, $0xb8;
	[tilespmem:$0x1E400] =	vst v63  }
0x42: {  	_ =	swait.ge @p0 [sflag:s25], $0x700  }
0x43: {  	[sflag:s25] =	ssyncset.done @p0 $0x0  }
0x44: {  	[sflag:s25] =	ssyncadd.s32 @p0 $0xFFFFF900  }
0x45: {  	_ =	swait.ge @p0 [sflag:s25], $0x700  }
0x46: {  	[sflag:s25] =	ssyncset.done @p0 $0x0  }
0x47: {  	[sflag:s25] =	ssyncadd.s32 @p0 $0xFFFFF900  }
0x48: {  	_ =	swait.ge @p0 [sflag:s25], $0x700  }
0x49: {  	[sflag:s25] =	ssyncset.done @p0 $0x0  }
0x4a: {  	[sflag:s25] =	ssyncadd.s32 @p0 $0xFFFFF900  }
0x4b: {  	_ =	swait.ge @p0 [sflag:s25], $0x700  }
0x4c: {  	[sflag:s25] =	ssyncset.done @p0 $0x0  }
0x4d: {  	[sflag:s25] =	ssyncadd.s32 @p0 $0xFFFFF900  }
0x4e: {  	_ =	swait.ge @p0 [sflag:s25], $0x700  }
0x4f: {  	[sflag:s25] =	ssyncset.done @p0 $0x0  }
0x50: {  	[sflag:s25] =	ssyncadd.s32 @p0 $0xFFFFF900  }
0x51: {  	_ =	swait.ge @p0 [sflag:s25], $0x480  }
0x52: {  	[sflag:s25] =	ssyncset.done @p0 $0x0  }
0x53: {  	[sflag:s25] =	ssyncadd.s32 @p0 $0xFFFFFB80;
	s25 =	simm.s32 @!p0 $0x9  }
0x54: {  	_ =	swait.ge @!p0 [sflag:s25], $0x2780  }
0x55: {  	[sflag:s25] =	ssyncset.done @!p0 $0x0  }
0x56: {  	[sflag:s25] =	ssyncadd.s32 @!p0 $0xFFFFD880  }
0x57: {  	[bflag:$0x0] =	sbarrier.arrive $0xFFFF  }
0x58: {  	_ =	swait.ge [sflag:s11], $0x2000  }
0x59: {  	[sflag:s11] =	ssyncset.done $0x0  }
0x5a: {  	s26 =	simm.s32 $0x1400;
	[sflag:s11] =	ssyncadd.s32 $0xFFFFE000  }
0x5b: {  	[spmem:s2] =	stream.indirect.scatter.add.f32 [tilespmem:s31], [sflag:$0x5], $0x80, s26, s30, $0xb8;
	[tilespmem:$0x1E400] =	vst v63  }
0x5c: {  	_ =	swait.ge [sflag:s12], $0x2000  }
0x5d: {  	[sflag:s12] =	ssyncset.done $0x0  }
0x5e: {  	s5 =	simm.s32 $0x200;
	[sflag:s12] =	ssyncadd.s32 $0xFFFFE000  }
0x5f: {  	[tilespmem:s31], [sflag:$0x1] =	stream.indirect.gather [hbm4b:s4+s30], $0x80, s5, s30, $0xb8;
	[tilespmem:$0x1E400] =	vst v63  }
0x60: {  	_ =	swait.ge [sflag:s13], $0x2000  }
0x61: {  	[sflag:s13] =	ssyncset.done $0x0  }
0x62: {  	s26 =	simm.s32 $0x1480;
	[sflag:s13] =	ssyncadd.s32 $0xFFFFE000  }
0x63: {  	[spmem:s2] =	stream.indirect.scatter.add.f32 [tilespmem:s0], [sflag:$0x6], $0x80, s26, s30, $0xb8;
	[tilespmem:$0x1E400] =	vst v63  }
0x64: {  	_ =	swait.ge [sflag:s14], $0x2000  }
0x65: {  	[sflag:s14] =	ssyncset.done $0x0  }
0x66: {  	s5 =	simm.s32 $0x280;
	[sflag:s14] =	ssyncadd.s32 $0xFFFFE000  }
0x67: {  	[tilespmem:s0], [sflag:$0x2] =	stream.indirect.gather [hbm4b:s4+s30], $0x80, s5, s30, $0xb8;
	[tilespmem:$0x1E400] =	vst v63  }
0x68: {  	_ =	swait.ge [sflag:s15], $0x2000  }
0x69: {  	[sflag:s15] =	ssyncset.done $0x0  }
0x6a: {  	s26 =	simm.s32 $0x1500;
	[sflag:s15] =	ssyncadd.s32 $0xFFFFE000  }
0x6b: {  	[spmem:s2] =	stream.indirect.scatter.add.f32 [tilespmem:s8], [sflag:$0x7], $0x80, s26, s30, $0xb8;
	[tilespmem:$0x1E400] =	vst v63  }
0x6c: {  	_ =	swait.ge [sflag:s16], $0x2000  }
0x6d: {  	[sflag:s16] =	ssyncset.done $0x0  }
0x6e: {  	s5 =	simm.s32 $0x300;
	[sflag:s16] =	ssyncadd.s32 $0xFFFFE000  }
0x6f: {  	[tilespmem:s8], [sflag:$0x3] =	stream.indirect.gather [hbm4b:s4+s30], $0x80, s5, s30, $0xb8;
	[tilespmem:$0x1E400] =	vst v63  }
0x70: {  	_ =	swait.ge [sflag:s17], $0x2000  }
0x71: {  	[sflag:s17] =	ssyncset.done $0x0  }
0x72: {  	s26 =	simm.s32 $0x1580;
	[sflag:s17] =	ssyncadd.s32 $0xFFFFE000  }
0x73: {  	[spmem:s2] =	stream.indirect.scatter.add.f32 [tilespmem:s10], [sflag:$0x8], $0x80, s26, s30, $0xb8;
	[tilespmem:$0x1E400] =	vst v63  }
0x74: {  	_ =	swait.ge [sflag:s19], $0x2000  }
0x75: {  	[sflag:s19] =	ssyncset.done $0x0  }
0x76: {  	s25 =	simm.s32 $0x800;
	s26 =	simm.s32 $0x380;
	[sflag:s19] =	ssyncadd.s32 $0xFFFFE000  }
.LBB2_2:
0x77: {  	[tilespmem:s10], [sflag:$0x4] =	stream.indirect.gather [hbm4b:s4+s30], $0x80, s26, s30, $0xb8;
	[tilespmem:$0x1E400] =	vst v63  }
0x78: {  	s26 =	smov.u32 s25  }
0x79: {  	p1 =	sne.s32 s25, $0x4000;
	s25 =	sadd.s32 $0x800, s25;
	_ =	swait.ge [sflag:s11], $0x2000  }
0x7a: {  	s26 =	sshra.s32 s26, $0x2;
	[sflag:s11] =	ssyncset.done $0x0  }
0x7b: {  	s5 =	sadd.s32 $0x1400, s26;
	[sflag:s11] =	ssyncadd.s32 $0xFFFFE000  }
0x7c: {  	[spmem:s2] =	stream.indirect.scatter.add.f32 [tilespmem:s31], [sflag:$0x5], $0x80, s5, s30, $0xb8;
	[tilespmem:$0x1E400] =	vst v63  }
0x7d: {  	_ =	swait.ge [sflag:s12], $0x2000  }
0x7e: {  	[sflag:s12] =	ssyncset.done $0x0  }
0x7f: {  	s5 =	sadd.s32 $0x200, s26;
	[sflag:s12] =	ssyncadd.s32 $0xFFFFE000  }
0x80: {  	[tilespmem:s31], [sflag:$0x1] =	stream.indirect.gather [hbm4b:s4+s30], $0x80, s5, s30, $0xb8;
	[tilespmem:$0x1E400] =	vst v63  }
0x81: {  	_ =	swait.ge [sflag:s13], $0x2000  }
0x82: {  	[sflag:s13] =	ssyncset.done $0x0  }
0x83: {  	s5 =	sadd.s32 $0x1480, s26;
	[sflag:s13] =	ssyncadd.s32 $0xFFFFE000  }
0x84: {  	[spmem:s2] =	stream.indirect.scatter.add.f32 [tilespmem:s0], [sflag:$0x6], $0x80, s5, s30, $0xb8;
	[tilespmem:$0x1E400] =	vst v63  }
0x85: {  	_ =	swait.ge [sflag:s14], $0x2000  }
0x86: {  	[sflag:s14] =	ssyncset.done $0x0  }
0x87: {  	s5 =	sadd.s32 $0x280, s26;
	[sflag:s14] =	ssyncadd.s32 $0xFFFFE000  }
0x88: {  	[tilespmem:s0], [sflag:$0x2] =	stream.indirect.gather [hbm4b:s4+s30], $0x80, s5, s30, $0xb8;
	[tilespmem:$0x1E400] =	vst v63  }
0x89: {  	_ =	swait.ge [sflag:s15], $0x2000  }
0x8a: {  	[sflag:s15] =	ssyncset.done $0x0  }
0x8b: {  	s5 =	sadd.s32 $0x1500, s26;
	[sflag:s15] =	ssyncadd.s32 $0xFFFFE000  }
0x8c: {  	[spmem:s2] =	stream.indirect.scatter.add.f32 [tilespmem:s8], [sflag:$0x7], $0x80, s5, s30, $0xb8;
	[tilespmem:$0x1E400] =	vst v63  }
0x8d: {  	_ =	swait.ge [sflag:s16], $0x2000  }
0x8e: {  	[sflag:s16] =	ssyncset.done $0x0  }
0x8f: {  	s5 =	sadd.s32 $0x300, s26;
	[sflag:s16] =	ssyncadd.s32 $0xFFFFE000  }
0x90: {  	[tilespmem:s8], [sflag:$0x3] =	stream.indirect.gather [hbm4b:s4+s30], $0x80, s5, s30, $0xb8;
	[tilespmem:$0x1E400] =	vst v63  }
0x91: {  	_ =	swait.ge [sflag:s17], $0x2000  }
0x92: {  	[sflag:s17] =	ssyncset.done $0x0  }
.Ltmp0:
0x93: {  	s5 =	sadd.s32 $0x1580, s26;
	[sflag:s17] =	ssyncadd.s32 $0xFFFFE000;
	(pc) =	sbr.rel @p1 .LBB2_2-.Ltmp0, $4  }
0x94: {  	[spmem:s2] =	stream.indirect.scatter.add.f32 [tilespmem:s10], [sflag:$0x8], $0x80, s5, s30, $0xb8;
	[tilespmem:$0x1E400] =	vst v63  }
0x95: {  	_ =	swait.ge [sflag:s19], $0x2000  }
0x96: {  	[sflag:s19] =	ssyncset.done $0x0  }
0x97: {  	s26 =	sadd.s32 $0x380, s26;
	[sflag:s19] =	ssyncadd.s32 $0xFFFFE000  }
0x98: {  	[tilespmem:s10], [sflag:$0x4] =	stream.indirect.gather [hbm4b:s4+s30], $0x80, s26, s30, $0xb8;
	[tilespmem:$0x1E400] =	vst v63  }
0x99: {  	_ =	swait.ge [sflag:s11], $0x2000  }
0x9a: {  	[sflag:s11] =	ssyncset.done $0x0  }
0x9b: {  	[sflag:s11] =	ssyncadd.s32 $0xFFFFE000  }
0x9c: {  	[spmem:s2] =	stream.indirect.scatter.add.f32 [tilespmem:s31], [sflag:$0x5], $0x80, s20, s30, $0xb8;
	[tilespmem:$0x1E400] =	vst v63  }
0x9d: {  	_ =	swait.ge [sflag:s13], $0x2000  }
0x9e: {  	[sflag:s13] =	ssyncset.done $0x0  }
0x9f: {  	[sflag:s13] =	ssyncadd.s32 $0xFFFFE000  }
0xa0: {  	[spmem:s2] =	stream.indirect.scatter.add.f32 [tilespmem:s0], [sflag:$0x6], $0x80, s21, s30, $0xb8;
	[tilespmem:$0x1E400] =	vst v63  }
0xa1: {  	_ =	swait.ge [sflag:s15], $0x2000  }
0xa2: {  	[sflag:s15] =	ssyncset.done $0x0  }
0xa3: {  	[sflag:s15] =	ssyncadd.s32 $0xFFFFE000  }
0xa4: {  	[spmem:s2] =	stream.indirect.scatter.add.f32 [tilespmem:s8], [sflag:$0x7], $0x80, s22, s30, $0xb8;
	[tilespmem:$0x1E400] =	vst v63  }
0xa5: {  	_ =	swait.ge [sflag:s17], $0x2000  }
0xa6: {  	[sflag:s17] =	ssyncset.done $0x0  }
0xa7: {  	[sflag:s17] =	ssyncadd.s32 $0xFFFFE000  }
0xa8: {  	[spmem:s2] =	stream.indirect.scatter.add.f32 [tilespmem:s10], [sflag:$0x8], $0x80, s23, s30, $0xb8;
	[tilespmem:$0x1E400] =	vst v63  }
0xa9: {  	_ =	swait.ge [sflag:s12], $0x2000  }
0xaa: {  	[sflag:s12] =	ssyncset.done $0x0  }
0xab: {  	[sflag:s12] =	ssyncadd.s32 $0xFFFFE000  }
0xac: {  	_ =	swait.ge [sflag:s14], $0x2000  }
0xad: {  	[sflag:s14] =	ssyncset.done $0x0  }
0xae: {  	[sflag:s14] =	ssyncadd.s32 $0xFFFFE000  }
0xaf: {  	_ =	swait.ge [sflag:s16], $0x2000  }
0xb0: {  	[sflag:s16] =	ssyncset.done $0x0  }
0xb1: {  	[sflag:s16] =	ssyncadd.s32 $0xFFFFE000  }
0xb2: {  	_ =	swait.ge [sflag:s19], $0x2000  }
0xb3: {  	[sflag:s19] =	ssyncset.done $0x0  }
0xb4: {  	s5 =	simm.s32 $0x0;
	s25 =	rddreg [dreg:$0x7];
	[sflag:s19] =	ssyncadd.s32 $0xFFFFE000  }
0xb5: {  	[tilespmem:s5], [sflag:$0xA] =	stream.linear.gather [hbm4b:s25+s5], $0x1400, $0x38;
	[tilespmem:$0x1E400] =	vst v63  }
0xb6: {  	_ =	swait.ge [sflag:s28], $0x1400  }
0xb7: {  	[sflag:s28] =	ssyncset.done $0x0  }
0xb8: {  	s26 =	rddreg [dreg:$0x8];
	[sflag:s28] =	ssyncadd.s32 $0xFFFFEC00  }
0xb9: {  	[tilespmem:s29], [sflag:$0xA] =	stream.linear.gather [hbm4b:s26+s5], $0x1400, $0x38;
	[tilespmem:$0x1E400] =	vst v63  }
0xba: {  	_ =	swait.ge [sflag:s28], $0x1400  }
0xbb: {  	[sflag:s28] =	ssyncset.done $0x0  }
0xbc: {  	[sflag:s28] =	ssyncadd.s32 $0xFFFFEC00  }
0xbd: {  	[tilespmem:s31], [sflag:$0x1] =	stream.indirect.gather [hbm4b:s4+s30], $0x80, s5, s30, $0xb8;
	[tilespmem:$0x1E400] =	vst v63  }
0xbe: {  	_ = 	snop  }
0xbf: {  	[tilespmem:s0], [sflag:$0x2] =	stream.indirect.gather [hbm4b:s4+s30], $0x80, s1, s30, $0xb8;
	[tilespmem:$0x1E400] =	vst v63  }
0xc0: {  	_ = 	snop  }
0xc1: {  	[tilespmem:s8], [sflag:$0x3] =	stream.indirect.gather [hbm4b:s4+s30], $0x80, s7, s30, $0xb8;
	[tilespmem:$0x1E400] =	vst v63  }
0xc2: {  	_ = 	snop  }
0xc3: {  	[tilespmem:s10], [sflag:$0x4] =	stream.indirect.gather [hbm4b:s4+s30], $0x80, s9, s30, $0xb8;
	[tilespmem:$0x1E400] =	vst v63  }
0xc4: {  	_ =	swait.ge [sflag:s11], $0x2000  }
0xc5: {  	[sflag:s11] =	ssyncset.done $0x0  }
0xc6: {  	s26 =	simm.s32 $0x1400;
	[sflag:s11] =	ssyncadd.s32 $0xFFFFE000  }
0xc7: {  	[spmem:s2] =	stream.indirect.scatter.add.f32 [tilespmem:s31], [sflag:$0x5], $0x80, s26, s30, $0xb8;
	[tilespmem:$0x1E400] =	vst v63  }
0xc8: {  	_ =	swait.ge [sflag:s12], $0x2000  }
0xc9: {  	[sflag:s12] =	ssyncset.done $0x0  }
0xca: {  	s25 =	simm.s32 $0x200;
	[sflag:s12] =	ssyncadd.s32 $0xFFFFE000  }
0xcb: {  	[tilespmem:s31], [sflag:$0x1] =	stream.indirect.gather [hbm4b:s4+s30], $0x80, s25, s30, $0xb8;
	[tilespmem:$0x1E400] =	vst v63  }
0xcc: {  	_ =	swait.ge [sflag:s13], $0x2000  }
0xcd: {  	[sflag:s13] =	ssyncset.done $0x0  }
0xce: {  	s26 =	simm.s32 $0x1480;
	[sflag:s13] =	ssyncadd.s32 $0xFFFFE000  }
0xcf: {  	[spmem:s2] =	stream.indirect.scatter.add.f32 [tilespmem:s0], [sflag:$0x6], $0x80, s26, s30, $0xb8;
	[tilespmem:$0x1E400] =	vst v63  }
0xd0: {  	_ =	swait.ge [sflag:s14], $0x2000  }
0xd1: {  	[sflag:s14] =	ssyncset.done $0x0  }
0xd2: {  	s25 =	simm.s32 $0x280;
	[sflag:s14] =	ssyncadd.s32 $0xFFFFE000  }
0xd3: {  	[tilespmem:s0], [sflag:$0x2] =	stream.indirect.gather [hbm4b:s4+s30], $0x80, s25, s30, $0xb8;
	[tilespmem:$0x1E400] =	vst v63  }
0xd4: {  	_ =	swait.ge [sflag:s15], $0x2000  }
0xd5: {  	[sflag:s15] =	ssyncset.done $0x0  }
0xd6: {  	s26 =	simm.s32 $0x1500;
	[sflag:s15] =	ssyncadd.s32 $0xFFFFE000  }
0xd7: {  	[spmem:s2] =	stream.indirect.scatter.add.f32 [tilespmem:s8], [sflag:$0x7], $0x80, s26, s30, $0xb8;
	[tilespmem:$0x1E400] =	vst v63  }
0xd8: {  	_ =	swait.ge [sflag:s16], $0x2000  }
0xd9: {  	[sflag:s16] =	ssyncset.done $0x0  }
0xda: {  	s25 =	simm.s32 $0x300;
	[sflag:s16] =	ssyncadd.s32 $0xFFFFE000  }
0xdb: {  	[tilespmem:s8], [sflag:$0x3] =	stream.indirect.gather [hbm4b:s4+s30], $0x80, s25, s30, $0xb8;
	[tilespmem:$0x1E400] =	vst v63  }
0xdc: {  	_ =	swait.ge [sflag:s17], $0x2000  }
0xdd: {  	[sflag:s17] =	ssyncset.done $0x0  }
0xde: {  	s26 =	simm.s32 $0x1580;
	[sflag:s17] =	ssyncadd.s32 $0xFFFFE000  }
0xdf: {  	[spmem:s2] =	stream.indirect.scatter.add.f32 [tilespmem:s10], [sflag:$0x8], $0x80, s26, s30, $0xb8;
	[tilespmem:$0x1E400] =	vst v63  }
0xe0: {  	_ =	swait.ge [sflag:s19], $0x2000  }
0xe1: {  	[sflag:s19] =	ssyncset.done $0x0  }
0xe2: {  	s25 =	simm.s32 $0x800;
	s26 =	simm.s32 $0x380;
	[sflag:s19] =	ssyncadd.s32 $0xFFFFE000  }
.LBB2_4:
0xe3: {  	[tilespmem:s10], [sflag:$0x4] =	stream.indirect.gather [hbm4b:s4+s30], $0x80, s26, s30, $0xb8;
	[tilespmem:$0x1E400] =	vst v63  }
0xe4: {  	s5 =	smov.u32 s25  }
0xe5: {  	p1 =	sne.s32 s25, $0x4000;
	s25 =	sadd.s32 $0x800, s25;
	_ =	swait.ge [sflag:s11], $0x2000  }
0xe6: {  	s26 =	sshra.s32 s5, $0x2;
	[sflag:s11] =	ssyncset.done $0x0  }
0xe7: {  	s5 =	sadd.s32 $0x1400, s26;
	[sflag:s11] =	ssyncadd.s32 $0xFFFFE000  }
0xe8: {  	[spmem:s2] =	stream.indirect.scatter.add.f32 [tilespmem:s31], [sflag:$0x5], $0x80, s5, s30, $0xb8;
	[tilespmem:$0x1E400] =	vst v63  }
0xe9: {  	_ =	swait.ge [sflag:s12], $0x2000  }
0xea: {  	[sflag:s12] =	ssyncset.done $0x0  }
0xeb: {  	s5 =	sadd.s32 $0x200, s26;
	[sflag:s12] =	ssyncadd.s32 $0xFFFFE000  }
0xec: {  	[tilespmem:s31], [sflag:$0x1] =	stream.indirect.gather [hbm4b:s4+s30], $0x80, s5, s30, $0xb8;
	[tilespmem:$0x1E400] =	vst v63  }
0xed: {  	_ =	swait.ge [sflag:s13], $0x2000  }
0xee: {  	[sflag:s13] =	ssyncset.done $0x0  }
0xef: {  	s5 =	sadd.s32 $0x1480, s26;
	[sflag:s13] =	ssyncadd.s32 $0xFFFFE000  }
0xf0: {  	[spmem:s2] =	stream.indirect.scatter.add.f32 [tilespmem:s0], [sflag:$0x6], $0x80, s5, s30, $0xb8;
	[tilespmem:$0x1E400] =	vst v63  }
0xf1: {  	_ =	swait.ge [sflag:s14], $0x2000  }
0xf2: {  	[sflag:s14] =	ssyncset.done $0x0  }
0xf3: {  	s5 =	sadd.s32 $0x280, s26;
	[sflag:s14] =	ssyncadd.s32 $0xFFFFE000  }
0xf4: {  	[tilespmem:s0], [sflag:$0x2] =	stream.indirect.gather [hbm4b:s4+s30], $0x80, s5, s30, $0xb8;
	[tilespmem:$0x1E400] =	vst v63  }
0xf5: {  	_ =	swait.ge [sflag:s15], $0x2000  }
0xf6: {  	[sflag:s15] =	ssyncset.done $0x0  }
0xf7: {  	s5 =	sadd.s32 $0x1500, s26;
	[sflag:s15] =	ssyncadd.s32 $0xFFFFE000  }
0xf8: {  	[spmem:s2] =	stream.indirect.scatter.add.f32 [tilespmem:s8], [sflag:$0x7], $0x80, s5, s30, $0xb8;
	[tilespmem:$0x1E400] =	vst v63  }
0xf9: {  	_ =	swait.ge [sflag:s16], $0x2000  }
0xfa: {  	[sflag:s16] =	ssyncset.done $0x0  }
0xfb: {  	s5 =	sadd.s32 $0x300, s26;
	[sflag:s16] =	ssyncadd.s32 $0xFFFFE000  }
0xfc: {  	[tilespmem:s8], [sflag:$0x3] =	stream.indirect.gather [hbm4b:s4+s30], $0x80, s5, s30, $0xb8;
	[tilespmem:$0x1E400] =	vst v63  }
0xfd: {  	_ =	swait.ge [sflag:s17], $0x2000  }
0xfe: {  	[sflag:s17] =	ssyncset.done $0x0  }
.Ltmp1:
0xff: {  	s5 =	sadd.s32 $0x1580, s26;
	[sflag:s17] =	ssyncadd.s32 $0xFFFFE000;
	(pc) =	sbr.rel @p1 .LBB2_4-.Ltmp1, $4  }
0x100: {  	[spmem:s2] =	stream.indirect.scatter.add.f32 [tilespmem:s10], [sflag:$0x8], $0x80, s5, s30, $0xb8;
	[tilespmem:$0x1E400] =	vst v63  }
0x101: {  	_ =	swait.ge [sflag:s19], $0x2000  }
0x102: {  	[sflag:s19] =	ssyncset.done $0x0  }
0x103: {  	s26 =	sadd.s32 $0x380, s26;
	[sflag:s19] =	ssyncadd.s32 $0xFFFFE000  }
0x104: {  	[tilespmem:s10], [sflag:$0x4] =	stream.indirect.gather [hbm4b:s4+s30], $0x80, s26, s30, $0xb8;
	[tilespmem:$0x1E400] =	vst v63  }
0x105: {  	_ =	swait.ge [sflag:s11], $0x2000  }
0x106: {  	[sflag:s11] =	ssyncset.done $0x0  }
0x107: {  	[sflag:s11] =	ssyncadd.s32 $0xFFFFE000  }
0x108: {  	[spmem:s2] =	stream.indirect.scatter.add.f32 [tilespmem:s31], [sflag:$0x5], $0x80, s20, s30, $0xb8;
	[tilespmem:$0x1E400] =	vst v63  }
0x109: {  	_ =	swait.ge [sflag:s13], $0x2000  }
0x10a: {  	[sflag:s13] =	ssyncset.done $0x0  }
0x10b: {  	[sflag:s13] =	ssyncadd.s32 $0xFFFFE000  }
0x10c: {  	[spmem:s2] =	stream.indirect.scatter.add.f32 [tilespmem:s0], [sflag:$0x6], $0x80, s21, s30, $0xb8;
	[tilespmem:$0x1E400] =	vst v63  }
0x10d: {  	_ =	swait.ge [sflag:s15], $0x2000  }
0x10e: {  	[sflag:s15] =	ssyncset.done $0x0  }
0x10f: {  	[sflag:s15] =	ssyncadd.s32 $0xFFFFE000  }
0x110: {  	[spmem:s2] =	stream.indirect.scatter.add.f32 [tilespmem:s8], [sflag:$0x7], $0x80, s22, s30, $0xb8;
	[tilespmem:$0x1E400] =	vst v63  }
0x111: {  	_ =	swait.ge [sflag:s17], $0x2000  }
0x112: {  	[sflag:s17] =	ssyncset.done $0x0  }
0x113: {  	[sflag:s17] =	ssyncadd.s32 $0xFFFFE000  }
0x114: {  	[spmem:s2] =	stream.indirect.scatter.add.f32 [tilespmem:s10], [sflag:$0x8], $0x80, s23, s30, $0xb8;
	[tilespmem:$0x1E400] =	vst v63  }
0x115: {  	_ =	swait.ge [sflag:s12], $0x2000  }
0x116: {  	[sflag:s12] =	ssyncset.done $0x0  }
0x117: {  	[sflag:s12] =	ssyncadd.s32 $0xFFFFE000  }
0x118: {  	_ =	swait.ge [sflag:s14], $0x2000  }
0x119: {  	[sflag:s14] =	ssyncset.done $0x0  }
0x11a: {  	[sflag:s14] =	ssyncadd.s32 $0xFFFFE000  }
0x11b: {  	_ =	swait.ge [sflag:s16], $0x2000  }
0x11c: {  	[sflag:s16] =	ssyncset.done $0x0  }
0x11d: {  	[sflag:s16] =	ssyncadd.s32 $0xFFFFE000  }
0x11e: {  	_ =	swait.ge [sflag:s19], $0x2000  }
0x11f: {  	[sflag:s19] =	ssyncset.done $0x0  }
0x120: {  	s5 =	simm.s32 $0x0;
	s25 =	rddreg [dreg:$0x9];
	[sflag:s19] =	ssyncadd.s32 $0xFFFFE000  }
0x121: {  	[tilespmem:s5], [sflag:$0xA] =	stream.linear.gather [hbm4b:s25+s5], $0x1400, $0x38;
	[tilespmem:$0x1E400] =	vst v63  }
0x122: {  	_ =	swait.ge [sflag:s28], $0x1400  }
0x123: {  	[sflag:s28] =	ssyncset.done $0x0  }
0x124: {  	s26 =	rddreg [dreg:$0xa];
	[sflag:s28] =	ssyncadd.s32 $0xFFFFEC00  }
0x125: {  	[tilespmem:s29], [sflag:$0xA] =	stream.linear.gather [hbm4b:s26+s5], $0x1400, $0x38;
	[tilespmem:$0x1E400] =	vst v63  }
0x126: {  	_ =	swait.ge [sflag:s28], $0x1400  }
0x127: {  	[sflag:s28] =	ssyncset.done $0x0  }
0x128: {  	[sflag:s28] =	ssyncadd.s32 $0xFFFFEC00  }
0x129: {  	[tilespmem:s31], [sflag:$0x1] =	stream.indirect.gather [hbm4b:s4+s30], $0x80, s5, s30, $0xb8;
	[tilespmem:$0x1E400] =	vst v63  }
0x12a: {  	_ = 	snop  }
0x12b: {  	[tilespmem:s0], [sflag:$0x2] =	stream.indirect.gather [hbm4b:s4+s30], $0x80, s1, s30, $0xb8;
	[tilespmem:$0x1E400] =	vst v63  }
0x12c: {  	_ = 	snop  }
0x12d: {  	[tilespmem:s8], [sflag:$0x3] =	stream.indirect.gather [hbm4b:s4+s30], $0x80, s7, s30, $0xb8;
	[tilespmem:$0x1E400] =	vst v63  }
0x12e: {  	_ = 	snop  }
0x12f: {  	[tilespmem:s10], [sflag:$0x4] =	stream.indirect.gather [hbm4b:s4+s30], $0x80, s9, s30, $0xb8;
	[tilespmem:$0x1E400] =	vst v63  }
0x130: {  	_ =	swait.ge [sflag:s11], $0x2000  }
0x131: {  	[sflag:s11] =	ssyncset.done $0x0  }
0x132: {  	s26 =	simm.s32 $0x1400;
	[sflag:s11] =	ssyncadd.s32 $0xFFFFE000  }
0x133: {  	[spmem:s2] =	stream.indirect.scatter.add.f32 [tilespmem:s31], [sflag:$0x5], $0x80, s26, s30, $0xb8;
	[tilespmem:$0x1E400] =	vst v63  }
0x134: {  	_ =	swait.ge [sflag:s12], $0x2000  }
0x135: {  	[sflag:s12] =	ssyncset.done $0x0  }
0x136: {  	s25 =	simm.s32 $0x200;
	[sflag:s12] =	ssyncadd.s32 $0xFFFFE000  }
0x137: {  	[tilespmem:s31], [sflag:$0x1] =	stream.indirect.gather [hbm4b:s4+s30], $0x80, s25, s30, $0xb8;
	[tilespmem:$0x1E400] =	vst v63  }
0x138: {  	_ =	swait.ge [sflag:s13], $0x2000  }
0x139: {  	[sflag:s13] =	ssyncset.done $0x0  }
0x13a: {  	s26 =	simm.s32 $0x1480;
	[sflag:s13] =	ssyncadd.s32 $0xFFFFE000  }
0x13b: {  	[spmem:s2] =	stream.indirect.scatter.add.f32 [tilespmem:s0], [sflag:$0x6], $0x80, s26, s30, $0xb8;
	[tilespmem:$0x1E400] =	vst v63  }
0x13c: {  	_ =	swait.ge [sflag:s14], $0x2000  }
0x13d: {  	[sflag:s14] =	ssyncset.done $0x0  }
0x13e: {  	s25 =	simm.s32 $0x280;
	[sflag:s14] =	ssyncadd.s32 $0xFFFFE000  }
0x13f: {  	[tilespmem:s0], [sflag:$0x2] =	stream.indirect.gather [hbm4b:s4+s30], $0x80, s25, s30, $0xb8;
	[tilespmem:$0x1E400] =	vst v63  }
0x140: {  	_ =	swait.ge [sflag:s15], $0x2000  }
0x141: {  	[sflag:s15] =	ssyncset.done $0x0  }
0x142: {  	s26 =	simm.s32 $0x1500;
	[sflag:s15] =	ssyncadd.s32 $0xFFFFE000  }
0x143: {  	[spmem:s2] =	stream.indirect.scatter.add.f32 [tilespmem:s8], [sflag:$0x7], $0x80, s26, s30, $0xb8;
	[tilespmem:$0x1E400] =	vst v63  }
0x144: {  	_ =	swait.ge [sflag:s16], $0x2000  }
0x145: {  	[sflag:s16] =	ssyncset.done $0x0  }
0x146: {  	s25 =	simm.s32 $0x300;
	[sflag:s16] =	ssyncadd.s32 $0xFFFFE000  }
0x147: {  	[tilespmem:s8], [sflag:$0x3] =	stream.indirect.gather [hbm4b:s4+s30], $0x80, s25, s30, $0xb8;
	[tilespmem:$0x1E400] =	vst v63  }
0x148: {  	_ =	swait.ge [sflag:s17], $0x2000  }
0x149: {  	[sflag:s17] =	ssyncset.done $0x0  }
0x14a: {  	s26 =	simm.s32 $0x1580;
	[sflag:s17] =	ssyncadd.s32 $0xFFFFE000  }
0x14b: {  	[spmem:s2] =	stream.indirect.scatter.add.f32 [tilespmem:s10], [sflag:$0x8], $0x80, s26, s30, $0xb8;
	[tilespmem:$0x1E400] =	vst v63  }
0x14c: {  	_ =	swait.ge [sflag:s19], $0x2000  }
0x14d: {  	[sflag:s19] =	ssyncset.done $0x0  }
0x14e: {  	s25 =	simm.s32 $0x800;
	s26 =	simm.s32 $0x380;
	[sflag:s19] =	ssyncadd.s32 $0xFFFFE000  }
.LBB2_6:
0x14f: {  	[tilespmem:s10], [sflag:$0x4] =	stream.indirect.gather [hbm4b:s4+s30], $0x80, s26, s30, $0xb8;
	[tilespmem:$0x1E400] =	vst v63  }
0x150: {  	s5 =	smov.u32 s25  }
0x151: {  	p1 =	sne.s32 s25, $0x4000;
	s25 =	sadd.s32 $0x800, s25;
	_ =	swait.ge [sflag:s11], $0x2000  }
0x152: {  	s26 =	sshra.s32 s5, $0x2;
	[sflag:s11] =	ssyncset.done $0x0  }
0x153: {  	s5 =	sadd.s32 $0x1400, s26;
	[sflag:s11] =	ssyncadd.s32 $0xFFFFE000  }
0x154: {  	[spmem:s2] =	stream.indirect.scatter.add.f32 [tilespmem:s31], [sflag:$0x5], $0x80, s5, s30, $0xb8;
	[tilespmem:$0x1E400] =	vst v63  }
0x155: {  	_ =	swait.ge [sflag:s12], $0x2000  }
0x156: {  	[sflag:s12] =	ssyncset.done $0x0  }
0x157: {  	s5 =	sadd.s32 $0x200, s26;
	[sflag:s12] =	ssyncadd.s32 $0xFFFFE000  }
0x158: {  	[tilespmem:s31], [sflag:$0x1] =	stream.indirect.gather [hbm4b:s4+s30], $0x80, s5, s30, $0xb8;
	[tilespmem:$0x1E400] =	vst v63  }
0x159: {  	_ =	swait.ge [sflag:s13], $0x2000  }
0x15a: {  	[sflag:s13] =	ssyncset.done $0x0  }
0x15b: {  	s5 =	sadd.s32 $0x1480, s26;
	[sflag:s13] =	ssyncadd.s32 $0xFFFFE000  }
0x15c: {  	[spmem:s2] =	stream.indirect.scatter.add.f32 [tilespmem:s0], [sflag:$0x6], $0x80, s5, s30, $0xb8;
	[tilespmem:$0x1E400] =	vst v63  }
0x15d: {  	_ =	swait.ge [sflag:s14], $0x2000  }
0x15e: {  	[sflag:s14] =	ssyncset.done $0x0  }
0x15f: {  	s5 =	sadd.s32 $0x280, s26;
	[sflag:s14] =	ssyncadd.s32 $0xFFFFE000  }
0x160: {  	[tilespmem:s0], [sflag:$0x2] =	stream.indirect.gather [hbm4b:s4+s30], $0x80, s5, s30, $0xb8;
	[tilespmem:$0x1E400] =	vst v63  }
0x161: {  	_ =	swait.ge [sflag:s15], $0x2000  }
0x162: {  	[sflag:s15] =	ssyncset.done $0x0  }
0x163: {  	s5 =	sadd.s32 $0x1500, s26;
	[sflag:s15] =	ssyncadd.s32 $0xFFFFE000  }
0x164: {  	[spmem:s2] =	stream.indirect.scatter.add.f32 [tilespmem:s8], [sflag:$0x7], $0x80, s5, s30, $0xb8;
	[tilespmem:$0x1E400] =	vst v63  }
0x165: {  	_ =	swait.ge [sflag:s16], $0x2000  }
0x166: {  	[sflag:s16] =	ssyncset.done $0x0  }
0x167: {  	s5 =	sadd.s32 $0x300, s26;
	[sflag:s16] =	ssyncadd.s32 $0xFFFFE000  }
0x168: {  	[tilespmem:s8], [sflag:$0x3] =	stream.indirect.gather [hbm4b:s4+s30], $0x80, s5, s30, $0xb8;
	[tilespmem:$0x1E400] =	vst v63  }
0x169: {  	_ =	swait.ge [sflag:s17], $0x2000  }
0x16a: {  	[sflag:s17] =	ssyncset.done $0x0  }
.Ltmp2:
0x16b: {  	s5 =	sadd.s32 $0x1580, s26;
	[sflag:s17] =	ssyncadd.s32 $0xFFFFE000;
	(pc) =	sbr.rel @p1 .LBB2_6-.Ltmp2, $4  }
0x16c: {  	[spmem:s2] =	stream.indirect.scatter.add.f32 [tilespmem:s10], [sflag:$0x8], $0x80, s5, s30, $0xb8;
	[tilespmem:$0x1E400] =	vst v63  }
0x16d: {  	_ =	swait.ge [sflag:s19], $0x2000  }
0x16e: {  	[sflag:s19] =	ssyncset.done $0x0  }
0x16f: {  	s26 =	sadd.s32 $0x380, s26;
	[sflag:s19] =	ssyncadd.s32 $0xFFFFE000  }
0x170: {  	[tilespmem:s10], [sflag:$0x4] =	stream.indirect.gather [hbm4b:s4+s30], $0x80, s26, s30, $0xb8;
	[tilespmem:$0x1E400] =	vst v63  }
0x171: {  	_ =	swait.ge [sflag:s11], $0x2000  }
0x172: {  	[sflag:s11] =	ssyncset.done $0x0  }
0x173: {  	[sflag:s11] =	ssyncadd.s32 $0xFFFFE000  }
0x174: {  	[spmem:s2] =	stream.indirect.scatter.add.f32 [tilespmem:s31], [sflag:$0x5], $0x80, s20, s30, $0xb8;
	[tilespmem:$0x1E400] =	vst v63  }
0x175: {  	_ =	swait.ge [sflag:s13], $0x2000  }
0x176: {  	[sflag:s13] =	ssyncset.done $0x0  }
0x177: {  	[sflag:s13] =	ssyncadd.s32 $0xFFFFE000  }
0x178: {  	[spmem:s2] =	stream.indirect.scatter.add.f32 [tilespmem:s0], [sflag:$0x6], $0x80, s21, s30, $0xb8;
	[tilespmem:$0x1E400] =	vst v63  }
0x179: {  	_ =	swait.ge [sflag:s15], $0x2000  }
0x17a: {  	[sflag:s15] =	ssyncset.done $0x0  }
0x17b: {  	[sflag:s15] =	ssyncadd.s32 $0xFFFFE000  }
0x17c: {  	[spmem:s2] =	stream.indirect.scatter.add.f32 [tilespmem:s8], [sflag:$0x7], $0x80, s22, s30, $0xb8;
	[tilespmem:$0x1E400] =	vst v63  }
0x17d: {  	_ =	swait.ge [sflag:s17], $0x2000  }
0x17e: {  	[sflag:s17] =	ssyncset.done $0x0  }
0x17f: {  	[sflag:s17] =	ssyncadd.s32 $0xFFFFE000  }
0x180: {  	[spmem:s2] =	stream.indirect.scatter.add.f32 [tilespmem:s10], [sflag:$0x8], $0x80, s23, s30, $0xb8;
	[tilespmem:$0x1E400] =	vst v63  }
0x181: {  	_ =	swait.ge [sflag:s12], $0x2000  }
0x182: {  	[sflag:s12] =	ssyncset.done $0x0  }
0x183: {  	[sflag:s12] =	ssyncadd.s32 $0xFFFFE000  }
0x184: {  	_ =	swait.ge [sflag:s14], $0x2000  }
0x185: {  	[sflag:s14] =	ssyncset.done $0x0  }
0x186: {  	[sflag:s14] =	ssyncadd.s32 $0xFFFFE000  }
0x187: {  	_ =	swait.ge [sflag:s16], $0x2000  }
0x188: {  	[sflag:s16] =	ssyncset.done $0x0  }
0x189: {  	[sflag:s16] =	ssyncadd.s32 $0xFFFFE000  }
0x18a: {  	_ =	swait.ge [sflag:s19], $0x2000  }
0x18b: {  	[sflag:s19] =	ssyncset.done $0x0  }
0x18c: {  	s5 =	simm.s32 $0x0;
	s25 =	rddreg [dreg:$0xb];
	[sflag:s19] =	ssyncadd.s32 $0xFFFFE000  }
0x18d: {  	[tilespmem:s5], [sflag:$0xA] =	stream.linear.gather [hbm4b:s25+s5], $0x1400, $0x38;
	[tilespmem:$0x1E400] =	vst v63  }
0x18e: {  	_ =	swait.ge [sflag:s28], $0x1400  }
0x18f: {  	[sflag:s28] =	ssyncset.done $0x0  }
0x190: {  	s26 =	rddreg [dreg:$0xc];
	[sflag:s28] =	ssyncadd.s32 $0xFFFFEC00  }
0x191: {  	[tilespmem:s29], [sflag:$0xA] =	stream.linear.gather [hbm4b:s26+s5], $0x1400, $0x38;
	[tilespmem:$0x1E400] =	vst v63  }
0x192: {  	_ =	swait.ge [sflag:s28], $0x1400  }
0x193: {  	[sflag:s28] =	ssyncset.done $0x0  }
0x194: {  	[sflag:s28] =	ssyncadd.s32 $0xFFFFEC00  }
0x195: {  	[tilespmem:s31], [sflag:$0x1] =	stream.indirect.gather [hbm4b:s4+s30], $0x80, s5, s30, $0xb8;
	[tilespmem:$0x1E400] =	vst v63  }
0x196: {  	_ = 	snop  }
0x197: {  	[tilespmem:s0], [sflag:$0x2] =	stream.indirect.gather [hbm4b:s4+s30], $0x80, s1, s30, $0xb8;
	[tilespmem:$0x1E400] =	vst v63  }
0x198: {  	_ = 	snop  }
0x199: {  	[tilespmem:s8], [sflag:$0x3] =	stream.indirect.gather [hbm4b:s4+s30], $0x80, s7, s30, $0xb8;
	[tilespmem:$0x1E400] =	vst v63  }
0x19a: {  	_ = 	snop  }
0x19b: {  	[tilespmem:s10], [sflag:$0x4] =	stream.indirect.gather [hbm4b:s4+s30], $0x80, s9, s30, $0xb8;
	[tilespmem:$0x1E400] =	vst v63  }
0x19c: {  	_ =	swait.ge [sflag:s11], $0x2000  }
0x19d: {  	[sflag:s11] =	ssyncset.done $0x0  }
0x19e: {  	s26 =	simm.s32 $0x1400;
	[sflag:s11] =	ssyncadd.s32 $0xFFFFE000  }
0x19f: {  	[spmem:s2] =	stream.indirect.scatter.add.f32 [tilespmem:s31], [sflag:$0x5], $0x80, s26, s30, $0xb8;
	[tilespmem:$0x1E400] =	vst v63  }
0x1a0: {  	_ =	swait.ge [sflag:s12], $0x2000  }
0x1a1: {  	[sflag:s12] =	ssyncset.done $0x0  }
0x1a2: {  	s25 =	simm.s32 $0x200;
	[sflag:s12] =	ssyncadd.s32 $0xFFFFE000  }
0x1a3: {  	[tilespmem:s31], [sflag:$0x1] =	stream.indirect.gather [hbm4b:s4+s30], $0x80, s25, s30, $0xb8;
	[tilespmem:$0x1E400] =	vst v63  }
0x1a4: {  	_ =	swait.ge [sflag:s13], $0x2000  }
0x1a5: {  	[sflag:s13] =	ssyncset.done $0x0  }
0x1a6: {  	s26 =	simm.s32 $0x1480;
	[sflag:s13] =	ssyncadd.s32 $0xFFFFE000  }
0x1a7: {  	[spmem:s2] =	stream.indirect.scatter.add.f32 [tilespmem:s0], [sflag:$0x6], $0x80, s26, s30, $0xb8;
	[tilespmem:$0x1E400] =	vst v63  }
0x1a8: {  	_ =	swait.ge [sflag:s14], $0x2000  }
0x1a9: {  	[sflag:s14] =	ssyncset.done $0x0  }
0x1aa: {  	s25 =	simm.s32 $0x280;
	[sflag:s14] =	ssyncadd.s32 $0xFFFFE000  }
0x1ab: {  	[tilespmem:s0], [sflag:$0x2] =	stream.indirect.gather [hbm4b:s4+s30], $0x80, s25, s30, $0xb8;
	[tilespmem:$0x1E400] =	vst v63  }
0x1ac: {  	_ =	swait.ge [sflag:s15], $0x2000  }
0x1ad: {  	[sflag:s15] =	ssyncset.done $0x0  }
0x1ae: {  	s26 =	simm.s32 $0x1500;
	[sflag:s15] =	ssyncadd.s32 $0xFFFFE000  }
0x1af: {  	[spmem:s2] =	stream.indirect.scatter.add.f32 [tilespmem:s8], [sflag:$0x7], $0x80, s26, s30, $0xb8;
	[tilespmem:$0x1E400] =	vst v63  }
0x1b0: {  	_ =	swait.ge [sflag:s16], $0x2000  }
0x1b1: {  	[sflag:s16] =	ssyncset.done $0x0  }
0x1b2: {  	s25 =	simm.s32 $0x300;
	[sflag:s16] =	ssyncadd.s32 $0xFFFFE000  }
0x1b3: {  	[tilespmem:s8], [sflag:$0x3] =	stream.indirect.gather [hbm4b:s4+s30], $0x80, s25, s30, $0xb8;
	[tilespmem:$0x1E400] =	vst v63  }
0x1b4: {  	_ =	swait.ge [sflag:s17], $0x2000  }
0x1b5: {  	[sflag:s17] =	ssyncset.done $0x0  }
0x1b6: {  	s26 =	simm.s32 $0x1580;
	[sflag:s17] =	ssyncadd.s32 $0xFFFFE000  }
0x1b7: {  	[spmem:s2] =	stream.indirect.scatter.add.f32 [tilespmem:s10], [sflag:$0x8], $0x80, s26, s30, $0xb8;
	[tilespmem:$0x1E400] =	vst v63  }
0x1b8: {  	_ =	swait.ge [sflag:s19], $0x2000  }
0x1b9: {  	[sflag:s19] =	ssyncset.done $0x0  }
0x1ba: {  	s25 =	simm.s32 $0x800;
	s26 =	simm.s32 $0x380;
	[sflag:s19] =	ssyncadd.s32 $0xFFFFE000  }
.LBB2_8:
0x1bb: {  	[tilespmem:s10], [sflag:$0x4] =	stream.indirect.gather [hbm4b:s4+s30], $0x80, s26, s30, $0xb8;
	[tilespmem:$0x1E400] =	vst v63  }
0x1bc: {  	s5 =	smov.u32 s25  }
0x1bd: {  	p1 =	sne.s32 s25, $0x4000;
	s25 =	sadd.s32 $0x800, s25;
	_ =	swait.ge [sflag:s11], $0x2000  }
0x1be: {  	s26 =	sshra.s32 s5, $0x2;
	[sflag:s11] =	ssyncset.done $0x0  }
0x1bf: {  	s5 =	sadd.s32 $0x1400, s26;
	[sflag:s11] =	ssyncadd.s32 $0xFFFFE000  }
0x1c0: {  	[spmem:s2] =	stream.indirect.scatter.add.f32 [tilespmem:s31], [sflag:$0x5], $0x80, s5, s30, $0xb8;
	[tilespmem:$0x1E400] =	vst v63  }
0x1c1: {  	_ =	swait.ge [sflag:s12], $0x2000  }
0x1c2: {  	[sflag:s12] =	ssyncset.done $0x0  }
0x1c3: {  	s5 =	sadd.s32 $0x200, s26;
	[sflag:s12] =	ssyncadd.s32 $0xFFFFE000  }
0x1c4: {  	[tilespmem:s31], [sflag:$0x1] =	stream.indirect.gather [hbm4b:s4+s30], $0x80, s5, s30, $0xb8;
	[tilespmem:$0x1E400] =	vst v63  }
0x1c5: {  	_ =	swait.ge [sflag:s13], $0x2000  }
0x1c6: {  	[sflag:s13] =	ssyncset.done $0x0  }
0x1c7: {  	s5 =	sadd.s32 $0x1480, s26;
	[sflag:s13] =	ssyncadd.s32 $0xFFFFE000  }
0x1c8: {  	[spmem:s2] =	stream.indirect.scatter.add.f32 [tilespmem:s0], [sflag:$0x6], $0x80, s5, s30, $0xb8;
	[tilespmem:$0x1E400] =	vst v63  }
0x1c9: {  	_ =	swait.ge [sflag:s14], $0x2000  }
0x1ca: {  	[sflag:s14] =	ssyncset.done $0x0  }
0x1cb: {  	s5 =	sadd.s32 $0x280, s26;
	[sflag:s14] =	ssyncadd.s32 $0xFFFFE000  }
0x1cc: {  	[tilespmem:s0], [sflag:$0x2] =	stream.indirect.gather [hbm4b:s4+s30], $0x80, s5, s30, $0xb8;
	[tilespmem:$0x1E400] =	vst v63  }
0x1cd: {  	_ =	swait.ge [sflag:s15], $0x2000  }
0x1ce: {  	[sflag:s15] =	ssyncset.done $0x0  }
0x1cf: {  	s5 =	sadd.s32 $0x1500, s26;
	[sflag:s15] =	ssyncadd.s32 $0xFFFFE000  }
0x1d0: {  	[spmem:s2] =	stream.indirect.scatter.add.f32 [tilespmem:s8], [sflag:$0x7], $0x80, s5, s30, $0xb8;
	[tilespmem:$0x1E400] =	vst v63  }
0x1d1: {  	_ =	swait.ge [sflag:s16], $0x2000  }
0x1d2: {  	[sflag:s16] =	ssyncset.done $0x0  }
0x1d3: {  	s5 =	sadd.s32 $0x300, s26;
	[sflag:s16] =	ssyncadd.s32 $0xFFFFE000  }
0x1d4: {  	[tilespmem:s8], [sflag:$0x3] =	stream.indirect.gather [hbm4b:s4+s30], $0x80, s5, s30, $0xb8;
	[tilespmem:$0x1E400] =	vst v63  }
0x1d5: {  	_ =	swait.ge [sflag:s17], $0x2000  }
0x1d6: {  	[sflag:s17] =	ssyncset.done $0x0  }
.Ltmp3:
0x1d7: {  	s5 =	sadd.s32 $0x1580, s26;
	[sflag:s17] =	ssyncadd.s32 $0xFFFFE000;
	(pc) =	sbr.rel @p1 .LBB2_8-.Ltmp3, $4  }
0x1d8: {  	[spmem:s2] =	stream.indirect.scatter.add.f32 [tilespmem:s10], [sflag:$0x8], $0x80, s5, s30, $0xb8;
	[tilespmem:$0x1E400] =	vst v63  }
0x1d9: {  	_ =	swait.ge [sflag:s19], $0x2000  }
0x1da: {  	[sflag:s19] =	ssyncset.done $0x0  }
0x1db: {  	s26 =	sadd.s32 $0x380, s26;
	[sflag:s19] =	ssyncadd.s32 $0xFFFFE000  }
0x1dc: {  	[tilespmem:s10], [sflag:$0x4] =	stream.indirect.gather [hbm4b:s4+s30], $0x80, s26, s30, $0xb8;
	[tilespmem:$0x1E400] =	vst v63  }
0x1dd: {  	_ =	swait.ge [sflag:s11], $0x2000  }
0x1de: {  	[sflag:s11] =	ssyncset.done $0x0  }
0x1df: {  	[sflag:s11] =	ssyncadd.s32 $0xFFFFE000  }
0x1e0: {  	[spmem:s2] =	stream.indirect.scatter.add.f32 [tilespmem:s31], [sflag:$0x5], $0x80, s20, s30, $0xb8;
	[tilespmem:$0x1E400] =	vst v63  }
0x1e1: {  	_ =	swait.ge [sflag:s13], $0x2000  }
0x1e2: {  	[sflag:s13] =	ssyncset.done $0x0  }
0x1e3: {  	[sflag:s13] =	ssyncadd.s32 $0xFFFFE000  }
0x1e4: {  	[spmem:s2] =	stream.indirect.scatter.add.f32 [tilespmem:s0], [sflag:$0x6], $0x80, s21, s30, $0xb8;
	[tilespmem:$0x1E400] =	vst v63  }
0x1e5: {  	_ =	swait.ge [sflag:s15], $0x2000  }
0x1e6: {  	[sflag:s15] =	ssyncset.done $0x0  }
0x1e7: {  	[sflag:s15] =	ssyncadd.s32 $0xFFFFE000  }
0x1e8: {  	[spmem:s2] =	stream.indirect.scatter.add.f32 [tilespmem:s8], [sflag:$0x7], $0x80, s22, s30, $0xb8;
	[tilespmem:$0x1E400] =	vst v63  }
0x1e9: {  	_ =	swait.ge [sflag:s17], $0x2000  }
0x1ea: {  	[sflag:s17] =	ssyncset.done $0x0  }
0x1eb: {  	[sflag:s17] =	ssyncadd.s32 $0xFFFFE000  }
0x1ec: {  	[spmem:s2] =	stream.indirect.scatter.add.f32 [tilespmem:s10], [sflag:$0x8], $0x80, s23, s30, $0xb8;
	[tilespmem:$0x1E400] =	vst v63  }
0x1ed: {  	_ =	swait.ge [sflag:s12], $0x2000  }
0x1ee: {  	[sflag:s12] =	ssyncset.done $0x0  }
0x1ef: {  	[sflag:s12] =	ssyncadd.s32 $0xFFFFE000  }
0x1f0: {  	_ =	swait.ge [sflag:s14], $0x2000  }
0x1f1: {  	[sflag:s14] =	ssyncset.done $0x0  }
0x1f2: {  	[sflag:s14] =	ssyncadd.s32 $0xFFFFE000  }
0x1f3: {  	_ =	swait.ge [sflag:s16], $0x2000  }
0x1f4: {  	[sflag:s16] =	ssyncset.done $0x0  }
0x1f5: {  	[sflag:s16] =	ssyncadd.s32 $0xFFFFE000  }
0x1f6: {  	_ =	swait.ge [sflag:s19], $0x2000  }
0x1f7: {  	[sflag:s19] =	ssyncset.done $0x0  }
0x1f8: {  	[sflag:s19] =	ssyncadd.s32 $0xFFFFE000  }
0x1f9: {  	s5 =	stileid.u32;
	[bflag:$0x0] =	sbarrier.arrive $0xFFFF  }
0x1fa: {  	s5 =	sshll.u32 s5, $0x6;
	s25 =	rddreg [dreg:$0x3]  }
0x1fb: {  	s5 =	sor.u32 $0x1C0A, s5;
	s26 =	rddreg [dreg:$0xd];
	s25 =	sshrl.u32 s25, $0x3  }
0x1fc: {  	[hbm:s26], [sflag:s5] =	dma.local [spmem:s25], $0x2780  }
0x1fd: {  	_ =	swait.ge [sflag:s28], $0x2780  }
0x1fe: {  	s24 =	sadd.s32 $0x1, s24;
	s26 =	rddreg [dreg:$0xe]  }
0x1ff: {  	p1 =	sne.s32 s24, s26  }
.Ltmp4:
0x200: {  	_ = 	snop;
	(pc) =	sbr.rel @p1 .LBB2_1-.Ltmp4, $3  }
0x201: {  	_ =	sdelay $0x1  }
0x202: {  	[sflag:s28] =	ssyncset.done $0x0  }
0x203: {  	[sflag:s28] =	ssyncadd.s32 $0xFFFFD880  }
0x204: {  	_ =	sfence.sel $0x180000  }
0x205: {  	[bflag:$0x0] =	sbarrier.arrive $0xFFFF  }
0x206: {  	_ =	strace $0x9000004A  }
0x207: {  	s0 =	stileid.u32;
	[bflag:$0x2] =	sbarrier.arrive $0xFFFF  }
0x208: {  	p0 =	sne.s32 s0, $0x0;
	s0 =	rddreg [dreg:$0x2]  }
0x209: {  	s0 =	sadd.s32 @!p0 $0x100000, s0  }
0x20a: {  	[sflag:s0] =	ssyncadd.tile.s32 @!p0 $0x1;
	_ =	shalt  }
.Lfunc_end2:
_tile_overlayer_lowered:
.L_overlay_start_2:
0x20b: {  	(tag) =	ssettag $0x2  }
0x20c: {  	s0 =	rddreg [dreg:$0x0];
	s2 =	stileid.u32  }
0x20d: {  	s1 =	rddreg [dreg:$0x1];
	p0 =	sne.s32 s2, $0x0  }
0x20e: {  	s3 =	rddreg [dreg:$0x2];
	[bflag:$0x3] =	sbarrier.arrive $0xFFFF;
	s2 =	simm.s32 @!p0 $0x1C0A  }
0x20f: {  	[timem:s3], [sflag:s2] =	dma.local @!p0 [hbm:s0], s1  }
0x210: {  	s0 =	simm.s32 @!p0 $0xA  }
0x211: {  	_ =	swait.ge @!p0 [sflag:s0], s1  }
0x212: {  	s1 =	ssub.s32 @!p0 $0x0, s1;
	[sflag:s0] =	ssyncset.done @!p0 $0x0  }
0x213: {  	[sflag:s0] =	ssyncadd.s32 @!p0 s1  }
0x214: {  	[bflag:$0x3] =	sbarrier.arrive $0xFFFF  }
0x215: {  	_ =	shalt  }

</sc_bundles>
